<compile_context>
chip_gen: v7x
topology: tpu7x:2x2x1
jax: 0.10.2.dev20260603
libtpu: 0.0.44.dev20260713+nightly
codegen_flags: <defaults>
</compile_context>

<pallas_src>
import functools

import jax
import jax.numpy as jnp
from jax import lax
from jax.experimental import pallas as pl
from jax.experimental.pallas import tpu as pltpu
from jax.experimental.pallas import tpu_sc as plsc

N = 10000
E = 320000
D = 128
NC = 2
NS = 16
NW = NC * NS
EPW = E // NW
CHUNK_A = 80
CHUNK_B = 125
RPT = 624
TAIL = N - RPT * NS
ZROWS = 24
CW = 16


def _fill2d(ref, nrows, ncols, value):
    vec = jnp.full((16,), value, jnp.float32)

    def row(r, _):
        def col(c, _2):
            ref[r, pl.ds(c * 16, 16)] = vec
            return 0
        return lax.fori_loop(0, ncols // 16, col, 0)
    lax.fori_loop(0, nrows, row, 0)


def _make_sc_agg(with_counts, CHUNK, NB):
    NCHUNK = EPW // CHUNK
    mesh = plsc.VectorSubcoreMesh(core_axis_name="c", subcore_axis_name="s")
    out_type = [jax.ShapeDtypeStruct((NC, N, D), jnp.float32)]
    scratch = [
        pltpu.VMEM_SHARED((N, D), jnp.float32),
        pltpu.VMEM((NCHUNK, CHUNK), jnp.int32),
    ]
    scratch += [pltpu.VMEM((CHUNK,), jnp.int32) for _ in range(NB)]
    scratch += [pltpu.VMEM((CHUNK, D), jnp.float32) for _ in range(NB)]
    scratch += [pltpu.SemaphoreType.DMA for _ in range(3 * NB)]
    if with_counts:
        out_type.append(jax.ShapeDtypeStruct((NC, N, CW), jnp.float32))
        scratch += [
            pltpu.VMEM_SHARED((N, CW), jnp.float32),
            pltpu.VMEM((CHUNK, CW), jnp.float32),
        ]
        scratch += [pltpu.SemaphoreType.DMA for _ in range(NB)]

    @functools.partial(pl.kernel, mesh=mesh, out_type=tuple(out_type),
                       scratch_types=tuple(scratch),
                       compiler_params=pltpu.CompilerParams(
                           use_tc_tiling_on_sc=False))
    def k(x_hbm, src_hbm, dst_hbm, *refs):
        it = iter(refs)
        agg_out = next(it)
        cnt_out = next(it) if with_counts else None
        agg_sh = next(it)
        didx = next(it)
        six = tuple(next(it) for _ in range(NB))
        rows = tuple(next(it) for _ in range(NB))
        sg = tuple(next(it) for _ in range(NB))
        ss = tuple(next(it) for _ in range(NB))
        si = tuple(next(it) for _ in range(NB))
        if with_counts:
            cnt_sh = next(it)
            ones = next(it)
            sc = tuple(next(it) for _ in range(NB))
        cid = lax.axis_index("c")
        sid = lax.axis_index("s")
        wid = cid * NS + sid
        is_last = sid == NS - 1
        brow = wid * NCHUNK

        pltpu.async_copy(dst_hbm.at[pl.ds(brow, NCHUNK)], didx, si[0])
        pltpu.sync_copy(src_hbm.at[brow], six[0])
        pltpu.async_copy(x_hbm.at[six[0]], rows[0], sg[0])
        pltpu.async_copy(src_hbm.at[brow + 1], six[1], si[1])

        _fill2d(rows[1], CHUNK, D, 0.0)
        for j in range(RPT // CHUNK):
            pltpu.sync_copy(rows[1], agg_sh.at[pl.ds(sid * RPT + j * CHUNK, CHUNK)])
        rem = RPT - (RPT // CHUNK) * CHUNK
        pltpu.sync_copy(rows[1].at[pl.ds(0, rem)],
                        agg_sh.at[pl.ds(sid * RPT + RPT - rem, rem)])

        @pl.when(is_last)
        def _():
            pltpu.sync_copy(rows[1].at[pl.ds(0, TAIL)],
                            agg_sh.at[pl.ds(NS * RPT, TAIL)])
        if with_counts:
            _fill2d(ones, CHUNK, CW, 0.0)
            for j in range(RPT // CHUNK):
                pltpu.sync_copy(ones, cnt_sh.at[pl.ds(sid * RPT + j * CHUNK, CHUNK)])
            pltpu.sync_copy(ones.at[pl.ds(0, rem)],
                            cnt_sh.at[pl.ds(sid * RPT + RPT - rem, rem)])

            @pl.when(is_last)
            def _():
                pltpu.sync_copy(ones.at[pl.ds(0, TAIL)],
                                cnt_sh.at[pl.ds(NS * RPT, TAIL)])
            _fill2d(ones, CHUNK, CW, 1.0)
        pltpu.make_async_copy(dst_hbm.at[pl.ds(brow, NCHUNK)], didx,
                              si[0]).wait()
        plsc.subcore_barrier()

        def chunk(i, _):
            def piece(b):
                b1 = (b + 1) % NB
                b2 = (b + 2) % NB
                pltpu.make_async_copy(x_hbm.at[six[b]], rows[b], sg[b]).wait()
                nxt = jnp.minimum(i + 2, NCHUNK - 1)
                pltpu.async_copy(src_hbm.at[brow + nxt], six[b2], si[b2])
                pltpu.async_copy(rows[b], agg_sh.at[didx.at[i]], ss[b],
                                 add=True)
                if with_counts:
                    pltpu.async_copy(ones, cnt_sh.at[didx.at[i]], sc[b],
                                     add=True)

                @pl.when(i >= NB - 1)
                def _():
                    pltpu.make_async_copy(rows[b1], agg_sh.at[didx.at[i]],
                                          ss[b1]).wait()
                    if with_counts:
                        pltpu.make_async_copy(ones, cnt_sh.at[didx.at[i]],
                                              sc[b1]).wait()
                pltpu.make_async_copy(src_hbm.at[brow], six[b1], si[b1]).wait()
                pltpu.async_copy(x_hbm.at[six[b1]], rows[b1], sg[b1])

            lax.switch(lax.rem(i, NB),
                       [functools.partial(piece, b) for b in range(NB)])
            return 0
        lax.fori_loop(0, NCHUNK - 1, chunk, 0)

        lbl = (NCHUNK - 1) % NB
        pltpu.make_async_copy(x_hbm.at[six[lbl]], rows[lbl], sg[lbl]).wait()
        pltpu.async_copy(rows[lbl], agg_sh.at[didx.at[NCHUNK - 1]], ss[lbl],
                         add=True)
        if with_counts:
            pltpu.async_copy(ones, cnt_sh.at[didx.at[NCHUNK - 1]], sc[lbl],
                             add=True)
        for kq in range(NB):
            bq = (NCHUNK - 1 - kq) % NB
            pltpu.make_async_copy(rows[bq], agg_sh.at[didx.at[0]],
                                  ss[bq]).wait()
            if with_counts:
                pltpu.make_async_copy(ones, cnt_sh.at[didx.at[0]],
                                      sc[bq]).wait()
        pltpu.make_async_copy(src_hbm.at[brow], six[NCHUNK % NB],
                              si[NCHUNK % NB]).wait()

        plsc.subcore_barrier()

        r0 = sid * RPT
        pltpu.sync_copy(agg_sh.at[pl.ds(r0, RPT)],
                        agg_out.at[cid, pl.ds(r0, RPT)])

        @pl.when(is_last)
        def _():
            pltpu.sync_copy(agg_sh.at[pl.ds(NS * RPT, TAIL)],
                            agg_out.at[cid, pl.ds(NS * RPT, TAIL)])
        if with_counts:
            pltpu.sync_copy(cnt_sh.at[pl.ds(r0, RPT)],
                            cnt_out.at[cid, pl.ds(r0, RPT)])

            @pl.when(is_last)
            def _():
                pltpu.sync_copy(cnt_sh.at[pl.ds(NS * RPT, TAIL)],
                                cnt_out.at[cid, pl.ds(NS * RPT, TAIL)])

    return k


_sc_agg_cnt = _make_sc_agg(True, CHUNK_A, 2)
_sc_agg = _make_sc_agg(False, CHUNK_B, 2)

_RB = 1000


def _tc_body(agg_ref, cnt_ref, x_ref, wl_ref, wr_ref, b_ref, o_ref):
    agg = agg_ref[0] + agg_ref[1]
    cnt = cnt_ref[0, :, 0:1] + cnt_ref[1, :, 0:1]
    m = agg / jnp.maximum(cnt, 1.0)
    h = lax.dot_general(m, wl_ref[...], (((1,), (1,)), ((), ())),
                        preferred_element_type=jnp.float32)
    h += lax.dot_general(x_ref[...], wr_ref[...], (((1,), (1,)), ((), ())),
                         preferred_element_type=jnp.float32)
    h += b_ref[...]
    o_ref[...] = jnp.maximum(h, 0.0)


def _tc_body_final(agg_ref, cnt_ref, x_ref, wl_ref, wr_ref, b_ref,
                   wlin_ref, blin_ref, o_ref):
    agg = agg_ref[0] + agg_ref[1]
    cnt = cnt_ref[0, :, 0:1] + cnt_ref[1, :, 0:1]
    m = agg / jnp.maximum(cnt, 1.0)
    h = lax.dot_general(m, wl_ref[...], (((1,), (1,)), ((), ())),
                        preferred_element_type=jnp.float32)
    h += lax.dot_general(x_ref[...], wr_ref[...], (((1,), (1,)), ((), ())),
                         preferred_element_type=jnp.float32)
    h += b_ref[...]
    h = jnp.maximum(h, 0.0)
    o_ref[...] = lax.dot_general(h, wlin_ref[...], (((1,), (1,)), ((), ())),
                                 preferred_element_type=jnp.float32) + blin_ref[...]


def _tc_layer(aggp, cntp, x, Wl, Wr, b, Wlin=None, blin=None):
    final = Wlin is not None
    in_specs = [
        pl.BlockSpec((NC, _RB, D), lambda i: (0, i, 0)),
        pl.BlockSpec((NC, _RB, CW), lambda i: (0, i, 0)),
        pl.BlockSpec((_RB, D), lambda i: (i, 0)),
        pl.BlockSpec((D, D), lambda i: (0, 0)),
        pl.BlockSpec((D, D), lambda i: (0, 0)),
        pl.BlockSpec((1, D), lambda i: (0, 0)),
    ]
    args = [aggp, cntp, x, Wl, Wr, b.reshape(1, D)]
    if final:
        in_specs += [pl.BlockSpec((D, D), lambda i: (0, 0)),
                     pl.BlockSpec((1, D), lambda i: (0, 0))]
        args += [Wlin, blin.reshape(1, D)]
    return pl.pallas_call(
        _tc_body_final if final else _tc_body,
        grid=(N // _RB,),
        in_specs=in_specs,
        out_specs=pl.BlockSpec((_RB, D), lambda i: (i, 0)),
        out_shape=jax.ShapeDtypeStruct((N, D), jnp.float32),
    )(*args)


def kernel(x, edge_index, W1l, W1r, b1, W2l, W2r, b2, W3l, W3r, b3,
           Wlin, blin):
    src_a = edge_index[0].reshape(E // CHUNK_A, CHUNK_A)
    dst_a = edge_index[1].reshape(E // CHUNK_A, CHUNK_A)
    src_b = edge_index[0].reshape(E // CHUNK_B, CHUNK_B)
    dst_b = edge_index[1].reshape(E // CHUNK_B, CHUNK_B)
    aggp, cntp = _sc_agg_cnt(x, src_a, dst_a)
    h1 = _tc_layer(aggp, cntp, x, W1l, W1r, b1)
    (aggp2,) = _sc_agg(h1, src_b, dst_b)
    h2 = _tc_layer(aggp2, cntp, h1, W2l, W2r, b2)
    (aggp3,) = _sc_agg(h2, src_b, dst_b)
    out = _tc_layer(aggp3, cntp, h2, W3l, W3r, b3, Wlin, blin)
    return out

# --- scband reference (transcript-rebuilt; emitter-appended) ---
"""Pipeline reference for scband-gnn-55783035240818 (READ-ONLY COPY).

The authoritative reference and input builder live on the scoring server;
editing this copy changes nothing except your own understanding.
"""

import jax, jax.numpy as jnp
import numpy as np

N = 10000
E = 320000
D = 128
H = 128
O = 128

def setup_inputs(seed: int = 0):
    key = jax.random.key(seed)
    ks = jax.random.split(key, 16)
    x = jax.random.normal(ks[0], (N, D), dtype=jnp.float32)
    edge_index = jax.random.randint(ks[1], (2, E), 0, N, dtype=jnp.int32)
    s = 0.05
    W1l = jax.random.normal(ks[2], (H, D), dtype=jnp.float32) * s
    W1r = jax.random.normal(ks[3], (H, D), dtype=jnp.float32) * s
    b1 = jnp.zeros((H,), dtype=jnp.float32)
    W2l = jax.random.normal(ks[4], (H, H), dtype=jnp.float32) * s
    W2r = jax.random.normal(ks[5], (H, H), dtype=jnp.float32) * s
    b2 = jnp.zeros((H,), dtype=jnp.float32)
    W3l = jax.random.normal(ks[6], (H, H), dtype=jnp.float32) * s
    W3r = jax.random.normal(ks[7], (H, H), dtype=jnp.float32) * s
    b3 = jnp.zeros((H,), dtype=jnp.float32)
    Wlin = jax.random.normal(ks[8], (O, H), dtype=jnp.float32) * s
    blin = jnp.zeros((O,), dtype=jnp.float32)
    return {"x": x, "edge_index": edge_index, "W1l": W1l, "W1r": W1r, "b1": b1,
            "W2l": W2l, "W2r": W2r, "b2": b2, "W3l": W3l, "W3r": W3r, "b3": b3,
            "Wlin": Wlin, "blin": blin}

def _sage_conv(x, src, dst, Wl, Wr, b):
    # SAGEConv with mean aggregation: out = lin_l(mean_agg(x_src -> dst)) + lin_r(x)
    msg = x[src]
    agg = jax.ops.segment_sum(msg, dst, num_segments=N)
    cnt = jax.ops.segment_sum(jnp.ones((src.shape[0],), jnp.float32), dst, num_segments=N)
    agg = agg / jnp.clip(cnt, 1.0)[:, None]
    return agg @ Wl.T + x @ Wr.T + b

def reference(x, edge_index, W1l, W1r, b1, W2l, W2r, b2, W3l, W3r, b3, Wlin, blin):
    src = edge_index[0]
    dst = edge_index[1]
    h = _sage_conv(x, src, dst, W1l, W1r, b1)
    h = jax.nn.relu(h)
    h = _sage_conv(h, src, dst, W2l, W2r, b2)
    h = jax.nn.relu(h)
    h = _sage_conv(h, src, dst, W3l, W3r, b3)
    h = jax.nn.relu(h)
    out = h @ Wlin.T + blin
    return out

if __name__ == "__main__":
    import jax
    _d = setup_inputs()
    print(jax.jit(kernel)(*tuple(_d.values())))

</pallas_src>

<mosaic_0001>
#map = affine_map<(d0, d1) -> (0, 0)>
#map1 = affine_map<(d0, d1) -> (0, 0, 0)>
module attributes {stable_mosaic.version = 14 : i64} {
  func.func @k(%arg0: i32, %arg1: i32, %arg2: memref<10000x128xf32, #tpu.memory_space<hbm>>, %arg3: memref<4000x80xi32, #tpu.memory_space<hbm>>, %arg4: memref<4000x80xi32, #tpu.memory_space<hbm>>, %arg5: memref<2x10000x128xf32, #tpu.memory_space<hbm>>, %arg6: memref<2x10000x16xf32, #tpu.memory_space<hbm>>, %arg7: memref<10000x128xf32, #tpu.memory_space<vmem_shared>>, %arg8: memref<125x80xi32, #tpu.memory_space<vmem>>, %arg9: memref<80xi32, #tpu.memory_space<vmem>>, %arg10: memref<80xi32, #tpu.memory_space<vmem>>, %arg11: memref<80x128xf32, #tpu.memory_space<vmem>>, %arg12: memref<80x128xf32, #tpu.memory_space<vmem>>, %arg13: memref<!tpu.dma_semaphore, #tpu.memory_space<semaphore_mem>>, %arg14: memref<!tpu.dma_semaphore, #tpu.memory_space<semaphore_mem>>, %arg15: memref<!tpu.dma_semaphore, #tpu.memory_space<semaphore_mem>>, %arg16: memref<!tpu.dma_semaphore, #tpu.memory_space<semaphore_mem>>, %arg17: memref<!tpu.dma_semaphore, #tpu.memory_space<semaphore_mem>>, %arg18: memref<!tpu.dma_semaphore, #tpu.memory_space<semaphore_mem>>, %arg19: memref<10000x16xf32, #tpu.memory_space<vmem_shared>>, %arg20: memref<80x16xf32, #tpu.memory_space<vmem>>, %arg21: memref<!tpu.dma_semaphore, #tpu.memory_space<semaphore_mem>>, %arg22: memref<!tpu.dma_semaphore, #tpu.memory_space<semaphore_mem>>) attributes {dimension_semantics = [#tpu.dimension_semantics<core_parallel>, #tpu.dimension_semantics<subcore_parallel>], iteration_bounds = array<i64: 2, 16>, scalar_prefetch = 0 : i64, scratch_operands = 16 : i64, tpu.core_type = #tpu.core_type<sc_vector_subcore>, window_params = [{transform_indices = #map}, {transform_indices = #map}, {transform_indices = #map}, {transform_indices = #map1}, {transform_indices = #map1}]} {
    %mul3A = arith.constant 16 : i32
    %mul3A_0 = arith.muli %arg0, %mul3A : i32
    %add3A = arith.addi %mul3A_0, %arg1 : i32
    %eq3A = arith.constant 15 : i32
    %eq3A_1 = arith.cmpi eq, %arg1, %eq3A : i32
    %mul3A_2 = arith.constant 125 : i32
    %mul3A_3 = arith.muli %add3A, %mul3A_2 : i32
    %dma_start3A = arith.constant 0 : i32
    %dma_start3A_4 = tpu.memref_slice %arg4[%mul3A_3, %dma_start3A] : memref<4000x80xi32, #tpu.memory_space<hbm>> -> memref<125x80xi32, #tpu.memory_space<hbm>>
    %dma_start3A_5 = arith.constant 0 : i32
    %dma_start3A_6 = tpu.memref_slice %arg4[%mul3A_3, %dma_start3A_5] : memref<4000x80xi32, #tpu.memory_space<hbm>> -> memref<125x80xi32, #tpu.memory_space<hbm>>
    tpu.enqueue_dma source(%dma_start3A_6 : memref<125x80xi32, #tpu.memory_space<hbm>>) target(%arg8 : memref<125x80xi32, #tpu.memory_space<vmem>>) target_semaphore(%arg17 : memref<!tpu.dma_semaphore, #tpu.memory_space<semaphore_mem>>)
    "tpu.region"() ({
      %run_scoped3A = tpu.sem_alloc : memref<!tpu.dma_semaphore, #tpu.memory_space<semaphore_mem>>
      %dma_start3A_184 = arith.constant 0 : i32
      %dma_start3A_185 = tpu.memref_slice %arg3[%mul3A_3, %dma_start3A_184] : memref<4000x80xi32, #tpu.memory_space<hbm>> -> memref<1x80xi32, #tpu.memory_space<hbm>>
      %dma_start3A_186 = tpu.memref_squeeze %dma_start3A_185 : memref<1x80xi32, #tpu.memory_space<hbm>> -> memref<80xi32, #tpu.memory_space<hbm>>
      %dma_start3A_187 = arith.constant 0 : i32
      %dma_start3A_188 = tpu.memref_slice %arg3[%mul3A_3, %dma_start3A_187] : memref<4000x80xi32, #tpu.memory_space<hbm>> -> memref<1x80xi32, #tpu.memory_space<hbm>>
      %dma_start3A_189 = tpu.memref_squeeze %dma_start3A_188 : memref<1x80xi32, #tpu.memory_space<hbm>> -> memref<80xi32, #tpu.memory_space<hbm>>
      tpu.enqueue_dma source(%dma_start3A_189 : memref<80xi32, #tpu.memory_space<hbm>>) target(%arg9 : memref<80xi32, #tpu.memory_space<vmem>>) target_semaphore(%run_scoped3A : memref<!tpu.dma_semaphore, #tpu.memory_space<semaphore_mem>>)
      %dma_wait3A_190 = arith.constant 0 : i32
      %dma_wait3A_191 = tpu.memref_slice %arg3[%mul3A_3, %dma_wait3A_190] : memref<4000x80xi32, #tpu.memory_space<hbm>> -> memref<1x80xi32, #tpu.memory_space<hbm>>
      %dma_wait3A_192 = tpu.memref_squeeze %dma_wait3A_191 : memref<1x80xi32, #tpu.memory_space<hbm>> -> memref<80xi32, #tpu.memory_space<hbm>>
      %dma_wait3A_193 = arith.constant 0 : i32
      %dma_wait3A_194 = tpu.memref_slice %arg3[%mul3A_3, %dma_wait3A_193] : memref<4000x80xi32, #tpu.memory_space<hbm>> -> memref<1x80xi32, #tpu.memory_space<hbm>>
      %dma_wait3A_195 = tpu.memref_squeeze %dma_wait3A_194 : memref<1x80xi32, #tpu.memory_space<hbm>> -> memref<80xi32, #tpu.memory_space<hbm>>
      tpu.wait_dma2 semaphore(%run_scoped3A : memref<!tpu.dma_semaphore, #tpu.memory_space<semaphore_mem>>) src(%dma_wait3A_195 : memref<80xi32, #tpu.memory_space<hbm>>) dst(%arg9 : memref<80xi32, #tpu.memory_space<vmem>>)
      tpu.yield
    }) : () -> ()
    %dma_start3A_7 = arith.constant 0 : i32
    %dma_start3A_8 = arith.constant 0 : i32
    %dma_start3A_9 = tpu.memref_slice %arg2[%dma_start3A_7, %dma_start3A_8] : memref<10000x128xf32, #tpu.memory_space<hbm>> -> memref<10000x128xf32, #tpu.memory_space<hbm>>
    tpu.enqueue_indirect_dma source(%dma_start3A_9 : memref<10000x128xf32, #tpu.memory_space<hbm>>) target(%arg11 : memref<80x128xf32, #tpu.memory_space<vmem>>) offsets(%arg9 : memref<80xi32, #tpu.memory_space<vmem>>) semaphore(%arg13 : memref<!tpu.dma_semaphore, #tpu.memory_space<semaphore_mem>>)
    %add3A_10 = arith.constant 1 : i32
    %add3A_11 = arith.addi %mul3A_3, %add3A_10 : i32
    %dma_start3A_12 = arith.constant 0 : i32
    %dma_start3A_13 = tpu.memref_slice %arg3[%add3A_11, %dma_start3A_12] : memref<4000x80xi32, #tpu.memory_space<hbm>> -> memref<1x80xi32, #tpu.memory_space<hbm>>
    %dma_start3A_14 = tpu.memref_squeeze %dma_start3A_13 : memref<1x80xi32, #tpu.memory_space<hbm>> -> memref<80xi32, #tpu.memory_space<hbm>>
    %dma_start3A_15 = arith.constant 0 : i32
    %dma_start3A_16 = tpu.memref_slice %arg3[%add3A_11, %dma_start3A_15] : memref<4000x80xi32, #tpu.memory_space<hbm>> -> memref<1x80xi32, #tpu.memory_space<hbm>>
    %dma_start3A_17 = tpu.memref_squeeze %dma_start3A_16 : memref<1x80xi32, #tpu.memory_space<hbm>> -> memref<80xi32, #tpu.memory_space<hbm>>
    tpu.enqueue_dma source(%dma_start3A_17 : memref<80xi32, #tpu.memory_space<hbm>>) target(%arg10 : memref<80xi32, #tpu.memory_space<vmem>>) target_semaphore(%arg18 : memref<!tpu.dma_semaphore, #tpu.memory_space<semaphore_mem>>)
    %broadcast_in_dim3A = arith.constant 0.000000e+00 : f32
    %broadcast_in_dim3A_18 = vector.broadcast %broadcast_in_dim3A : f32 to vector<16xf32>
    %scan3A = arith.constant 0 : i32
    %scan3A_19 = arith.constant 0 : i32
    %scan3A_20 = arith.constant 80 : i32
    %scan3A_21 = arith.addi %scan3A_19, %scan3A_20 : i32
    %scan3A_22 = arith.constant 1 : i32
    %scan3A_23 = scf.for %scan3A_184 = %scan3A_19 to %scan3A_21 step %scan3A_22 iter_args(%scan3A_185 = %scan3A) -> (i32)  : i32 {
      %scan3A_186 = arith.constant 0 : i32
      %scan3A_187 = arith.constant 0 : i32
      %scan3A_188 = arith.constant 8 : i32
      %scan3A_189 = arith.addi %scan3A_187, %scan3A_188 : i32
      %scan3A_190 = arith.constant 1 : i32
      %scan3A_191 = scf.for %scan3A_193 = %scan3A_187 to %scan3A_189 step %scan3A_190 iter_args(%scan3A_194 = %scan3A_186) -> (i32)  : i32 {
        %mul3A_195 = arith.constant 16 : i32
        %mul3A_196 = arith.muli %scan3A_193, %mul3A_195 : i32
        %swap3A = arith.index_cast %scan3A_184 : i32 to index
        %swap3A_197 = arith.index_cast %mul3A_196 : i32 to index
        %swap3A_198 = tpu.vector_load %arg12[%swap3A, %swap3A_197] {strides = array<i32>} : memref<80x128xf32, #tpu.memory_space<vmem>>, vector<1x16xf32>,
        %swap3A_199 = vector.shape_cast %swap3A_198 : vector<1x16xf32> to vector<16xf32>
        %swap3A_200 = vector.shape_cast %broadcast_in_dim3A_18 : vector<16xf32> to vector<1x16xf32>
        tpu.vector_store %arg12[%swap3A, %swap3A_197], %swap3A_200 {strides = array<i32>} : memref<80x128xf32, #tpu.memory_space<vmem>>, vector<1x16xf32>,
        %scan3A_201 = arith.constant 0 : i32
        scf.yield %scan3A_201 : i32
      }
      %scan3A_192 = arith.constant 8 : i32
      scf.yield %scan3A_191 : i32
    }
    %scan3A_24 = arith.constant 80 : i32
    %mul3A_25 = arith.constant 624 : i32
    %mul3A_26 = arith.muli %arg1, %mul3A_25 : i32
    %add3A_27 = arith.constant 0 : i32
    %add3A_28 = arith.addi %mul3A_26, %add3A_27 : i32
    "tpu.region"() ({
      %run_scoped3A = tpu.sem_alloc : memref<!tpu.dma_semaphore, #tpu.memory_space<semaphore_mem>>
      %dma_start3A_184 = arith.constant 0 : i32
      %dma_start3A_185 = tpu.memref_slice %arg7[%add3A_28, %dma_start3A_184] : memref<10000x128xf32, #tpu.memory_space<vmem_shared>> -> memref<80x128xf32, #tpu.memory_space<vmem_shared>>
      %dma_start3A_186 = arith.constant 0 : i32
      %dma_start3A_187 = tpu.memref_slice %arg7[%add3A_28, %dma_start3A_186] : memref<10000x128xf32, #tpu.memory_space<vmem_shared>> -> memref<80x128xf32, #tpu.memory_space<vmem_shared>>
      tpu.enqueue_dma source(%arg12 : memref<80x128xf32, #tpu.memory_space<vmem>>) target(%dma_start3A_187 : memref<80x128xf32, #tpu.memory_space<vmem_shared>>) target_semaphore(%run_scoped3A : memref<!tpu.dma_semaphore, #tpu.memory_space<semaphore_mem>>)
      %dma_wait3A_188 = arith.constant 0 : i32
      %dma_wait3A_189 = tpu.memref_slice %arg7[%add3A_28, %dma_wait3A_188] : memref<10000x128xf32, #tpu.memory_space<vmem_shared>> -> memref<80x128xf32, #tpu.memory_space<vmem_shared>>
      %dma_wait3A_190 = arith.constant 0 : i32
      %dma_wait3A_191 = tpu.memref_slice %arg7[%add3A_28, %dma_wait3A_190] : memref<10000x128xf32, #tpu.memory_space<vmem_shared>> -> memref<80x128xf32, #tpu.memory_space<vmem_shared>>
      tpu.wait_dma2 semaphore(%run_scoped3A : memref<!tpu.dma_semaphore, #tpu.memory_space<semaphore_mem>>) src(%arg12 : memref<80x128xf32, #tpu.memory_space<vmem>>) dst(%dma_wait3A_191 : memref<80x128xf32, #tpu.memory_space<vmem_shared>>)
      tpu.yield
    }) : () -> ()
    %mul3A_29 = arith.constant 624 : i32
    %mul3A_30 = arith.muli %arg1, %mul3A_29 : i32
    %add3A_31 = arith.constant 80 : i32
    %add3A_32 = arith.addi %mul3A_30, %add3A_31 : i32
    "tpu.region"() ({
      %run_scoped3A = tpu.sem_alloc : memref<!tpu.dma_semaphore, #tpu.memory_space<semaphore_mem>>
      %dma_start3A_184 = arith.constant 0 : i32
      %dma_start3A_185 = tpu.memref_slice %arg7[%add3A_32, %dma_start3A_184] : memref<10000x128xf32, #tpu.memory_space<vmem_shared>> -> memref<80x128xf32, #tpu.memory_space<vmem_shared>>
      %dma_start3A_186 = arith.constant 0 : i32
      %dma_start3A_187 = tpu.memref_slice %arg7[%add3A_32, %dma_start3A_186] : memref<10000x128xf32, #tpu.memory_space<vmem_shared>> -> memref<80x128xf32, #tpu.memory_space<vmem_shared>>
      tpu.enqueue_dma source(%arg12 : memref<80x128xf32, #tpu.memory_space<vmem>>) target(%dma_start3A_187 : memref<80x128xf32, #tpu.memory_space<vmem_shared>>) target_semaphore(%run_scoped3A : memref<!tpu.dma_semaphore, #tpu.memory_space<semaphore_mem>>)
      %dma_wait3A_188 = arith.constant 0 : i32
      %dma_wait3A_189 = tpu.memref_slice %arg7[%add3A_32, %dma_wait3A_188] : memref<10000x128xf32, #tpu.memory_space<vmem_shared>> -> memref<80x128xf32, #tpu.memory_space<vmem_shared>>
      %dma_wait3A_190 = arith.constant 0 : i32
      %dma_wait3A_191 = tpu.memref_slice %arg7[%add3A_32, %dma_wait3A_190] : memref<10000x128xf32, #tpu.memory_space<vmem_shared>> -> memref<80x128xf32, #tpu.memory_space<vmem_shared>>
      tpu.wait_dma2 semaphore(%run_scoped3A : memref<!tpu.dma_semaphore, #tpu.memory_space<semaphore_mem>>) src(%arg12 : memref<80x128xf32, #tpu.memory_space<vmem>>) dst(%dma_wait3A_191 : memref<80x128xf32, #tpu.memory_space<vmem_shared>>)
      tpu.yield
    }) : () -> ()
    %mul3A_33 = arith.constant 624 : i32
    %mul3A_34 = arith.muli %arg1, %mul3A_33 : i32
    %add3A_35 = arith.constant 160 : i32
    %add3A_36 = arith.addi %mul3A_34, %add3A_35 : i32
    "tpu.region"() ({
      %run_scoped3A = tpu.sem_alloc : memref<!tpu.dma_semaphore, #tpu.memory_space<semaphore_mem>>
      %dma_start3A_184 = arith.constant 0 : i32
      %dma_start3A_185 = tpu.memref_slice %arg7[%add3A_36, %dma_start3A_184] : memref<10000x128xf32, #tpu.memory_space<vmem_shared>> -> memref<80x128xf32, #tpu.memory_space<vmem_shared>>
      %dma_start3A_186 = arith.constant 0 : i32
      %dma_start3A_187 = tpu.memref_slice %arg7[%add3A_36, %dma_start3A_186] : memref<10000x128xf32, #tpu.memory_space<vmem_shared>> -> memref<80x128xf32, #tpu.memory_space<vmem_shared>>
      tpu.enqueue_dma source(%arg12 : memref<80x128xf32, #tpu.memory_space<vmem>>) target(%dma_start3A_187 : memref<80x128xf32, #tpu.memory_space<vmem_shared>>) target_semaphore(%run_scoped3A : memref<!tpu.dma_semaphore, #tpu.memory_space<semaphore_mem>>)
      %dma_wait3A_188 = arith.constant 0 : i32
      %dma_wait3A_189 = tpu.memref_slice %arg7[%add3A_36, %dma_wait3A_188] : memref<10000x128xf32, #tpu.memory_space<vmem_shared>> -> memref<80x128xf32, #tpu.memory_space<vmem_shared>>
      %dma_wait3A_190 = arith.constant 0 : i32
      %dma_wait3A_191 = tpu.memref_slice %arg7[%add3A_36, %dma_wait3A_190] : memref<10000x128xf32, #tpu.memory_space<vmem_shared>> -> memref<80x128xf32, #tpu.memory_space<vmem_shared>>
      tpu.wait_dma2 semaphore(%run_scoped3A : memref<!tpu.dma_semaphore, #tpu.memory_space<semaphore_mem>>) src(%arg12 : memref<80x128xf32, #tpu.memory_space<vmem>>) dst(%dma_wait3A_191 : memref<80x128xf32, #tpu.memory_space<vmem_shared>>)
      tpu.yield
    }) : () -> ()
    %mul3A_37 = arith.constant 624 : i32
    %mul3A_38 = arith.muli %arg1, %mul3A_37 : i32
    %add3A_39 = arith.constant 240 : i32
    %add3A_40 = arith.addi %mul3A_38, %add3A_39 : i32
    "tpu.region"() ({
      %run_scoped3A = tpu.sem_alloc : memref<!tpu.dma_semaphore, #tpu.memory_space<semaphore_mem>>
      %dma_start3A_184 = arith.constant 0 : i32
      %dma_start3A_185 = tpu.memref_slice %arg7[%add3A_40, %dma_start3A_184] : memref<10000x128xf32, #tpu.memory_space<vmem_shared>> -> memref<80x128xf32, #tpu.memory_space<vmem_shared>>
      %dma_start3A_186 = arith.constant 0 : i32
      %dma_start3A_187 = tpu.memref_slice %arg7[%add3A_40, %dma_start3A_186] : memref<10000x128xf32, #tpu.memory_space<vmem_shared>> -> memref<80x128xf32, #tpu.memory_space<vmem_shared>>
      tpu.enqueue_dma source(%arg12 : memref<80x128xf32, #tpu.memory_space<vmem>>) target(%dma_start3A_187 : memref<80x128xf32, #tpu.memory_space<vmem_shared>>) target_semaphore(%run_scoped3A : memref<!tpu.dma_semaphore, #tpu.memory_space<semaphore_mem>>)
      %dma_wait3A_188 = arith.constant 0 : i32
      %dma_wait3A_189 = tpu.memref_slice %arg7[%add3A_40, %dma_wait3A_188] : memref<10000x128xf32, #tpu.memory_space<vmem_shared>> -> memref<80x128xf32, #tpu.memory_space<vmem_shared>>
      %dma_wait3A_190 = arith.constant 0 : i32
      %dma_wait3A_191 = tpu.memref_slice %arg7[%add3A_40, %dma_wait3A_190] : memref<10000x128xf32, #tpu.memory_space<vmem_shared>> -> memref<80x128xf32, #tpu.memory_space<vmem_shared>>
      tpu.wait_dma2 semaphore(%run_scoped3A : memref<!tpu.dma_semaphore, #tpu.memory_space<semaphore_mem>>) src(%arg12 : memref<80x128xf32, #tpu.memory_space<vmem>>) dst(%dma_wait3A_191 : memref<80x128xf32, #tpu.memory_space<vmem_shared>>)
      tpu.yield
    }) : () -> ()
    %mul3A_41 = arith.constant 624 : i32
    %mul3A_42 = arith.muli %arg1, %mul3A_41 : i32
    %add3A_43 = arith.constant 320 : i32
    %add3A_44 = arith.addi %mul3A_42, %add3A_43 : i32
    "tpu.region"() ({
      %run_scoped3A = tpu.sem_alloc : memref<!tpu.dma_semaphore, #tpu.memory_space<semaphore_mem>>
      %dma_start3A_184 = arith.constant 0 : i32
      %dma_start3A_185 = tpu.memref_slice %arg7[%add3A_44, %dma_start3A_184] : memref<10000x128xf32, #tpu.memory_space<vmem_shared>> -> memref<80x128xf32, #tpu.memory_space<vmem_shared>>
      %dma_start3A_186 = arith.constant 0 : i32
      %dma_start3A_187 = tpu.memref_slice %arg7[%add3A_44, %dma_start3A_186] : memref<10000x128xf32, #tpu.memory_space<vmem_shared>> -> memref<80x128xf32, #tpu.memory_space<vmem_shared>>
      tpu.enqueue_dma source(%arg12 : memref<80x128xf32, #tpu.memory_space<vmem>>) target(%dma_start3A_187 : memref<80x128xf32, #tpu.memory_space<vmem_shared>>) target_semaphore(%run_scoped3A : memref<!tpu.dma_semaphore, #tpu.memory_space<semaphore_mem>>)
      %dma_wait3A_188 = arith.constant 0 : i32
      %dma_wait3A_189 = tpu.memref_slice %arg7[%add3A_44, %dma_wait3A_188] : memref<10000x128xf32, #tpu.memory_space<vmem_shared>> -> memref<80x128xf32, #tpu.memory_space<vmem_shared>>
      %dma_wait3A_190 = arith.constant 0 : i32
      %dma_wait3A_191 = tpu.memref_slice %arg7[%add3A_44, %dma_wait3A_190] : memref<10000x128xf32, #tpu.memory_space<vmem_shared>> -> memref<80x128xf32, #tpu.memory_space<vmem_shared>>
      tpu.wait_dma2 semaphore(%run_scoped3A : memref<!tpu.dma_semaphore, #tpu.memory_space<semaphore_mem>>) src(%arg12 : memref<80x128xf32, #tpu.memory_space<vmem>>) dst(%dma_wait3A_191 : memref<80x128xf32, #tpu.memory_space<vmem_shared>>)
      tpu.yield
    }) : () -> ()
    %mul3A_45 = arith.constant 624 : i32
    %mul3A_46 = arith.muli %arg1, %mul3A_45 : i32
    %add3A_47 = arith.constant 400 : i32
    %add3A_48 = arith.addi %mul3A_46, %add3A_47 : i32
    "tpu.region"() ({
      %run_scoped3A = tpu.sem_alloc : memref<!tpu.dma_semaphore, #tpu.memory_space<semaphore_mem>>
      %dma_start3A_184 = arith.constant 0 : i32
      %dma_start3A_185 = tpu.memref_slice %arg7[%add3A_48, %dma_start3A_184] : memref<10000x128xf32, #tpu.memory_space<vmem_shared>> -> memref<80x128xf32, #tpu.memory_space<vmem_shared>>
      %dma_start3A_186 = arith.constant 0 : i32
      %dma_start3A_187 = tpu.memref_slice %arg7[%add3A_48, %dma_start3A_186] : memref<10000x128xf32, #tpu.memory_space<vmem_shared>> -> memref<80x128xf32, #tpu.memory_space<vmem_shared>>
      tpu.enqueue_dma source(%arg12 : memref<80x128xf32, #tpu.memory_space<vmem>>) target(%dma_start3A_187 : memref<80x128xf32, #tpu.memory_space<vmem_shared>>) target_semaphore(%run_scoped3A : memref<!tpu.dma_semaphore, #tpu.memory_space<semaphore_mem>>)
      %dma_wait3A_188 = arith.constant 0 : i32
      %dma_wait3A_189 = tpu.memref_slice %arg7[%add3A_48, %dma_wait3A_188] : memref<10000x128xf32, #tpu.memory_space<vmem_shared>> -> memref<80x128xf32, #tpu.memory_space<vmem_shared>>
      %dma_wait3A_190 = arith.constant 0 : i32
      %dma_wait3A_191 = tpu.memref_slice %arg7[%add3A_48, %dma_wait3A_190] : memref<10000x128xf32, #tpu.memory_space<vmem_shared>> -> memref<80x128xf32, #tpu.memory_space<vmem_shared>>
      tpu.wait_dma2 semaphore(%run_scoped3A : memref<!tpu.dma_semaphore, #tpu.memory_space<semaphore_mem>>) src(%arg12 : memref<80x128xf32, #tpu.memory_space<vmem>>) dst(%dma_wait3A_191 : memref<80x128xf32, #tpu.memory_space<vmem_shared>>)
      tpu.yield
    }) : () -> ()
    %mul3A_49 = arith.constant 624 : i32
    %mul3A_50 = arith.muli %arg1, %mul3A_49 : i32
    %add3A_51 = arith.constant 480 : i32
    %add3A_52 = arith.addi %mul3A_50, %add3A_51 : i32
    "tpu.region"() ({
      %run_scoped3A = tpu.sem_alloc : memref<!tpu.dma_semaphore, #tpu.memory_space<semaphore_mem>>
      %dma_start3A_184 = arith.constant 0 : i32
      %dma_start3A_185 = tpu.memref_slice %arg7[%add3A_52, %dma_start3A_184] : memref<10000x128xf32, #tpu.memory_space<vmem_shared>> -> memref<80x128xf32, #tpu.memory_space<vmem_shared>>
      %dma_start3A_186 = arith.constant 0 : i32
      %dma_start3A_187 = tpu.memref_slice %arg7[%add3A_52, %dma_start3A_186] : memref<10000x128xf32, #tpu.memory_space<vmem_shared>> -> memref<80x128xf32, #tpu.memory_space<vmem_shared>>
      tpu.enqueue_dma source(%arg12 : memref<80x128xf32, #tpu.memory_space<vmem>>) target(%dma_start3A_187 : memref<80x128xf32, #tpu.memory_space<vmem_shared>>) target_semaphore(%run_scoped3A : memref<!tpu.dma_semaphore, #tpu.memory_space<semaphore_mem>>)
      %dma_wait3A_188 = arith.constant 0 : i32
      %dma_wait3A_189 = tpu.memref_slice %arg7[%add3A_52, %dma_wait3A_188] : memref<10000x128xf32, #tpu.memory_space<vmem_shared>> -> memref<80x128xf32, #tpu.memory_space<vmem_shared>>
      %dma_wait3A_190 = arith.constant 0 : i32
      %dma_wait3A_191 = tpu.memref_slice %arg7[%add3A_52, %dma_wait3A_190] : memref<10000x128xf32, #tpu.memory_space<vmem_shared>> -> memref<80x128xf32, #tpu.memory_space<vmem_shared>>
      tpu.wait_dma2 semaphore(%run_scoped3A : memref<!tpu.dma_semaphore, #tpu.memory_space<semaphore_mem>>) src(%arg12 : memref<80x128xf32, #tpu.memory_space<vmem>>) dst(%dma_wait3A_191 : memref<80x128xf32, #tpu.memory_space<vmem_shared>>)
      tpu.yield
    }) : () -> ()
    %mul3A_53 = arith.constant 624 : i32
    %mul3A_54 = arith.muli %arg1, %mul3A_53 : i32
    %add3A_55 = arith.constant 624 : i32
    %add3A_56 = arith.addi %mul3A_54, %add3A_55 : i32
    %sub3A = arith.constant 64 : i32
    %sub3A_57 = arith.subi %add3A_56, %sub3A : i32
    "tpu.region"() ({
      %run_scoped3A = tpu.sem_alloc : memref<!tpu.dma_semaphore, #tpu.memory_space<semaphore_mem>>
      %dma_start3A_184 = arith.constant 0 : i32
      %dma_start3A_185 = arith.constant 0 : i32
      %dma_start3A_186 = tpu.memref_slice %arg12[%dma_start3A_184, %dma_start3A_185] : memref<80x128xf32, #tpu.memory_space<vmem>> -> memref<64x128xf32, #tpu.memory_space<vmem>>
      %dma_start3A_187 = arith.constant 0 : i32
      %dma_start3A_188 = tpu.memref_slice %arg7[%sub3A_57, %dma_start3A_187] : memref<10000x128xf32, #tpu.memory_space<vmem_shared>> -> memref<64x128xf32, #tpu.memory_space<vmem_shared>>
      %dma_start3A_189 = arith.constant 0 : i32
      %dma_start3A_190 = tpu.memref_slice %arg7[%sub3A_57, %dma_start3A_189] : memref<10000x128xf32, #tpu.memory_space<vmem_shared>> -> memref<64x128xf32, #tpu.memory_space<vmem_shared>>
      %dma_start3A_191 = arith.constant 0 : i32
      %dma_start3A_192 = arith.constant 0 : i32
      %dma_start3A_193 = tpu.memref_slice %arg12[%dma_start3A_191, %dma_start3A_192] : memref<80x128xf32, #tpu.memory_space<vmem>> -> memref<64x128xf32, #tpu.memory_space<vmem>>
      tpu.enqueue_dma source(%dma_start3A_193 : memref<64x128xf32, #tpu.memory_space<vmem>>) target(%dma_start3A_190 : memref<64x128xf32, #tpu.memory_space<vmem_shared>>) target_semaphore(%run_scoped3A : memref<!tpu.dma_semaphore, #tpu.memory_space<semaphore_mem>>)
      %dma_wait3A_194 = arith.constant 0 : i32
      %dma_wait3A_195 = arith.constant 0 : i32
      %dma_wait3A_196 = tpu.memref_slice %arg12[%dma_wait3A_194, %dma_wait3A_195] : memref<80x128xf32, #tpu.memory_space<vmem>> -> memref<64x128xf32, #tpu.memory_space<vmem>>
      %dma_wait3A_197 = arith.constant 0 : i32
      %dma_wait3A_198 = tpu.memref_slice %arg7[%sub3A_57, %dma_wait3A_197] : memref<10000x128xf32, #tpu.memory_space<vmem_shared>> -> memref<64x128xf32, #tpu.memory_space<vmem_shared>>
      %dma_wait3A_199 = arith.constant 0 : i32
      %dma_wait3A_200 = tpu.memref_slice %arg7[%sub3A_57, %dma_wait3A_199] : memref<10000x128xf32, #tpu.memory_space<vmem_shared>> -> memref<64x128xf32, #tpu.memory_space<vmem_shared>>
      %dma_wait3A_201 = arith.constant 0 : i32
      %dma_wait3A_202 = arith.constant 0 : i32
      %dma_wait3A_203 = tpu.memref_slice %arg12[%dma_wait3A_201, %dma_wait3A_202] : memref<80x128xf32, #tpu.memory_space<vmem>> -> memref<64x128xf32, #tpu.memory_space<vmem>>
      tpu.wait_dma2 semaphore(%run_scoped3A : memref<!tpu.dma_semaphore, #tpu.memory_space<semaphore_mem>>) src(%dma_wait3A_203 : memref<64x128xf32, #tpu.memory_space<vmem>>) dst(%dma_wait3A_200 : memref<64x128xf32, #tpu.memory_space<vmem_shared>>)
      tpu.yield
    }) : () -> ()
    %convert_element_type3A = arith.extui %eq3A_1 : i1 to i32
    %cond3A = arith.constant 0 : i32
    %cond3A_58 = arith.cmpi ne, %convert_element_type3A, %cond3A : i32
    scf.if %cond3A_58 {
      "tpu.region"() ({
        %run_scoped3A = tpu.sem_alloc : memref<!tpu.dma_semaphore, #tpu.memory_space<semaphore_mem>>
        %dma_start3A_184 = arith.constant 0 : i32
        %dma_start3A_185 = arith.constant 0 : i32
        %dma_start3A_186 = tpu.memref_slice %arg12[%dma_start3A_184, %dma_start3A_185] : memref<80x128xf32, #tpu.memory_space<vmem>> -> memref<16x128xf32, #tpu.memory_space<vmem>>
        %dma_start3A_187 = arith.constant 9984 : i32
        %dma_start3A_188 = arith.constant 0 : i32
        %dma_start3A_189 = tpu.memref_slice %arg7[%dma_start3A_187, %dma_start3A_188] : memref<10000x128xf32, #tpu.memory_space<vmem_shared>> -> memref<16x128xf32, #tpu.memory_space<vmem_shared>>
        %dma_start3A_190 = arith.constant 9984 : i32
        %dma_start3A_191 = arith.constant 0 : i32
        %dma_start3A_192 = tpu.memref_slice %arg7[%dma_start3A_190, %dma_start3A_191] : memref<10000x128xf32, #tpu.memory_space<vmem_shared>> -> memref<16x128xf32, #tpu.memory_space<vmem_shared>>
        %dma_start3A_193 = arith.constant 0 : i32
        %dma_start3A_194 = arith.constant 0 : i32
        %dma_start3A_195 = tpu.memref_slice %arg12[%dma_start3A_193, %dma_start3A_194] : memref<80x128xf32, #tpu.memory_space<vmem>> -> memref<16x128xf32, #tpu.memory_space<vmem>>
        tpu.enqueue_dma source(%dma_start3A_195 : memref<16x128xf32, #tpu.memory_space<vmem>>) target(%dma_start3A_192 : memref<16x128xf32, #tpu.memory_space<vmem_shared>>) target_semaphore(%run_scoped3A : memref<!tpu.dma_semaphore, #tpu.memory_space<semaphore_mem>>)
        %dma_wait3A_196 = arith.constant 0 : i32
        %dma_wait3A_197 = arith.constant 0 : i32
        %dma_wait3A_198 = tpu.memref_slice %arg12[%dma_wait3A_196, %dma_wait3A_197] : memref<80x128xf32, #tpu.memory_space<vmem>> -> memref<16x128xf32, #tpu.memory_space<vmem>>
        %dma_wait3A_199 = arith.constant 9984 : i32
        %dma_wait3A_200 = arith.constant 0 : i32
        %dma_wait3A_201 = tpu.memref_slice %arg7[%dma_wait3A_199, %dma_wait3A_200] : memref<10000x128xf32, #tpu.memory_space<vmem_shared>> -> memref<16x128xf32, #tpu.memory_space<vmem_shared>>
        %dma_wait3A_202 = arith.constant 9984 : i32
        %dma_wait3A_203 = arith.constant 0 : i32
        %dma_wait3A_204 = tpu.memref_slice %arg7[%dma_wait3A_202, %dma_wait3A_203] : memref<10000x128xf32, #tpu.memory_space<vmem_shared>> -> memref<16x128xf32, #tpu.memory_space<vmem_shared>>
        %dma_wait3A_205 = arith.constant 0 : i32
        %dma_wait3A_206 = arith.constant 0 : i32
        %dma_wait3A_207 = tpu.memref_slice %arg12[%dma_wait3A_205, %dma_wait3A_206] : memref<80x128xf32, #tpu.memory_space<vmem>> -> memref<16x128xf32, #tpu.memory_space<vmem>>
        tpu.wait_dma2 semaphore(%run_scoped3A : memref<!tpu.dma_semaphore, #tpu.memory_space<semaphore_mem>>) src(%dma_wait3A_207 : memref<16x128xf32, #tpu.memory_space<vmem>>) dst(%dma_wait3A_204 : memref<16x128xf32, #tpu.memory_space<vmem_shared>>)
        tpu.yield
      }) : () -> ()
    } else {
    }
    %broadcast_in_dim3A_59 = arith.constant 0.000000e+00 : f32
    %broadcast_in_dim3A_60 = vector.broadcast %broadcast_in_dim3A_59 : f32 to vector<16xf32>
    %scan3A_61 = arith.constant 0 : i32
    %scan3A_62 = arith.constant 0 : i32
    %scan3A_63 = arith.constant 80 : i32
    %scan3A_64 = arith.addi %scan3A_62, %scan3A_63 : i32
    %scan3A_65 = arith.constant 1 : i32
    %scan3A_66 = scf.for %scan3A_184 = %scan3A_62 to %scan3A_64 step %scan3A_65 iter_args(%scan3A_185 = %scan3A_61) -> (i32)  : i32 {
      %scan3A_186 = arith.constant 0 : i32
      %scan3A_187 = arith.constant 0 : i32
      %mul3A_188 = arith.constant 16 : i32
      %mul3A_189 = arith.muli %scan3A_187, %mul3A_188 : i32
      %swap3A = arith.index_cast %scan3A_184 : i32 to index
      %swap3A_190 = arith.index_cast %mul3A_189 : i32 to index
      %swap3A_191 = tpu.vector_load %arg20[%swap3A, %swap3A_190] {strides = array<i32>} : memref<80x16xf32, #tpu.memory_space<vmem>>, vector<1x16xf32>,
      %swap3A_192 = vector.shape_cast %swap3A_191 : vector<1x16xf32> to vector<16xf32>
      %swap3A_193 = vector.shape_cast %broadcast_in_dim3A_60 : vector<16xf32> to vector<1x16xf32>
      tpu.vector_store %arg20[%swap3A, %swap3A_190], %swap3A_193 {strides = array<i32>} : memref<80x16xf32, #tpu.memory_space<vmem>>, vector<1x16xf32>,
      %scan3A_194 = arith.constant 0 : i32
      %scan3A_195 = arith.constant 1 : i32
      scf.yield %scan3A_194 : i32
    }
    %scan3A_67 = arith.constant 80 : i32
    %mul3A_68 = arith.constant 624 : i32
    %mul3A_69 = arith.muli %arg1, %mul3A_68 : i32
    %add3A_70 = arith.constant 0 : i32
    %add3A_71 = arith.addi %mul3A_69, %add3A_70 : i32
    "tpu.region"() ({
      %run_scoped3A = tpu.sem_alloc : memref<!tpu.dma_semaphore, #tpu.memory_space<semaphore_mem>>
      %dma_start3A_184 = arith.constant 0 : i32
      %dma_start3A_185 = tpu.memref_slice %arg19[%add3A_71, %dma_start3A_184] : memref<10000x16xf32, #tpu.memory_space<vmem_shared>> -> memref<80x16xf32, #tpu.memory_space<vmem_shared>>
      %dma_start3A_186 = arith.constant 0 : i32
      %dma_start3A_187 = tpu.memref_slice %arg19[%add3A_71, %dma_start3A_186] : memref<10000x16xf32, #tpu.memory_space<vmem_shared>> -> memref<80x16xf32, #tpu.memory_space<vmem_shared>>
      tpu.enqueue_dma source(%arg20 : memref<80x16xf32, #tpu.memory_space<vmem>>) target(%dma_start3A_187 : memref<80x16xf32, #tpu.memory_space<vmem_shared>>) target_semaphore(%run_scoped3A : memref<!tpu.dma_semaphore, #tpu.memory_space<semaphore_mem>>)
      %dma_wait3A_188 = arith.constant 0 : i32
      %dma_wait3A_189 = tpu.memref_slice %arg19[%add3A_71, %dma_wait3A_188] : memref<10000x16xf32, #tpu.memory_space<vmem_shared>> -> memref<80x16xf32, #tpu.memory_space<vmem_shared>>
      %dma_wait3A_190 = arith.constant 0 : i32
      %dma_wait3A_191 = tpu.memref_slice %arg19[%add3A_71, %dma_wait3A_190] : memref<10000x16xf32, #tpu.memory_space<vmem_shared>> -> memref<80x16xf32, #tpu.memory_space<vmem_shared>>
      tpu.wait_dma2 semaphore(%run_scoped3A : memref<!tpu.dma_semaphore, #tpu.memory_space<semaphore_mem>>) src(%arg20 : memref<80x16xf32, #tpu.memory_space<vmem>>) dst(%dma_wait3A_191 : memref<80x16xf32, #tpu.memory_space<vmem_shared>>)
      tpu.yield
    }) : () -> ()
    %mul3A_72 = arith.constant 624 : i32
    %mul3A_73 = arith.muli %arg1, %mul3A_72 : i32
    %add3A_74 = arith.constant 80 : i32
    %add3A_75 = arith.addi %mul3A_73, %add3A_74 : i32
    "tpu.region"() ({
      %run_scoped3A = tpu.sem_alloc : memref<!tpu.dma_semaphore, #tpu.memory_space<semaphore_mem>>
      %dma_start3A_184 = arith.constant 0 : i32
      %dma_start3A_185 = tpu.memref_slice %arg19[%add3A_75, %dma_start3A_184] : memref<10000x16xf32, #tpu.memory_space<vmem_shared>> -> memref<80x16xf32, #tpu.memory_space<vmem_shared>>
      %dma_start3A_186 = arith.constant 0 : i32
      %dma_start3A_187 = tpu.memref_slice %arg19[%add3A_75, %dma_start3A_186] : memref<10000x16xf32, #tpu.memory_space<vmem_shared>> -> memref<80x16xf32, #tpu.memory_space<vmem_shared>>
      tpu.enqueue_dma source(%arg20 : memref<80x16xf32, #tpu.memory_space<vmem>>) target(%dma_start3A_187 : memref<80x16xf32, #tpu.memory_space<vmem_shared>>) target_semaphore(%run_scoped3A : memref<!tpu.dma_semaphore, #tpu.memory_space<semaphore_mem>>)
      %dma_wait3A_188 = arith.constant 0 : i32
      %dma_wait3A_189 = tpu.memref_slice %arg19[%add3A_75, %dma_wait3A_188] : memref<10000x16xf32, #tpu.memory_space<vmem_shared>> -> memref<80x16xf32, #tpu.memory_space<vmem_shared>>
      %dma_wait3A_190 = arith.constant 0 : i32
      %dma_wait3A_191 = tpu.memref_slice %arg19[%add3A_75, %dma_wait3A_190] : memref<10000x16xf32, #tpu.memory_space<vmem_shared>> -> memref<80x16xf32, #tpu.memory_space<vmem_shared>>
      tpu.wait_dma2 semaphore(%run_scoped3A : memref<!tpu.dma_semaphore, #tpu.memory_space<semaphore_mem>>) src(%arg20 : memref<80x16xf32, #tpu.memory_space<vmem>>) dst(%dma_wait3A_191 : memref<80x16xf32, #tpu.memory_space<vmem_shared>>)
      tpu.yield
    }) : () -> ()
    %mul3A_76 = arith.constant 624 : i32
    %mul3A_77 = arith.muli %arg1, %mul3A_76 : i32
    %add3A_78 = arith.constant 160 : i32
    %add3A_79 = arith.addi %mul3A_77, %add3A_78 : i32
    "tpu.region"() ({
      %run_scoped3A = tpu.sem_alloc : memref<!tpu.dma_semaphore, #tpu.memory_space<semaphore_mem>>
      %dma_start3A_184 = arith.constant 0 : i32
      %dma_start3A_185 = tpu.memref_slice %arg19[%add3A_79, %dma_start3A_184] : memref<10000x16xf32, #tpu.memory_space<vmem_shared>> -> memref<80x16xf32, #tpu.memory_space<vmem_shared>>
      %dma_start3A_186 = arith.constant 0 : i32
      %dma_start3A_187 = tpu.memref_slice %arg19[%add3A_79, %dma_start3A_186] : memref<10000x16xf32, #tpu.memory_space<vmem_shared>> -> memref<80x16xf32, #tpu.memory_space<vmem_shared>>
      tpu.enqueue_dma source(%arg20 : memref<80x16xf32, #tpu.memory_space<vmem>>) target(%dma_start3A_187 : memref<80x16xf32, #tpu.memory_space<vmem_shared>>) target_semaphore(%run_scoped3A : memref<!tpu.dma_semaphore, #tpu.memory_space<semaphore_mem>>)
      %dma_wait3A_188 = arith.constant 0 : i32
      %dma_wait3A_189 = tpu.memref_slice %arg19[%add3A_79, %dma_wait3A_188] : memref<10000x16xf32, #tpu.memory_space<vmem_shared>> -> memref<80x16xf32, #tpu.memory_space<vmem_shared>>
      %dma_wait3A_190 = arith.constant 0 : i32
      %dma_wait3A_191 = tpu.memref_slice %arg19[%add3A_79, %dma_wait3A_190] : memref<10000x16xf32, #tpu.memory_space<vmem_shared>> -> memref<80x16xf32, #tpu.memory_space<vmem_shared>>
      tpu.wait_dma2 semaphore(%run_scoped3A : memref<!tpu.dma_semaphore, #tpu.memory_space<semaphore_mem>>) src(%arg20 : memref<80x16xf32, #tpu.memory_space<vmem>>) dst(%dma_wait3A_191 : memref<80x16xf32, #tpu.memory_space<vmem_shared>>)
      tpu.yield
    }) : () -> ()
    %mul3A_80 = arith.constant 624 : i32
    %mul3A_81 = arith.muli %arg1, %mul3A_80 : i32
    %add3A_82 = arith.constant 240 : i32
    %add3A_83 = arith.addi %mul3A_81, %add3A_82 : i32
    "tpu.region"() ({
      %run_scoped3A = tpu.sem_alloc : memref<!tpu.dma_semaphore, #tpu.memory_space<semaphore_mem>>
      %dma_start3A_184 = arith.constant 0 : i32
      %dma_start3A_185 = tpu.memref_slice %arg19[%add3A_83, %dma_start3A_184] : memref<10000x16xf32, #tpu.memory_space<vmem_shared>> -> memref<80x16xf32, #tpu.memory_space<vmem_shared>>
      %dma_start3A_186 = arith.constant 0 : i32
      %dma_start3A_187 = tpu.memref_slice %arg19[%add3A_83, %dma_start3A_186] : memref<10000x16xf32, #tpu.memory_space<vmem_shared>> -> memref<80x16xf32, #tpu.memory_space<vmem_shared>>
      tpu.enqueue_dma source(%arg20 : memref<80x16xf32, #tpu.memory_space<vmem>>) target(%dma_start3A_187 : memref<80x16xf32, #tpu.memory_space<vmem_shared>>) target_semaphore(%run_scoped3A : memref<!tpu.dma_semaphore, #tpu.memory_space<semaphore_mem>>)
      %dma_wait3A_188 = arith.constant 0 : i32
      %dma_wait3A_189 = tpu.memref_slice %arg19[%add3A_83, %dma_wait3A_188] : memref<10000x16xf32, #tpu.memory_space<vmem_shared>> -> memref<80x16xf32, #tpu.memory_space<vmem_shared>>
      %dma_wait3A_190 = arith.constant 0 : i32
      %dma_wait3A_191 = tpu.memref_slice %arg19[%add3A_83, %dma_wait3A_190] : memref<10000x16xf32, #tpu.memory_space<vmem_shared>> -> memref<80x16xf32, #tpu.memory_space<vmem_shared>>
      tpu.wait_dma2 semaphore(%run_scoped3A : memref<!tpu.dma_semaphore, #tpu.memory_space<semaphore_mem>>) src(%arg20 : memref<80x16xf32, #tpu.memory_space<vmem>>) dst(%dma_wait3A_191 : memref<80x16xf32, #tpu.memory_space<vmem_shared>>)
      tpu.yield
    }) : () -> ()
    %mul3A_84 = arith.constant 624 : i32
    %mul3A_85 = arith.muli %arg1, %mul3A_84 : i32
    %add3A_86 = arith.constant 320 : i32
    %add3A_87 = arith.addi %mul3A_85, %add3A_86 : i32
    "tpu.region"() ({
      %run_scoped3A = tpu.sem_alloc : memref<!tpu.dma_semaphore, #tpu.memory_space<semaphore_mem>>
      %dma_start3A_184 = arith.constant 0 : i32
      %dma_start3A_185 = tpu.memref_slice %arg19[%add3A_87, %dma_start3A_184] : memref<10000x16xf32, #tpu.memory_space<vmem_shared>> -> memref<80x16xf32, #tpu.memory_space<vmem_shared>>
      %dma_start3A_186 = arith.constant 0 : i32
      %dma_start3A_187 = tpu.memref_slice %arg19[%add3A_87, %dma_start3A_186] : memref<10000x16xf32, #tpu.memory_space<vmem_shared>> -> memref<80x16xf32, #tpu.memory_space<vmem_shared>>
      tpu.enqueue_dma source(%arg20 : memref<80x16xf32, #tpu.memory_space<vmem>>) target(%dma_start3A_187 : memref<80x16xf32, #tpu.memory_space<vmem_shared>>) target_semaphore(%run_scoped3A : memref<!tpu.dma_semaphore, #tpu.memory_space<semaphore_mem>>)
      %dma_wait3A_188 = arith.constant 0 : i32
      %dma_wait3A_189 = tpu.memref_slice %arg19[%add3A_87, %dma_wait3A_188] : memref<10000x16xf32, #tpu.memory_space<vmem_shared>> -> memref<80x16xf32, #tpu.memory_space<vmem_shared>>
      %dma_wait3A_190 = arith.constant 0 : i32
      %dma_wait3A_191 = tpu.memref_slice %arg19[%add3A_87, %dma_wait3A_190] : memref<10000x16xf32, #tpu.memory_space<vmem_shared>> -> memref<80x16xf32, #tpu.memory_space<vmem_shared>>
      tpu.wait_dma2 semaphore(%run_scoped3A : memref<!tpu.dma_semaphore, #tpu.memory_space<semaphore_mem>>) src(%arg20 : memref<80x16xf32, #tpu.memory_space<vmem>>) dst(%dma_wait3A_191 : memref<80x16xf32, #tpu.memory_space<vmem_shared>>)
      tpu.yield
    }) : () -> ()
    %mul3A_88 = arith.constant 624 : i32
    %mul3A_89 = arith.muli %arg1, %mul3A_88 : i32
    %add3A_90 = arith.constant 400 : i32
    %add3A_91 = arith.addi %mul3A_89, %add3A_90 : i32
    "tpu.region"() ({
      %run_scoped3A = tpu.sem_alloc : memref<!tpu.dma_semaphore, #tpu.memory_space<semaphore_mem>>
      %dma_start3A_184 = arith.constant 0 : i32
      %dma_start3A_185 = tpu.memref_slice %arg19[%add3A_91, %dma_start3A_184] : memref<10000x16xf32, #tpu.memory_space<vmem_shared>> -> memref<80x16xf32, #tpu.memory_space<vmem_shared>>
      %dma_start3A_186 = arith.constant 0 : i32
      %dma_start3A_187 = tpu.memref_slice %arg19[%add3A_91, %dma_start3A_186] : memref<10000x16xf32, #tpu.memory_space<vmem_shared>> -> memref<80x16xf32, #tpu.memory_space<vmem_shared>>
      tpu.enqueue_dma source(%arg20 : memref<80x16xf32, #tpu.memory_space<vmem>>) target(%dma_start3A_187 : memref<80x16xf32, #tpu.memory_space<vmem_shared>>) target_semaphore(%run_scoped3A : memref<!tpu.dma_semaphore, #tpu.memory_space<semaphore_mem>>)
      %dma_wait3A_188 = arith.constant 0 : i32
      %dma_wait3A_189 = tpu.memref_slice %arg19[%add3A_91, %dma_wait3A_188] : memref<10000x16xf32, #tpu.memory_space<vmem_shared>> -> memref<80x16xf32, #tpu.memory_space<vmem_shared>>
      %dma_wait3A_190 = arith.constant 0 : i32
      %dma_wait3A_191 = tpu.memref_slice %arg19[%add3A_91, %dma_wait3A_190] : memref<10000x16xf32, #tpu.memory_space<vmem_shared>> -> memref<80x16xf32, #tpu.memory_space<vmem_shared>>
      tpu.wait_dma2 semaphore(%run_scoped3A : memref<!tpu.dma_semaphore, #tpu.memory_space<semaphore_mem>>) src(%arg20 : memref<80x16xf32, #tpu.memory_space<vmem>>) dst(%dma_wait3A_191 : memref<80x16xf32, #tpu.memory_space<vmem_shared>>)
      tpu.yield
    }) : () -> ()
    %mul3A_92 = arith.constant 624 : i32
    %mul3A_93 = arith.muli %arg1, %mul3A_92 : i32
    %add3A_94 = arith.constant 480 : i32
    %add3A_95 = arith.addi %mul3A_93, %add3A_94 : i32
    "tpu.region"() ({
      %run_scoped3A = tpu.sem_alloc : memref<!tpu.dma_semaphore, #tpu.memory_space<semaphore_mem>>
      %dma_start3A_184 = arith.constant 0 : i32
      %dma_start3A_185 = tpu.memref_slice %arg19[%add3A_95, %dma_start3A_184] : memref<10000x16xf32, #tpu.memory_space<vmem_shared>> -> memref<80x16xf32, #tpu.memory_space<vmem_shared>>
      %dma_start3A_186 = arith.constant 0 : i32
      %dma_start3A_187 = tpu.memref_slice %arg19[%add3A_95, %dma_start3A_186] : memref<10000x16xf32, #tpu.memory_space<vmem_shared>> -> memref<80x16xf32, #tpu.memory_space<vmem_shared>>
      tpu.enqueue_dma source(%arg20 : memref<80x16xf32, #tpu.memory_space<vmem>>) target(%dma_start3A_187 : memref<80x16xf32, #tpu.memory_space<vmem_shared>>) target_semaphore(%run_scoped3A : memref<!tpu.dma_semaphore, #tpu.memory_space<semaphore_mem>>)
      %dma_wait3A_188 = arith.constant 0 : i32
      %dma_wait3A_189 = tpu.memref_slice %arg19[%add3A_95, %dma_wait3A_188] : memref<10000x16xf32, #tpu.memory_space<vmem_shared>> -> memref<80x16xf32, #tpu.memory_space<vmem_shared>>
      %dma_wait3A_190 = arith.constant 0 : i32
      %dma_wait3A_191 = tpu.memref_slice %arg19[%add3A_95, %dma_wait3A_190] : memref<10000x16xf32, #tpu.memory_space<vmem_shared>> -> memref<80x16xf32, #tpu.memory_space<vmem_shared>>
      tpu.wait_dma2 semaphore(%run_scoped3A : memref<!tpu.dma_semaphore, #tpu.memory_space<semaphore_mem>>) src(%arg20 : memref<80x16xf32, #tpu.memory_space<vmem>>) dst(%dma_wait3A_191 : memref<80x16xf32, #tpu.memory_space<vmem_shared>>)
      tpu.yield
    }) : () -> ()
    %mul3A_96 = arith.constant 624 : i32
    %mul3A_97 = arith.muli %arg1, %mul3A_96 : i32
    %add3A_98 = arith.constant 624 : i32
    %add3A_99 = arith.addi %mul3A_97, %add3A_98 : i32
    %sub3A_100 = arith.constant 64 : i32
    %sub3A_101 = arith.subi %add3A_99, %sub3A_100 : i32
    "tpu.region"() ({
      %run_scoped3A = tpu.sem_alloc : memref<!tpu.dma_semaphore, #tpu.memory_space<semaphore_mem>>
      %dma_start3A_184 = arith.constant 0 : i32
      %dma_start3A_185 = arith.constant 0 : i32
      %dma_start3A_186 = tpu.memref_slice %arg20[%dma_start3A_184, %dma_start3A_185] : memref<80x16xf32, #tpu.memory_space<vmem>> -> memref<64x16xf32, #tpu.memory_space<vmem>>
      %dma_start3A_187 = arith.constant 0 : i32
      %dma_start3A_188 = tpu.memref_slice %arg19[%sub3A_101, %dma_start3A_187] : memref<10000x16xf32, #tpu.memory_space<vmem_shared>> -> memref<64x16xf32, #tpu.memory_space<vmem_shared>>
      %dma_start3A_189 = arith.constant 0 : i32
      %dma_start3A_190 = tpu.memref_slice %arg19[%sub3A_101, %dma_start3A_189] : memref<10000x16xf32, #tpu.memory_space<vmem_shared>> -> memref<64x16xf32, #tpu.memory_space<vmem_shared>>
      %dma_start3A_191 = arith.constant 0 : i32
      %dma_start3A_192 = arith.constant 0 : i32
      %dma_start3A_193 = tpu.memref_slice %arg20[%dma_start3A_191, %dma_start3A_192] : memref<80x16xf32, #tpu.memory_space<vmem>> -> memref<64x16xf32, #tpu.memory_space<vmem>>
      tpu.enqueue_dma source(%dma_start3A_193 : memref<64x16xf32, #tpu.memory_space<vmem>>) target(%dma_start3A_190 : memref<64x16xf32, #tpu.memory_space<vmem_shared>>) target_semaphore(%run_scoped3A : memref<!tpu.dma_semaphore, #tpu.memory_space<semaphore_mem>>)
      %dma_wait3A_194 = arith.constant 0 : i32
      %dma_wait3A_195 = arith.constant 0 : i32
      %dma_wait3A_196 = tpu.memref_slice %arg20[%dma_wait3A_194, %dma_wait3A_195] : memref<80x16xf32, #tpu.memory_space<vmem>> -> memref<64x16xf32, #tpu.memory_space<vmem>>
      %dma_wait3A_197 = arith.constant 0 : i32
      %dma_wait3A_198 = tpu.memref_slice %arg19[%sub3A_101, %dma_wait3A_197] : memref<10000x16xf32, #tpu.memory_space<vmem_shared>> -> memref<64x16xf32, #tpu.memory_space<vmem_shared>>
      %dma_wait3A_199 = arith.constant 0 : i32
      %dma_wait3A_200 = tpu.memref_slice %arg19[%sub3A_101, %dma_wait3A_199] : memref<10000x16xf32, #tpu.memory_space<vmem_shared>> -> memref<64x16xf32, #tpu.memory_space<vmem_shared>>
      %dma_wait3A_201 = arith.constant 0 : i32
      %dma_wait3A_202 = arith.constant 0 : i32
      %dma_wait3A_203 = tpu.memref_slice %arg20[%dma_wait3A_201, %dma_wait3A_202] : memref<80x16xf32, #tpu.memory_space<vmem>> -> memref<64x16xf32, #tpu.memory_space<vmem>>
      tpu.wait_dma2 semaphore(%run_scoped3A : memref<!tpu.dma_semaphore, #tpu.memory_space<semaphore_mem>>) src(%dma_wait3A_203 : memref<64x16xf32, #tpu.memory_space<vmem>>) dst(%dma_wait3A_200 : memref<64x16xf32, #tpu.memory_space<vmem_shared>>)
      tpu.yield
    }) : () -> ()
    %convert_element_type3A_102 = arith.extui %eq3A_1 : i1 to i32
    %cond3A_103 = arith.constant 0 : i32
    %cond3A_104 = arith.cmpi ne, %convert_element_type3A_102, %cond3A_103 : i32
    scf.if %cond3A_104 {
      "tpu.region"() ({
        %run_scoped3A = tpu.sem_alloc : memref<!tpu.dma_semaphore, #tpu.memory_space<semaphore_mem>>
        %dma_start3A_184 = arith.constant 0 : i32
        %dma_start3A_185 = arith.constant 0 : i32
        %dma_start3A_186 = tpu.memref_slice %arg20[%dma_start3A_184, %dma_start3A_185] : memref<80x16xf32, #tpu.memory_space<vmem>> -> memref<16x16xf32, #tpu.memory_space<vmem>>
        %dma_start3A_187 = arith.constant 9984 : i32
        %dma_start3A_188 = arith.constant 0 : i32
        %dma_start3A_189 = tpu.memref_slice %arg19[%dma_start3A_187, %dma_start3A_188] : memref<10000x16xf32, #tpu.memory_space<vmem_shared>> -> memref<16x16xf32, #tpu.memory_space<vmem_shared>>
        %dma_start3A_190 = arith.constant 9984 : i32
        %dma_start3A_191 = arith.constant 0 : i32
        %dma_start3A_192 = tpu.memref_slice %arg19[%dma_start3A_190, %dma_start3A_191] : memref<10000x16xf32, #tpu.memory_space<vmem_shared>> -> memref<16x16xf32, #tpu.memory_space<vmem_shared>>
        %dma_start3A_193 = arith.constant 0 : i32
        %dma_start3A_194 = arith.constant 0 : i32
        %dma_start3A_195 = tpu.memref_slice %arg20[%dma_start3A_193, %dma_start3A_194] : memref<80x16xf32, #tpu.memory_space<vmem>> -> memref<16x16xf32, #tpu.memory_space<vmem>>
        tpu.enqueue_dma source(%dma_start3A_195 : memref<16x16xf32, #tpu.memory_space<vmem>>) target(%dma_start3A_192 : memref<16x16xf32, #tpu.memory_space<vmem_shared>>) target_semaphore(%run_scoped3A : memref<!tpu.dma_semaphore, #tpu.memory_space<semaphore_mem>>)
        %dma_wait3A_196 = arith.constant 0 : i32
        %dma_wait3A_197 = arith.constant 0 : i32
        %dma_wait3A_198 = tpu.memref_slice %arg20[%dma_wait3A_196, %dma_wait3A_197] : memref<80x16xf32, #tpu.memory_space<vmem>> -> memref<16x16xf32, #tpu.memory_space<vmem>>
        %dma_wait3A_199 = arith.constant 9984 : i32
        %dma_wait3A_200 = arith.constant 0 : i32
        %dma_wait3A_201 = tpu.memref_slice %arg19[%dma_wait3A_199, %dma_wait3A_200] : memref<10000x16xf32, #tpu.memory_space<vmem_shared>> -> memref<16x16xf32, #tpu.memory_space<vmem_shared>>
        %dma_wait3A_202 = arith.constant 9984 : i32
        %dma_wait3A_203 = arith.constant 0 : i32
        %dma_wait3A_204 = tpu.memref_slice %arg19[%dma_wait3A_202, %dma_wait3A_203] : memref<10000x16xf32, #tpu.memory_space<vmem_shared>> -> memref<16x16xf32, #tpu.memory_space<vmem_shared>>
        %dma_wait3A_205 = arith.constant 0 : i32
        %dma_wait3A_206 = arith.constant 0 : i32
        %dma_wait3A_207 = tpu.memref_slice %arg20[%dma_wait3A_205, %dma_wait3A_206] : memref<80x16xf32, #tpu.memory_space<vmem>> -> memref<16x16xf32, #tpu.memory_space<vmem>>
        tpu.wait_dma2 semaphore(%run_scoped3A : memref<!tpu.dma_semaphore, #tpu.memory_space<semaphore_mem>>) src(%dma_wait3A_207 : memref<16x16xf32, #tpu.memory_space<vmem>>) dst(%dma_wait3A_204 : memref<16x16xf32, #tpu.memory_space<vmem_shared>>)
        tpu.yield
      }) : () -> ()
    } else {
    }
    %broadcast_in_dim3A_105 = arith.constant 1.000000e+00 : f32
    %broadcast_in_dim3A_106 = vector.broadcast %broadcast_in_dim3A_105 : f32 to vector<16xf32>
    %scan3A_107 = arith.constant 0 : i32
    %scan3A_108 = arith.constant 0 : i32
    %scan3A_109 = arith.constant 80 : i32
    %scan3A_110 = arith.addi %scan3A_108, %scan3A_109 : i32
    %scan3A_111 = arith.constant 1 : i32
    %scan3A_112 = scf.for %scan3A_184 = %scan3A_108 to %scan3A_110 step %scan3A_111 iter_args(%scan3A_185 = %scan3A_107) -> (i32)  : i32 {
      %scan3A_186 = arith.constant 0 : i32
      %scan3A_187 = arith.constant 0 : i32
      %mul3A_188 = arith.constant 16 : i32
      %mul3A_189 = arith.muli %scan3A_187, %mul3A_188 : i32
      %swap3A = arith.index_cast %scan3A_184 : i32 to index
      %swap3A_190 = arith.index_cast %mul3A_189 : i32 to index
      %swap3A_191 = tpu.vector_load %arg20[%swap3A, %swap3A_190] {strides = array<i32>} : memref<80x16xf32, #tpu.memory_space<vmem>>, vector<1x16xf32>,
      %swap3A_192 = vector.shape_cast %swap3A_191 : vector<1x16xf32> to vector<16xf32>
      %swap3A_193 = vector.shape_cast %broadcast_in_dim3A_106 : vector<16xf32> to vector<1x16xf32>
      tpu.vector_store %arg20[%swap3A, %swap3A_190], %swap3A_193 {strides = array<i32>} : memref<80x16xf32, #tpu.memory_space<vmem>>, vector<1x16xf32>,
      %scan3A_194 = arith.constant 0 : i32
      %scan3A_195 = arith.constant 1 : i32
      scf.yield %scan3A_194 : i32
    }
    %scan3A_113 = arith.constant 80 : i32
    %dma_wait3A = arith.constant 0 : i32
    %dma_wait3A_114 = tpu.memref_slice %arg4[%mul3A_3, %dma_wait3A] : memref<4000x80xi32, #tpu.memory_space<hbm>> -> memref<125x80xi32, #tpu.memory_space<hbm>>
    %dma_wait3A_115 = arith.constant 0 : i32
    %dma_wait3A_116 = tpu.memref_slice %arg4[%mul3A_3, %dma_wait3A_115] : memref<4000x80xi32, #tpu.memory_space<hbm>> -> memref<125x80xi32, #tpu.memory_space<hbm>>
    tpu.wait_dma2 semaphore(%arg17 : memref<!tpu.dma_semaphore, #tpu.memory_space<semaphore_mem>>) src(%dma_wait3A_116 : memref<125x80xi32, #tpu.memory_space<hbm>>) dst(%arg8 : memref<125x80xi32, #tpu.memory_space<vmem>>)
    %barrier3A = arith.constant 0 : index
    tpu.barrier barrier_id(%barrier3A)
    %scan3A_117 = arith.constant 0 : i32
    %scan3A_118 = arith.constant 0 : i32
    %scan3A_119 = arith.constant 124 : i32
    %scan3A_120 = arith.addi %scan3A_118, %scan3A_119 : i32
    %scan3A_121 = arith.constant 1 : i32
    %scan3A_122 = scf.for %scan3A_184 = %scan3A_118 to %scan3A_120 step %scan3A_121 iter_args(%scan3A_185 = %scan3A_117) -> (i32)  : i32 {
      %rem3A = arith.constant 2 : i32
      %rem3A_186 = arith.remsi %scan3A_184, %rem3A : i32
      %clamp3A = arith.constant 0 : i32
      %clamp3A_187 = arith.constant 1 : i32
      %clamp3A_188 = arith.maxsi %rem3A_186, %clamp3A : i32
      %clamp3A_189 = arith.minsi %clamp3A_188, %clamp3A_187 : i32
      %cond3A_190 = arith.constant 0 : i32
      %cond3A_191 = arith.cmpi ne, %clamp3A_189, %cond3A_190 : i32
      scf.if %cond3A_191 {
        %dma_wait3A_193 = arith.constant 0 : i32
        %dma_wait3A_194 = arith.constant 0 : i32
        %dma_wait3A_195 = tpu.memref_slice %arg2[%dma_wait3A_193, %dma_wait3A_194] : memref<10000x128xf32, #tpu.memory_space<hbm>> -> memref<10000x128xf32, #tpu.memory_space<hbm>>
        tpu.wait_indirect_dma semaphore(%arg14 : memref<!tpu.dma_semaphore, #tpu.memory_space<semaphore_mem>>) src(%dma_wait3A_195 : memref<10000x128xf32, #tpu.memory_space<hbm>>) dst(%arg12 : memref<80x128xf32, #tpu.memory_space<vmem>>)
        %add3A_196 = arith.constant 2 : i32
        %add3A_197 = arith.addi %scan3A_184, %add3A_196 : i32
        %min3A = arith.constant 124 : i32
        %min3A_198 = arith.minsi %add3A_197, %min3A : i32
        %add3A_199 = arith.addi %mul3A_3, %min3A_198 : i32
        %dma_start3A_200 = arith.constant 0 : i32
        %dma_start3A_201 = tpu.memref_slice %arg3[%add3A_199, %dma_start3A_200] : memref<4000x80xi32, #tpu.memory_space<hbm>> -> memref<1x80xi32, #tpu.memory_space<hbm>>
        %dma_start3A_202 = tpu.memref_squeeze %dma_start3A_201 : memref<1x80xi32, #tpu.memory_space<hbm>> -> memref<80xi32, #tpu.memory_space<hbm>>
        %dma_start3A_203 = arith.constant 0 : i32
        %dma_start3A_204 = tpu.memref_slice %arg3[%add3A_199, %dma_start3A_203] : memref<4000x80xi32, #tpu.memory_space<hbm>> -> memref<1x80xi32, #tpu.memory_space<hbm>>
        %dma_start3A_205 = tpu.memref_squeeze %dma_start3A_204 : memref<1x80xi32, #tpu.memory_space<hbm>> -> memref<80xi32, #tpu.memory_space<hbm>>
        tpu.enqueue_dma source(%dma_start3A_205 : memref<80xi32, #tpu.memory_space<hbm>>) target(%arg10 : memref<80xi32, #tpu.memory_space<vmem>>) target_semaphore(%arg18 : memref<!tpu.dma_semaphore, #tpu.memory_space<semaphore_mem>>)
        %dma_start3A_206 = arith.constant 0 : i32
        %dma_start3A_207 = tpu.memref_slice %arg8[%scan3A_184, %dma_start3A_206] : memref<125x80xi32, #tpu.memory_space<vmem>> -> memref<1x80xi32, #tpu.memory_space<vmem>>
        %dma_start3A_208 = tpu.memref_squeeze %dma_start3A_207 : memref<1x80xi32, #tpu.memory_space<vmem>> -> memref<80xi32, #tpu.memory_space<vmem>>
        %dma_start3A_209 = arith.constant 0 : i32
        %dma_start3A_210 = arith.constant 0 : i32
        %dma_start3A_211 = tpu.memref_slice %arg7[%dma_start3A_209, %dma_start3A_210] : memref<10000x128xf32, #tpu.memory_space<vmem_shared>> -> memref<10000x128xf32, #tpu.memory_space<vmem_shared>>
        tpu.enqueue_indirect_dma source(%arg12 : memref<80x128xf32, #tpu.memory_space<vmem>>) target(%dma_start3A_211 : memref<10000x128xf32, #tpu.memory_space<vmem_shared>>) offsets(%dma_start3A_208 : memref<80xi32, #tpu.memory_space<vmem>>) semaphore(%arg16 : memref<!tpu.dma_semaphore, #tpu.memory_space<semaphore_mem>>) {add = true}
        %dma_start3A_212 = arith.constant 0 : i32
        %dma_start3A_213 = tpu.memref_slice %arg8[%scan3A_184, %dma_start3A_212] : memref<125x80xi32, #tpu.memory_space<vmem>> -> memref<1x80xi32, #tpu.memory_space<vmem>>
        %dma_start3A_214 = tpu.memref_squeeze %dma_start3A_213 : memref<1x80xi32, #tpu.memory_space<vmem>> -> memref<80xi32, #tpu.memory_space<vmem>>
        %dma_start3A_215 = arith.constant 0 : i32
        %dma_start3A_216 = arith.constant 0 : i32
        %dma_start3A_217 = tpu.memref_slice %arg19[%dma_start3A_215, %dma_start3A_216] : memref<10000x16xf32, #tpu.memory_space<vmem_shared>> -> memref<10000x16xf32, #tpu.memory_space<vmem_shared>>
        tpu.enqueue_indirect_dma source(%arg20 : memref<80x16xf32, #tpu.memory_space<vmem>>) target(%dma_start3A_217 : memref<10000x16xf32, #tpu.memory_space<vmem_shared>>) offsets(%dma_start3A_214 : memref<80xi32, #tpu.memory_space<vmem>>) semaphore(%arg22 : memref<!tpu.dma_semaphore, #tpu.memory_space<semaphore_mem>>) {add = true}
        %ge3A = arith.constant 1 : i32
        %ge3A_218 = arith.cmpi sge, %scan3A_184, %ge3A : i32
        %convert_element_type3A_219 = arith.extui %ge3A_218 : i1 to i32
        %cond3A_220 = arith.constant 0 : i32
        %cond3A_221 = arith.cmpi ne, %convert_element_type3A_219, %cond3A_220 : i32
        scf.if %cond3A_221 {
          %dma_wait3A_231 = arith.constant 0 : i32
          %dma_wait3A_232 = tpu.memref_slice %arg8[%scan3A_184, %dma_wait3A_231] : memref<125x80xi32, #tpu.memory_space<vmem>> -> memref<1x80xi32, #tpu.memory_space<vmem>>
          %dma_wait3A_233 = tpu.memref_squeeze %dma_wait3A_232 : memref<1x80xi32, #tpu.memory_space<vmem>> -> memref<80xi32, #tpu.memory_space<vmem>>
          %dma_wait3A_234 = arith.constant 0 : i32
          %dma_wait3A_235 = arith.constant 0 : i32
          %dma_wait3A_236 = tpu.memref_slice %arg7[%dma_wait3A_234, %dma_wait3A_235] : memref<10000x128xf32, #tpu.memory_space<vmem_shared>> -> memref<10000x128xf32, #tpu.memory_space<vmem_shared>>
          tpu.wait_indirect_dma semaphore(%arg15 : memref<!tpu.dma_semaphore, #tpu.memory_space<semaphore_mem>>) src(%arg11 : memref<80x128xf32, #tpu.memory_space<vmem>>) dst(%dma_wait3A_236 : memref<10000x128xf32, #tpu.memory_space<vmem_shared>>)
          %dma_wait3A_237 = arith.constant 0 : i32
          %dma_wait3A_238 = tpu.memref_slice %arg8[%scan3A_184, %dma_wait3A_237] : memref<125x80xi32, #tpu.memory_space<vmem>> -> memref<1x80xi32, #tpu.memory_space<vmem>>
          %dma_wait3A_239 = tpu.memref_squeeze %dma_wait3A_238 : memref<1x80xi32, #tpu.memory_space<vmem>> -> memref<80xi32, #tpu.memory_space<vmem>>
          %dma_wait3A_240 = arith.constant 0 : i32
          %dma_wait3A_241 = arith.constant 0 : i32
          %dma_wait3A_242 = tpu.memref_slice %arg19[%dma_wait3A_240, %dma_wait3A_241] : memref<10000x16xf32, #tpu.memory_space<vmem_shared>> -> memref<10000x16xf32, #tpu.memory_space<vmem_shared>>
          tpu.wait_indirect_dma semaphore(%arg21 : memref<!tpu.dma_semaphore, #tpu.memory_space<semaphore_mem>>) src(%arg20 : memref<80x16xf32, #tpu.memory_space<vmem>>) dst(%dma_wait3A_242 : memref<10000x16xf32, #tpu.memory_space<vmem_shared>>)
        } else {
        }
        %dma_wait3A_222 = arith.constant 0 : i32
        %dma_wait3A_223 = tpu.memref_slice %arg3[%mul3A_3, %dma_wait3A_222] : memref<4000x80xi32, #tpu.memory_space<hbm>> -> memref<1x80xi32, #tpu.memory_space<hbm>>
        %dma_wait3A_224 = tpu.memref_squeeze %dma_wait3A_223 : memref<1x80xi32, #tpu.memory_space<hbm>> -> memref<80xi32, #tpu.memory_space<hbm>>
        %dma_wait3A_225 = arith.constant 0 : i32
        %dma_wait3A_226 = tpu.memref_slice %arg3[%mul3A_3, %dma_wait3A_225] : memref<4000x80xi32, #tpu.memory_space<hbm>> -> memref<1x80xi32, #tpu.memory_space<hbm>>
        %dma_wait3A_227 = tpu.memref_squeeze %dma_wait3A_226 : memref<1x80xi32, #tpu.memory_space<hbm>> -> memref<80xi32, #tpu.memory_space<hbm>>
        tpu.wait_dma2 semaphore(%arg17 : memref<!tpu.dma_semaphore, #tpu.memory_space<semaphore_mem>>) src(%dma_wait3A_227 : memref<80xi32, #tpu.memory_space<hbm>>) dst(%arg9 : memref<80xi32, #tpu.memory_space<vmem>>)
        %dma_start3A_228 = arith.constant 0 : i32
        %dma_start3A_229 = arith.constant 0 : i32
        %dma_start3A_230 = tpu.memref_slice %arg2[%dma_start3A_228, %dma_start3A_229] : memref<10000x128xf32, #tpu.memory_space<hbm>> -> memref<10000x128xf32, #tpu.memory_space<hbm>>
        tpu.enqueue_indirect_dma source(%dma_start3A_230 : memref<10000x128xf32, #tpu.memory_space<hbm>>) target(%arg11 : memref<80x128xf32, #tpu.memory_space<vmem>>) offsets(%arg9 : memref<80xi32, #tpu.memory_space<vmem>>) semaphore(%arg13 : memref<!tpu.dma_semaphore, #tpu.memory_space<semaphore_mem>>)
      } else {
        %dma_wait3A_193 = arith.constant 0 : i32
        %dma_wait3A_194 = arith.constant 0 : i32
        %dma_wait3A_195 = tpu.memref_slice %arg2[%dma_wait3A_193, %dma_wait3A_194] : memref<10000x128xf32, #tpu.memory_space<hbm>> -> memref<10000x128xf32, #tpu.memory_space<hbm>>
        tpu.wait_indirect_dma semaphore(%arg13 : memref<!tpu.dma_semaphore, #tpu.memory_space<semaphore_mem>>) src(%dma_wait3A_195 : memref<10000x128xf32, #tpu.memory_space<hbm>>) dst(%arg11 : memref<80x128xf32, #tpu.memory_space<vmem>>)
        %add3A_196 = arith.constant 2 : i32
        %add3A_197 = arith.addi %scan3A_184, %add3A_196 : i32
        %min3A = arith.constant 124 : i32
        %min3A_198 = arith.minsi %add3A_197, %min3A : i32
        %add3A_199 = arith.addi %mul3A_3, %min3A_198 : i32
        %dma_start3A_200 = arith.constant 0 : i32
        %dma_start3A_201 = tpu.memref_slice %arg3[%add3A_199, %dma_start3A_200] : memref<4000x80xi32, #tpu.memory_space<hbm>> -> memref<1x80xi32, #tpu.memory_space<hbm>>
        %dma_start3A_202 = tpu.memref_squeeze %dma_start3A_201 : memref<1x80xi32, #tpu.memory_space<hbm>> -> memref<80xi32, #tpu.memory_space<hbm>>
        %dma_start3A_203 = arith.constant 0 : i32
        %dma_start3A_204 = tpu.memref_slice %arg3[%add3A_199, %dma_start3A_203] : memref<4000x80xi32, #tpu.memory_space<hbm>> -> memref<1x80xi32, #tpu.memory_space<hbm>>
        %dma_start3A_205 = tpu.memref_squeeze %dma_start3A_204 : memref<1x80xi32, #tpu.memory_space<hbm>> -> memref<80xi32, #tpu.memory_space<hbm>>
        tpu.enqueue_dma source(%dma_start3A_205 : memref<80xi32, #tpu.memory_space<hbm>>) target(%arg9 : memref<80xi32, #tpu.memory_space<vmem>>) target_semaphore(%arg17 : memref<!tpu.dma_semaphore, #tpu.memory_space<semaphore_mem>>)
        %dma_start3A_206 = arith.constant 0 : i32
        %dma_start3A_207 = tpu.memref_slice %arg8[%scan3A_184, %dma_start3A_206] : memref<125x80xi32, #tpu.memory_space<vmem>> -> memref<1x80xi32, #tpu.memory_space<vmem>>
        %dma_start3A_208 = tpu.memref_squeeze %dma_start3A_207 : memref<1x80xi32, #tpu.memory_space<vmem>> -> memref<80xi32, #tpu.memory_space<vmem>>
        %dma_start3A_209 = arith.constant 0 : i32
        %dma_start3A_210 = arith.constant 0 : i32
        %dma_start3A_211 = tpu.memref_slice %arg7[%dma_start3A_209, %dma_start3A_210] : memref<10000x128xf32, #tpu.memory_space<vmem_shared>> -> memref<10000x128xf32, #tpu.memory_space<vmem_shared>>
        tpu.enqueue_indirect_dma source(%arg11 : memref<80x128xf32, #tpu.memory_space<vmem>>) target(%dma_start3A_211 : memref<10000x128xf32, #tpu.memory_space<vmem_shared>>) offsets(%dma_start3A_208 : memref<80xi32, #tpu.memory_space<vmem>>) semaphore(%arg15 : memref<!tpu.dma_semaphore, #tpu.memory_space<semaphore_mem>>) {add = true}
        %dma_start3A_212 = arith.constant 0 : i32
        %dma_start3A_213 = tpu.memref_slice %arg8[%scan3A_184, %dma_start3A_212] : memref<125x80xi32, #tpu.memory_space<vmem>> -> memref<1x80xi32, #tpu.memory_space<vmem>>
        %dma_start3A_214 = tpu.memref_squeeze %dma_start3A_213 : memref<1x80xi32, #tpu.memory_space<vmem>> -> memref<80xi32, #tpu.memory_space<vmem>>
        %dma_start3A_215 = arith.constant 0 : i32
        %dma_start3A_216 = arith.constant 0 : i32
        %dma_start3A_217 = tpu.memref_slice %arg19[%dma_start3A_215, %dma_start3A_216] : memref<10000x16xf32, #tpu.memory_space<vmem_shared>> -> memref<10000x16xf32, #tpu.memory_space<vmem_shared>>
        tpu.enqueue_indirect_dma source(%arg20 : memref<80x16xf32, #tpu.memory_space<vmem>>) target(%dma_start3A_217 : memref<10000x16xf32, #tpu.memory_space<vmem_shared>>) offsets(%dma_start3A_214 : memref<80xi32, #tpu.memory_space<vmem>>) semaphore(%arg21 : memref<!tpu.dma_semaphore, #tpu.memory_space<semaphore_mem>>) {add = true}
        %ge3A = arith.constant 1 : i32
        %ge3A_218 = arith.cmpi sge, %scan3A_184, %ge3A : i32
        %convert_element_type3A_219 = arith.extui %ge3A_218 : i1 to i32
        %cond3A_220 = arith.constant 0 : i32
        %cond3A_221 = arith.cmpi ne, %convert_element_type3A_219, %cond3A_220 : i32
        scf.if %cond3A_221 {
          %dma_wait3A_231 = arith.constant 0 : i32
          %dma_wait3A_232 = tpu.memref_slice %arg8[%scan3A_184, %dma_wait3A_231] : memref<125x80xi32, #tpu.memory_space<vmem>> -> memref<1x80xi32, #tpu.memory_space<vmem>>
          %dma_wait3A_233 = tpu.memref_squeeze %dma_wait3A_232 : memref<1x80xi32, #tpu.memory_space<vmem>> -> memref<80xi32, #tpu.memory_space<vmem>>
          %dma_wait3A_234 = arith.constant 0 : i32
          %dma_wait3A_235 = arith.constant 0 : i32
          %dma_wait3A_236 = tpu.memref_slice %arg7[%dma_wait3A_234, %dma_wait3A_235] : memref<10000x128xf32, #tpu.memory_space<vmem_shared>> -> memref<10000x128xf32, #tpu.memory_space<vmem_shared>>
          tpu.wait_indirect_dma semaphore(%arg16 : memref<!tpu.dma_semaphore, #tpu.memory_space<semaphore_mem>>) src(%arg12 : memref<80x128xf32, #tpu.memory_space<vmem>>) dst(%dma_wait3A_236 : memref<10000x128xf32, #tpu.memory_space<vmem_shared>>)
          %dma_wait3A_237 = arith.constant 0 : i32
          %dma_wait3A_238 = tpu.memref_slice %arg8[%scan3A_184, %dma_wait3A_237] : memref<125x80xi32, #tpu.memory_space<vmem>> -> memref<1x80xi32, #tpu.memory_space<vmem>>
          %dma_wait3A_239 = tpu.memref_squeeze %dma_wait3A_238 : memref<1x80xi32, #tpu.memory_space<vmem>> -> memref<80xi32, #tpu.memory_space<vmem>>
          %dma_wait3A_240 = arith.constant 0 : i32
          %dma_wait3A_241 = arith.constant 0 : i32
          %dma_wait3A_242 = tpu.memref_slice %arg19[%dma_wait3A_240, %dma_wait3A_241] : memref<10000x16xf32, #tpu.memory_space<vmem_shared>> -> memref<10000x16xf32, #tpu.memory_space<vmem_shared>>
          tpu.wait_indirect_dma semaphore(%arg22 : memref<!tpu.dma_semaphore, #tpu.memory_space<semaphore_mem>>) src(%arg20 : memref<80x16xf32, #tpu.memory_space<vmem>>) dst(%dma_wait3A_242 : memref<10000x16xf32, #tpu.memory_space<vmem_shared>>)
        } else {
        }
        %dma_wait3A_222 = arith.constant 0 : i32
        %dma_wait3A_223 = tpu.memref_slice %arg3[%mul3A_3, %dma_wait3A_222] : memref<4000x80xi32, #tpu.memory_space<hbm>> -> memref<1x80xi32, #tpu.memory_space<hbm>>
        %dma_wait3A_224 = tpu.memref_squeeze %dma_wait3A_223 : memref<1x80xi32, #tpu.memory_space<hbm>> -> memref<80xi32, #tpu.memory_space<hbm>>
        %dma_wait3A_225 = arith.constant 0 : i32
        %dma_wait3A_226 = tpu.memref_slice %arg3[%mul3A_3, %dma_wait3A_225] : memref<4000x80xi32, #tpu.memory_space<hbm>> -> memref<1x80xi32, #tpu.memory_space<hbm>>
        %dma_wait3A_227 = tpu.memref_squeeze %dma_wait3A_226 : memref<1x80xi32, #tpu.memory_space<hbm>> -> memref<80xi32, #tpu.memory_space<hbm>>
        tpu.wait_dma2 semaphore(%arg18 : memref<!tpu.dma_semaphore, #tpu.memory_space<semaphore_mem>>) src(%dma_wait3A_227 : memref<80xi32, #tpu.memory_space<hbm>>) dst(%arg10 : memref<80xi32, #tpu.memory_space<vmem>>)
        %dma_start3A_228 = arith.constant 0 : i32
        %dma_start3A_229 = arith.constant 0 : i32
        %dma_start3A_230 = tpu.memref_slice %arg2[%dma_start3A_228, %dma_start3A_229] : memref<10000x128xf32, #tpu.memory_space<hbm>> -> memref<10000x128xf32, #tpu.memory_space<hbm>>
        tpu.enqueue_indirect_dma source(%dma_start3A_230 : memref<10000x128xf32, #tpu.memory_space<hbm>>) target(%arg12 : memref<80x128xf32, #tpu.memory_space<vmem>>) offsets(%arg10 : memref<80xi32, #tpu.memory_space<vmem>>) semaphore(%arg14 : memref<!tpu.dma_semaphore, #tpu.memory_space<semaphore_mem>>)
      }
      %scan3A_192 = arith.constant 0 : i32
      scf.yield %scan3A_192 : i32
    }
    %scan3A_123 = arith.constant 124 : i32
    %dma_wait3A_124 = arith.constant 0 : i32
    %dma_wait3A_125 = arith.constant 0 : i32
    %dma_wait3A_126 = tpu.memref_slice %arg2[%dma_wait3A_124, %dma_wait3A_125] : memref<10000x128xf32, #tpu.memory_space<hbm>> -> memref<10000x128xf32, #tpu.memory_space<hbm>>
    tpu.wait_indirect_dma semaphore(%arg13 : memref<!tpu.dma_semaphore, #tpu.memory_space<semaphore_mem>>) src(%dma_wait3A_126 : memref<10000x128xf32, #tpu.memory_space<hbm>>) dst(%arg11 : memref<80x128xf32, #tpu.memory_space<vmem>>)
    %dma_start3A_127 = arith.constant 124 : i32
    %dma_start3A_128 = arith.constant 0 : i32
    %dma_start3A_129 = tpu.memref_slice %arg8[%dma_start3A_127, %dma_start3A_128] : memref<125x80xi32, #tpu.memory_space<vmem>> -> memref<1x80xi32, #tpu.memory_space<vmem>>
    %dma_start3A_130 = tpu.memref_squeeze %dma_start3A_129 : memref<1x80xi32, #tpu.memory_space<vmem>> -> memref<80xi32, #tpu.memory_space<vmem>>
    %dma_start3A_131 = arith.constant 0 : i32
    %dma_start3A_132 = arith.constant 0 : i32
    %dma_start3A_133 = tpu.memref_slice %arg7[%dma_start3A_131, %dma_start3A_132] : memref<10000x128xf32, #tpu.memory_space<vmem_shared>> -> memref<10000x128xf32, #tpu.memory_space<vmem_shared>>
    tpu.enqueue_indirect_dma source(%arg11 : memref<80x128xf32, #tpu.memory_space<vmem>>) target(%dma_start3A_133 : memref<10000x128xf32, #tpu.memory_space<vmem_shared>>) offsets(%dma_start3A_130 : memref<80xi32, #tpu.memory_space<vmem>>) semaphore(%arg15 : memref<!tpu.dma_semaphore, #tpu.memory_space<semaphore_mem>>) {add = true}
    %dma_start3A_134 = arith.constant 124 : i32
    %dma_start3A_135 = arith.constant 0 : i32
    %dma_start3A_136 = tpu.memref_slice %arg8[%dma_start3A_134, %dma_start3A_135] : memref<125x80xi32, #tpu.memory_space<vmem>> -> memref<1x80xi32, #tpu.memory_space<vmem>>
    %dma_start3A_137 = tpu.memref_squeeze %dma_start3A_136 : memref<1x80xi32, #tpu.memory_space<vmem>> -> memref<80xi32, #tpu.memory_space<vmem>>
    %dma_start3A_138 = arith.constant 0 : i32
    %dma_start3A_139 = arith.constant 0 : i32
    %dma_start3A_140 = tpu.memref_slice %arg19[%dma_start3A_138, %dma_start3A_139] : memref<10000x16xf32, #tpu.memory_space<vmem_shared>> -> memref<10000x16xf32, #tpu.memory_space<vmem_shared>>
    tpu.enqueue_indirect_dma source(%arg20 : memref<80x16xf32, #tpu.memory_space<vmem>>) target(%dma_start3A_140 : memref<10000x16xf32, #tpu.memory_space<vmem_shared>>) offsets(%dma_start3A_137 : memref<80xi32, #tpu.memory_space<vmem>>) semaphore(%arg21 : memref<!tpu.dma_semaphore, #tpu.memory_space<semaphore_mem>>) {add = true}
    %dma_wait3A_141 = arith.constant 0 : i32
    %dma_wait3A_142 = arith.constant 0 : i32
    %dma_wait3A_143 = tpu.memref_slice %arg8[%dma_wait3A_141, %dma_wait3A_142] : memref<125x80xi32, #tpu.memory_space<vmem>> -> memref<1x80xi32, #tpu.memory_space<vmem>>
    %dma_wait3A_144 = tpu.memref_squeeze %dma_wait3A_143 : memref<1x80xi32, #tpu.memory_space<vmem>> -> memref<80xi32, #tpu.memory_space<vmem>>
    %dma_wait3A_145 = arith.constant 0 : i32
    %dma_wait3A_146 = arith.constant 0 : i32
    %dma_wait3A_147 = tpu.memref_slice %arg7[%dma_wait3A_145, %dma_wait3A_146] : memref<10000x128xf32, #tpu.memory_space<vmem_shared>> -> memref<10000x128xf32, #tpu.memory_space<vmem_shared>>
    tpu.wait_indirect_dma semaphore(%arg15 : memref<!tpu.dma_semaphore, #tpu.memory_space<semaphore_mem>>) src(%arg11 : memref<80x128xf32, #tpu.memory_space<vmem>>) dst(%dma_wait3A_147 : memref<10000x128xf32, #tpu.memory_space<vmem_shared>>)
    %dma_wait3A_148 = arith.constant 0 : i32
    %dma_wait3A_149 = arith.constant 0 : i32
    %dma_wait3A_150 = tpu.memref_slice %arg8[%dma_wait3A_148, %dma_wait3A_149] : memref<125x80xi32, #tpu.memory_space<vmem>> -> memref<1x80xi32, #tpu.memory_space<vmem>>
    %dma_wait3A_151 = tpu.memref_squeeze %dma_wait3A_150 : memref<1x80xi32, #tpu.memory_space<vmem>> -> memref<80xi32, #tpu.memory_space<vmem>>
    %dma_wait3A_152 = arith.constant 0 : i32
    %dma_wait3A_153 = arith.constant 0 : i32
    %dma_wait3A_154 = tpu.memref_slice %arg19[%dma_wait3A_152, %dma_wait3A_153] : memref<10000x16xf32, #tpu.memory_space<vmem_shared>> -> memref<10000x16xf32, #tpu.memory_space<vmem_shared>>
    tpu.wait_indirect_dma semaphore(%arg21 : memref<!tpu.dma_semaphore, #tpu.memory_space<semaphore_mem>>) src(%arg20 : memref<80x16xf32, #tpu.memory_space<vmem>>) dst(%dma_wait3A_154 : memref<10000x16xf32, #tpu.memory_space<vmem_shared>>)
    %dma_wait3A_155 = arith.constant 0 : i32
    %dma_wait3A_156 = arith.constant 0 : i32
    %dma_wait3A_157 = tpu.memref_slice %arg8[%dma_wait3A_155, %dma_wait3A_156] : memref<125x80xi32, #tpu.memory_space<vmem>> -> memref<1x80xi32, #tpu.memory_space<vmem>>
    %dma_wait3A_158 = tpu.memref_squeeze %dma_wait3A_157 : memref<1x80xi32, #tpu.memory_space<vmem>> -> memref<80xi32, #tpu.memory_space<vmem>>
    %dma_wait3A_159 = arith.constant 0 : i32
    %dma_wait3A_160 = arith.constant 0 : i32
    %dma_wait3A_161 = tpu.memref_slice %arg7[%dma_wait3A_159, %dma_wait3A_160] : memref<10000x128xf32, #tpu.memory_space<vmem_shared>> -> memref<10000x128xf32, #tpu.memory_space<vmem_shared>>
    tpu.wait_indirect_dma semaphore(%arg16 : memref<!tpu.dma_semaphore, #tpu.memory_space<semaphore_mem>>) src(%arg12 : memref<80x128xf32, #tpu.memory_space<vmem>>) dst(%dma_wait3A_161 : memref<10000x128xf32, #tpu.memory_space<vmem_shared>>)
    %dma_wait3A_162 = arith.constant 0 : i32
    %dma_wait3A_163 = arith.constant 0 : i32
    %dma_wait3A_164 = tpu.memref_slice %arg8[%dma_wait3A_162, %dma_wait3A_163] : memref<125x80xi32, #tpu.memory_space<vmem>> -> memref<1x80xi32, #tpu.memory_space<vmem>>
    %dma_wait3A_165 = tpu.memref_squeeze %dma_wait3A_164 : memref<1x80xi32, #tpu.memory_space<vmem>> -> memref<80xi32, #tpu.memory_space<vmem>>
    %dma_wait3A_166 = arith.constant 0 : i32
    %dma_wait3A_167 = arith.constant 0 : i32
    %dma_wait3A_168 = tpu.memref_slice %arg19[%dma_wait3A_166, %dma_wait3A_167] : memref<10000x16xf32, #tpu.memory_space<vmem_shared>> -> memref<10000x16xf32, #tpu.memory_space<vmem_shared>>
    tpu.wait_indirect_dma semaphore(%arg22 : memref<!tpu.dma_semaphore, #tpu.memory_space<semaphore_mem>>) src(%arg20 : memref<80x16xf32, #tpu.memory_space<vmem>>) dst(%dma_wait3A_168 : memref<10000x16xf32, #tpu.memory_space<vmem_shared>>)
    %dma_wait3A_169 = arith.constant 0 : i32
    %dma_wait3A_170 = tpu.memref_slice %arg3[%mul3A_3, %dma_wait3A_169] : memref<4000x80xi32, #tpu.memory_space<hbm>> -> memref<1x80xi32, #tpu.memory_space<hbm>>
    %dma_wait3A_171 = tpu.memref_squeeze %dma_wait3A_170 : memref<1x80xi32, #tpu.memory_space<hbm>> -> memref<80xi32, #tpu.memory_space<hbm>>
    %dma_wait3A_172 = arith.constant 0 : i32
    %dma_wait3A_173 = tpu.memref_slice %arg3[%mul3A_3, %dma_wait3A_172] : memref<4000x80xi32, #tpu.memory_space<hbm>> -> memref<1x80xi32, #tpu.memory_space<hbm>>
    %dma_wait3A_174 = tpu.memref_squeeze %dma_wait3A_173 : memref<1x80xi32, #tpu.memory_space<hbm>> -> memref<80xi32, #tpu.memory_space<hbm>>
    tpu.wait_dma2 semaphore(%arg18 : memref<!tpu.dma_semaphore, #tpu.memory_space<semaphore_mem>>) src(%dma_wait3A_174 : memref<80xi32, #tpu.memory_space<hbm>>) dst(%arg10 : memref<80xi32, #tpu.memory_space<vmem>>)
    %barrier3A_175 = arith.constant 0 : index
    tpu.barrier barrier_id(%barrier3A_175)
    %mul3A_176 = arith.constant 624 : i32
    %mul3A_177 = arith.muli %arg1, %mul3A_176 : i32
    "tpu.region"() ({
      %run_scoped3A = tpu.sem_alloc : memref<!tpu.dma_semaphore, #tpu.memory_space<semaphore_mem>>
      %dma_start3A_184 = arith.constant 0 : i32
      %dma_start3A_185 = tpu.memref_slice %arg5[%arg0, %mul3A_177, %dma_start3A_184] : memref<2x10000x128xf32, #tpu.memory_space<hbm>> -> memref<1x624x128xf32, #tpu.memory_space<hbm>>
      %dma_start3A_186 = tpu.memref_squeeze %dma_start3A_185 : memref<1x624x128xf32, #tpu.memory_space<hbm>> -> memref<624x128xf32, #tpu.memory_space<hbm>>
      %dma_start3A_187 = arith.constant 0 : i32
      %dma_start3A_188 = tpu.memref_slice %arg7[%mul3A_177, %dma_start3A_187] : memref<10000x128xf32, #tpu.memory_space<vmem_shared>> -> memref<624x128xf32, #tpu.memory_space<vmem_shared>>
      tpu.enqueue_dma source(%dma_start3A_188 : memref<624x128xf32, #tpu.memory_space<vmem_shared>>) target(%dma_start3A_186 : memref<624x128xf32, #tpu.memory_space<hbm>>) target_semaphore(%run_scoped3A : memref<!tpu.dma_semaphore, #tpu.memory_space<semaphore_mem>>)
      %dma_wait3A_189 = arith.constant 0 : i32
      %dma_wait3A_190 = tpu.memref_slice %arg5[%arg0, %mul3A_177, %dma_wait3A_189] : memref<2x10000x128xf32, #tpu.memory_space<hbm>> -> memref<1x624x128xf32, #tpu.memory_space<hbm>>
      %dma_wait3A_191 = tpu.memref_squeeze %dma_wait3A_190 : memref<1x624x128xf32, #tpu.memory_space<hbm>> -> memref<624x128xf32, #tpu.memory_space<hbm>>
      %dma_wait3A_192 = arith.constant 0 : i32
      %dma_wait3A_193 = tpu.memref_slice %arg7[%mul3A_177, %dma_wait3A_192] : memref<10000x128xf32, #tpu.memory_space<vmem_shared>> -> memref<624x128xf32, #tpu.memory_space<vmem_shared>>
      tpu.wait_dma2 semaphore(%run_scoped3A : memref<!tpu.dma_semaphore, #tpu.memory_space<semaphore_mem>>) src(%dma_wait3A_193 : memref<624x128xf32, #tpu.memory_space<vmem_shared>>) dst(%dma_wait3A_191 : memref<624x128xf32, #tpu.memory_space<hbm>>)
      tpu.yield
    }) : () -> ()
    %convert_element_type3A_178 = arith.extui %eq3A_1 : i1 to i32
    %cond3A_179 = arith.constant 0 : i32
    %cond3A_180 = arith.cmpi ne, %convert_element_type3A_178, %cond3A_179 : i32
    scf.if %cond3A_180 {
      "tpu.region"() ({
        %run_scoped3A = tpu.sem_alloc : memref<!tpu.dma_semaphore, #tpu.memory_space<semaphore_mem>>
        %dma_start3A_184 = arith.constant 9984 : i32
        %dma_start3A_185 = arith.constant 0 : i32
        %dma_start3A_186 = tpu.memref_slice %arg5[%arg0, %dma_start3A_184, %dma_start3A_185] : memref<2x10000x128xf32, #tpu.memory_space<hbm>> -> memref<1x16x128xf32, #tpu.memory_space<hbm>>
        %dma_start3A_187 = tpu.memref_squeeze %dma_start3A_186 : memref<1x16x128xf32, #tpu.memory_space<hbm>> -> memref<16x128xf32, #tpu.memory_space<hbm>>
        %dma_start3A_188 = arith.constant 9984 : i32
        %dma_start3A_189 = arith.constant 0 : i32
        %dma_start3A_190 = tpu.memref_slice %arg7[%dma_start3A_188, %dma_start3A_189] : memref<10000x128xf32, #tpu.memory_space<vmem_shared>> -> memref<16x128xf32, #tpu.memory_space<vmem_shared>>
        tpu.enqueue_dma source(%dma_start3A_190 : memref<16x128xf32, #tpu.memory_space<vmem_shared>>) target(%dma_start3A_187 : memref<16x128xf32, #tpu.memory_space<hbm>>) target_semaphore(%run_scoped3A : memref<!tpu.dma_semaphore, #tpu.memory_space<semaphore_mem>>)
        %dma_wait3A_191 = arith.constant 9984 : i32
        %dma_wait3A_192 = arith.constant 0 : i32
        %dma_wait3A_193 = tpu.memref_slice %arg5[%arg0, %dma_wait3A_191, %dma_wait3A_192] : memref<2x10000x128xf32, #tpu.memory_space<hbm>> -> memref<1x16x128xf32, #tpu.memory_space<hbm>>
        %dma_wait3A_194 = tpu.memref_squeeze %dma_wait3A_193 : memref<1x16x128xf32, #tpu.memory_space<hbm>> -> memref<16x128xf32, #tpu.memory_space<hbm>>
        %dma_wait3A_195 = arith.constant 9984 : i32
        %dma_wait3A_196 = arith.constant 0 : i32
        %dma_wait3A_197 = tpu.memref_slice %arg7[%dma_wait3A_195, %dma_wait3A_196] : memref<10000x128xf32, #tpu.memory_space<vmem_shared>> -> memref<16x128xf32, #tpu.memory_space<vmem_shared>>
        tpu.wait_dma2 semaphore(%run_scoped3A : memref<!tpu.dma_semaphore, #tpu.memory_space<semaphore_mem>>) src(%dma_wait3A_197 : memref<16x128xf32, #tpu.memory_space<vmem_shared>>) dst(%dma_wait3A_194 : memref<16x128xf32, #tpu.memory_space<hbm>>)
        tpu.yield
      }) : () -> ()
    } else {
    }
    "tpu.region"() ({
      %run_scoped3A = tpu.sem_alloc : memref<!tpu.dma_semaphore, #tpu.memory_space<semaphore_mem>>
      %dma_start3A_184 = arith.constant 0 : i32
      %dma_start3A_185 = tpu.memref_slice %arg6[%arg0, %mul3A_177, %dma_start3A_184] : memref<2x10000x16xf32, #tpu.memory_space<hbm>> -> memref<1x624x16xf32, #tpu.memory_space<hbm>>
      %dma_start3A_186 = tpu.memref_squeeze %dma_start3A_185 : memref<1x624x16xf32, #tpu.memory_space<hbm>> -> memref<624x16xf32, #tpu.memory_space<hbm>>
      %dma_start3A_187 = arith.constant 0 : i32
      %dma_start3A_188 = tpu.memref_slice %arg19[%mul3A_177, %dma_start3A_187] : memref<10000x16xf32, #tpu.memory_space<vmem_shared>> -> memref<624x16xf32, #tpu.memory_space<vmem_shared>>
      tpu.enqueue_dma source(%dma_start3A_188 : memref<624x16xf32, #tpu.memory_space<vmem_shared>>) target(%dma_start3A_186 : memref<624x16xf32, #tpu.memory_space<hbm>>) target_semaphore(%run_scoped3A : memref<!tpu.dma_semaphore, #tpu.memory_space<semaphore_mem>>)
      %dma_wait3A_189 = arith.constant 0 : i32
      %dma_wait3A_190 = tpu.memref_slice %arg6[%arg0, %mul3A_177, %dma_wait3A_189] : memref<2x10000x16xf32, #tpu.memory_space<hbm>> -> memref<1x624x16xf32, #tpu.memory_space<hbm>>
      %dma_wait3A_191 = tpu.memref_squeeze %dma_wait3A_190 : memref<1x624x16xf32, #tpu.memory_space<hbm>> -> memref<624x16xf32, #tpu.memory_space<hbm>>
      %dma_wait3A_192 = arith.constant 0 : i32
      %dma_wait3A_193 = tpu.memref_slice %arg19[%mul3A_177, %dma_wait3A_192] : memref<10000x16xf32, #tpu.memory_space<vmem_shared>> -> memref<624x16xf32, #tpu.memory_space<vmem_shared>>
      tpu.wait_dma2 semaphore(%run_scoped3A : memref<!tpu.dma_semaphore, #tpu.memory_space<semaphore_mem>>) src(%dma_wait3A_193 : memref<624x16xf32, #tpu.memory_space<vmem_shared>>) dst(%dma_wait3A_191 : memref<624x16xf32, #tpu.memory_space<hbm>>)
      tpu.yield
    }) : () -> ()
    %convert_element_type3A_181 = arith.extui %eq3A_1 : i1 to i32
    %cond3A_182 = arith.constant 0 : i32
    %cond3A_183 = arith.cmpi ne, %convert_element_type3A_181, %cond3A_182 : i32
    scf.if %cond3A_183 {
      "tpu.region"() ({
        %run_scoped3A = tpu.sem_alloc : memref<!tpu.dma_semaphore, #tpu.memory_space<semaphore_mem>>
        %dma_start3A_184 = arith.constant 9984 : i32
        %dma_start3A_185 = arith.constant 0 : i32
        %dma_start3A_186 = tpu.memref_slice %arg6[%arg0, %dma_start3A_184, %dma_start3A_185] : memref<2x10000x16xf32, #tpu.memory_space<hbm>> -> memref<1x16x16xf32, #tpu.memory_space<hbm>>
        %dma_start3A_187 = tpu.memref_squeeze %dma_start3A_186 : memref<1x16x16xf32, #tpu.memory_space<hbm>> -> memref<16x16xf32, #tpu.memory_space<hbm>>
        %dma_start3A_188 = arith.constant 9984 : i32
        %dma_start3A_189 = arith.constant 0 : i32
        %dma_start3A_190 = tpu.memref_slice %arg19[%dma_start3A_188, %dma_start3A_189] : memref<10000x16xf32, #tpu.memory_space<vmem_shared>> -> memref<16x16xf32, #tpu.memory_space<vmem_shared>>
        tpu.enqueue_dma source(%dma_start3A_190 : memref<16x16xf32, #tpu.memory_space<vmem_shared>>) target(%dma_start3A_187 : memref<16x16xf32, #tpu.memory_space<hbm>>) target_semaphore(%run_scoped3A : memref<!tpu.dma_semaphore, #tpu.memory_space<semaphore_mem>>)
        %dma_wait3A_191 = arith.constant 9984 : i32
        %dma_wait3A_192 = arith.constant 0 : i32
        %dma_wait3A_193 = tpu.memref_slice %arg6[%arg0, %dma_wait3A_191, %dma_wait3A_192] : memref<2x10000x16xf32, #tpu.memory_space<hbm>> -> memref<1x16x16xf32, #tpu.memory_space<hbm>>
        %dma_wait3A_194 = tpu.memref_squeeze %dma_wait3A_193 : memref<1x16x16xf32, #tpu.memory_space<hbm>> -> memref<16x16xf32, #tpu.memory_space<hbm>>
        %dma_wait3A_195 = arith.constant 9984 : i32
        %dma_wait3A_196 = arith.constant 0 : i32
        %dma_wait3A_197 = tpu.memref_slice %arg19[%dma_wait3A_195, %dma_wait3A_196] : memref<10000x16xf32, #tpu.memory_space<vmem_shared>> -> memref<16x16xf32, #tpu.memory_space<vmem_shared>>
        tpu.wait_dma2 semaphore(%run_scoped3A : memref<!tpu.dma_semaphore, #tpu.memory_space<semaphore_mem>>) src(%dma_wait3A_197 : memref<16x16xf32, #tpu.memory_space<vmem_shared>>) dst(%dma_wait3A_194 : memref<16x16xf32, #tpu.memory_space<hbm>>)
        tpu.yield
      }) : () -> ()
    } else {
    }
    return
  }
}

#map = affine_map<(d0, d1) -> (0, 0)>
#map1 = affine_map<(d0, d1) -> (0, 0, 0)>
module attributes {stable_mosaic.version = 14 : i64} {
  func.func @k(%arg0: i32, %arg1: i32, %arg2: memref<10000x128xf32, #tpu.memory_space<hbm>>, %arg3: memref<2560x125xi32, #tpu.memory_space<hbm>>, %arg4: memref<2560x125xi32, #tpu.memory_space<hbm>>, %arg5: memref<2x10000x128xf32, #tpu.memory_space<hbm>>, %arg6: memref<10000x128xf32, #tpu.memory_space<vmem_shared>>, %arg7: memref<80x125xi32, #tpu.memory_space<vmem>>, %arg8: memref<125xi32, #tpu.memory_space<vmem>>, %arg9: memref<125xi32, #tpu.memory_space<vmem>>, %arg10: memref<125x128xf32, #tpu.memory_space<vmem>>, %arg11: memref<125x128xf32, #tpu.memory_space<vmem>>, %arg12: memref<!tpu.dma_semaphore, #tpu.memory_space<semaphore_mem>>, %arg13: memref<!tpu.dma_semaphore, #tpu.memory_space<semaphore_mem>>, %arg14: memref<!tpu.dma_semaphore, #tpu.memory_space<semaphore_mem>>, %arg15: memref<!tpu.dma_semaphore, #tpu.memory_space<semaphore_mem>>, %arg16: memref<!tpu.dma_semaphore, #tpu.memory_space<semaphore_mem>>, %arg17: memref<!tpu.dma_semaphore, #tpu.memory_space<semaphore_mem>>) attributes {dimension_semantics = [#tpu.dimension_semantics<core_parallel>, #tpu.dimension_semantics<subcore_parallel>], iteration_bounds = array<i64: 2, 16>, scalar_prefetch = 0 : i64, scratch_operands = 12 : i64, tpu.core_type = #tpu.core_type<sc_vector_subcore>, window_params = [{transform_indices = #map}, {transform_indices = #map}, {transform_indices = #map}, {transform_indices = #map1}]} {
    %mul3A = arith.constant 16 : i32
    %mul3A_0 = arith.muli %arg0, %mul3A : i32
    %add3A = arith.addi %mul3A_0, %arg1 : i32
    %eq3A = arith.constant 15 : i32
    %eq3A_1 = arith.cmpi eq, %arg1, %eq3A : i32
    %mul3A_2 = arith.constant 80 : i32
    %mul3A_3 = arith.muli %add3A, %mul3A_2 : i32
    %dma_start3A = arith.constant 0 : i32
    %dma_start3A_4 = tpu.memref_slice %arg4[%mul3A_3, %dma_start3A] : memref<2560x125xi32, #tpu.memory_space<hbm>> -> memref<80x125xi32, #tpu.memory_space<hbm>>
    %dma_start3A_5 = arith.constant 0 : i32
    %dma_start3A_6 = tpu.memref_slice %arg4[%mul3A_3, %dma_start3A_5] : memref<2560x125xi32, #tpu.memory_space<hbm>> -> memref<80x125xi32, #tpu.memory_space<hbm>>
    tpu.enqueue_dma source(%dma_start3A_6 : memref<80x125xi32, #tpu.memory_space<hbm>>) target(%arg7 : memref<80x125xi32, #tpu.memory_space<vmem>>) target_semaphore(%arg16 : memref<!tpu.dma_semaphore, #tpu.memory_space<semaphore_mem>>)
    "tpu.region"() ({
      %run_scoped3A = tpu.sem_alloc : memref<!tpu.dma_semaphore, #tpu.memory_space<semaphore_mem>>
      %dma_start3A_93 = arith.constant 0 : i32
      %dma_start3A_94 = tpu.memref_slice %arg3[%mul3A_3, %dma_start3A_93] : memref<2560x125xi32, #tpu.memory_space<hbm>> -> memref<1x125xi32, #tpu.memory_space<hbm>>
      %dma_start3A_95 = tpu.memref_squeeze %dma_start3A_94 : memref<1x125xi32, #tpu.memory_space<hbm>> -> memref<125xi32, #tpu.memory_space<hbm>>
      %dma_start3A_96 = arith.constant 0 : i32
      %dma_start3A_97 = tpu.memref_slice %arg3[%mul3A_3, %dma_start3A_96] : memref<2560x125xi32, #tpu.memory_space<hbm>> -> memref<1x125xi32, #tpu.memory_space<hbm>>
      %dma_start3A_98 = tpu.memref_squeeze %dma_start3A_97 : memref<1x125xi32, #tpu.memory_space<hbm>> -> memref<125xi32, #tpu.memory_space<hbm>>
      tpu.enqueue_dma source(%dma_start3A_98 : memref<125xi32, #tpu.memory_space<hbm>>) target(%arg8 : memref<125xi32, #tpu.memory_space<vmem>>) target_semaphore(%run_scoped3A : memref<!tpu.dma_semaphore, #tpu.memory_space<semaphore_mem>>)
      %dma_wait3A_99 = arith.constant 0 : i32
      %dma_wait3A_100 = tpu.memref_slice %arg3[%mul3A_3, %dma_wait3A_99] : memref<2560x125xi32, #tpu.memory_space<hbm>> -> memref<1x125xi32, #tpu.memory_space<hbm>>
      %dma_wait3A_101 = tpu.memref_squeeze %dma_wait3A_100 : memref<1x125xi32, #tpu.memory_space<hbm>> -> memref<125xi32, #tpu.memory_space<hbm>>
      %dma_wait3A_102 = arith.constant 0 : i32
      %dma_wait3A_103 = tpu.memref_slice %arg3[%mul3A_3, %dma_wait3A_102] : memref<2560x125xi32, #tpu.memory_space<hbm>> -> memref<1x125xi32, #tpu.memory_space<hbm>>
      %dma_wait3A_104 = tpu.memref_squeeze %dma_wait3A_103 : memref<1x125xi32, #tpu.memory_space<hbm>> -> memref<125xi32, #tpu.memory_space<hbm>>
      tpu.wait_dma2 semaphore(%run_scoped3A : memref<!tpu.dma_semaphore, #tpu.memory_space<semaphore_mem>>) src(%dma_wait3A_104 : memref<125xi32, #tpu.memory_space<hbm>>) dst(%arg8 : memref<125xi32, #tpu.memory_space<vmem>>)
      tpu.yield
    }) : () -> ()
    %dma_start3A_7 = arith.constant 0 : i32
    %dma_start3A_8 = arith.constant 0 : i32
    %dma_start3A_9 = tpu.memref_slice %arg2[%dma_start3A_7, %dma_start3A_8] : memref<10000x128xf32, #tpu.memory_space<hbm>> -> memref<10000x128xf32, #tpu.memory_space<hbm>>
    tpu.enqueue_indirect_dma source(%dma_start3A_9 : memref<10000x128xf32, #tpu.memory_space<hbm>>) target(%arg10 : memref<125x128xf32, #tpu.memory_space<vmem>>) offsets(%arg8 : memref<125xi32, #tpu.memory_space<vmem>>) semaphore(%arg12 : memref<!tpu.dma_semaphore, #tpu.memory_space<semaphore_mem>>)
    %add3A_10 = arith.constant 1 : i32
    %add3A_11 = arith.addi %mul3A_3, %add3A_10 : i32
    %dma_start3A_12 = arith.constant 0 : i32
    %dma_start3A_13 = tpu.memref_slice %arg3[%add3A_11, %dma_start3A_12] : memref<2560x125xi32, #tpu.memory_space<hbm>> -> memref<1x125xi32, #tpu.memory_space<hbm>>
    %dma_start3A_14 = tpu.memref_squeeze %dma_start3A_13 : memref<1x125xi32, #tpu.memory_space<hbm>> -> memref<125xi32, #tpu.memory_space<hbm>>
    %dma_start3A_15 = arith.constant 0 : i32
    %dma_start3A_16 = tpu.memref_slice %arg3[%add3A_11, %dma_start3A_15] : memref<2560x125xi32, #tpu.memory_space<hbm>> -> memref<1x125xi32, #tpu.memory_space<hbm>>
    %dma_start3A_17 = tpu.memref_squeeze %dma_start3A_16 : memref<1x125xi32, #tpu.memory_space<hbm>> -> memref<125xi32, #tpu.memory_space<hbm>>
    tpu.enqueue_dma source(%dma_start3A_17 : memref<125xi32, #tpu.memory_space<hbm>>) target(%arg9 : memref<125xi32, #tpu.memory_space<vmem>>) target_semaphore(%arg17 : memref<!tpu.dma_semaphore, #tpu.memory_space<semaphore_mem>>)
    %broadcast_in_dim3A = arith.constant 0.000000e+00 : f32
    %broadcast_in_dim3A_18 = vector.broadcast %broadcast_in_dim3A : f32 to vector<16xf32>
    %scan3A = arith.constant 0 : i32
    %scan3A_19 = arith.constant 0 : i32
    %scan3A_20 = arith.constant 125 : i32
    %scan3A_21 = arith.addi %scan3A_19, %scan3A_20 : i32
    %scan3A_22 = arith.constant 1 : i32
    %scan3A_23 = scf.for %scan3A_93 = %scan3A_19 to %scan3A_21 step %scan3A_22 iter_args(%scan3A_94 = %scan3A) -> (i32)  : i32 {
      %scan3A_95 = arith.constant 0 : i32
      %scan3A_96 = arith.constant 0 : i32
      %scan3A_97 = arith.constant 8 : i32
      %scan3A_98 = arith.addi %scan3A_96, %scan3A_97 : i32
      %scan3A_99 = arith.constant 1 : i32
      %scan3A_100 = scf.for %scan3A_102 = %scan3A_96 to %scan3A_98 step %scan3A_99 iter_args(%scan3A_103 = %scan3A_95) -> (i32)  : i32 {
        %mul3A_104 = arith.constant 16 : i32
        %mul3A_105 = arith.muli %scan3A_102, %mul3A_104 : i32
        %swap3A = arith.index_cast %scan3A_93 : i32 to index
        %swap3A_106 = arith.index_cast %mul3A_105 : i32 to index
        %swap3A_107 = tpu.vector_load %arg11[%swap3A, %swap3A_106] {strides = array<i32>} : memref<125x128xf32, #tpu.memory_space<vmem>>, vector<1x16xf32>,
        %swap3A_108 = vector.shape_cast %swap3A_107 : vector<1x16xf32> to vector<16xf32>
        %swap3A_109 = vector.shape_cast %broadcast_in_dim3A_18 : vector<16xf32> to vector<1x16xf32>
        tpu.vector_store %arg11[%swap3A, %swap3A_106], %swap3A_109 {strides = array<i32>} : memref<125x128xf32, #tpu.memory_space<vmem>>, vector<1x16xf32>,
        %scan3A_110 = arith.constant 0 : i32
        scf.yield %scan3A_110 : i32
      }
      %scan3A_101 = arith.constant 8 : i32
      scf.yield %scan3A_100 : i32
    }
    %scan3A_24 = arith.constant 125 : i32
    %mul3A_25 = arith.constant 624 : i32
    %mul3A_26 = arith.muli %arg1, %mul3A_25 : i32
    %add3A_27 = arith.constant 0 : i32
    %add3A_28 = arith.addi %mul3A_26, %add3A_27 : i32
    "tpu.region"() ({
      %run_scoped3A = tpu.sem_alloc : memref<!tpu.dma_semaphore, #tpu.memory_space<semaphore_mem>>
      %dma_start3A_93 = arith.constant 0 : i32
      %dma_start3A_94 = tpu.memref_slice %arg6[%add3A_28, %dma_start3A_93] : memref<10000x128xf32, #tpu.memory_space<vmem_shared>> -> memref<125x128xf32, #tpu.memory_space<vmem_shared>>
      %dma_start3A_95 = arith.constant 0 : i32
      %dma_start3A_96 = tpu.memref_slice %arg6[%add3A_28, %dma_start3A_95] : memref<10000x128xf32, #tpu.memory_space<vmem_shared>> -> memref<125x128xf32, #tpu.memory_space<vmem_shared>>
      tpu.enqueue_dma source(%arg11 : memref<125x128xf32, #tpu.memory_space<vmem>>) target(%dma_start3A_96 : memref<125x128xf32, #tpu.memory_space<vmem_shared>>) target_semaphore(%run_scoped3A : memref<!tpu.dma_semaphore, #tpu.memory_space<semaphore_mem>>)
      %dma_wait3A_97 = arith.constant 0 : i32
      %dma_wait3A_98 = tpu.memref_slice %arg6[%add3A_28, %dma_wait3A_97] : memref<10000x128xf32, #tpu.memory_space<vmem_shared>> -> memref<125x128xf32, #tpu.memory_space<vmem_shared>>
      %dma_wait3A_99 = arith.constant 0 : i32
      %dma_wait3A_100 = tpu.memref_slice %arg6[%add3A_28, %dma_wait3A_99] : memref<10000x128xf32, #tpu.memory_space<vmem_shared>> -> memref<125x128xf32, #tpu.memory_space<vmem_shared>>
      tpu.wait_dma2 semaphore(%run_scoped3A : memref<!tpu.dma_semaphore, #tpu.memory_space<semaphore_mem>>) src(%arg11 : memref<125x128xf32, #tpu.memory_space<vmem>>) dst(%dma_wait3A_100 : memref<125x128xf32, #tpu.memory_space<vmem_shared>>)
      tpu.yield
    }) : () -> ()
    %mul3A_29 = arith.constant 624 : i32
    %mul3A_30 = arith.muli %arg1, %mul3A_29 : i32
    %add3A_31 = arith.constant 125 : i32
    %add3A_32 = arith.addi %mul3A_30, %add3A_31 : i32
    "tpu.region"() ({
      %run_scoped3A = tpu.sem_alloc : memref<!tpu.dma_semaphore, #tpu.memory_space<semaphore_mem>>
      %dma_start3A_93 = arith.constant 0 : i32
      %dma_start3A_94 = tpu.memref_slice %arg6[%add3A_32, %dma_start3A_93] : memref<10000x128xf32, #tpu.memory_space<vmem_shared>> -> memref<125x128xf32, #tpu.memory_space<vmem_shared>>
      %dma_start3A_95 = arith.constant 0 : i32
      %dma_start3A_96 = tpu.memref_slice %arg6[%add3A_32, %dma_start3A_95] : memref<10000x128xf32, #tpu.memory_space<vmem_shared>> -> memref<125x128xf32, #tpu.memory_space<vmem_shared>>
      tpu.enqueue_dma source(%arg11 : memref<125x128xf32, #tpu.memory_space<vmem>>) target(%dma_start3A_96 : memref<125x128xf32, #tpu.memory_space<vmem_shared>>) target_semaphore(%run_scoped3A : memref<!tpu.dma_semaphore, #tpu.memory_space<semaphore_mem>>)
      %dma_wait3A_97 = arith.constant 0 : i32
      %dma_wait3A_98 = tpu.memref_slice %arg6[%add3A_32, %dma_wait3A_97] : memref<10000x128xf32, #tpu.memory_space<vmem_shared>> -> memref<125x128xf32, #tpu.memory_space<vmem_shared>>
      %dma_wait3A_99 = arith.constant 0 : i32
      %dma_wait3A_100 = tpu.memref_slice %arg6[%add3A_32, %dma_wait3A_99] : memref<10000x128xf32, #tpu.memory_space<vmem_shared>> -> memref<125x128xf32, #tpu.memory_space<vmem_shared>>
      tpu.wait_dma2 semaphore(%run_scoped3A : memref<!tpu.dma_semaphore, #tpu.memory_space<semaphore_mem>>) src(%arg11 : memref<125x128xf32, #tpu.memory_space<vmem>>) dst(%dma_wait3A_100 : memref<125x128xf32, #tpu.memory_space<vmem_shared>>)
      tpu.yield
    }) : () -> ()
    %mul3A_33 = arith.constant 624 : i32
    %mul3A_34 = arith.muli %arg1, %mul3A_33 : i32
    %add3A_35 = arith.constant 250 : i32
    %add3A_36 = arith.addi %mul3A_34, %add3A_35 : i32
    "tpu.region"() ({
      %run_scoped3A = tpu.sem_alloc : memref<!tpu.dma_semaphore, #tpu.memory_space<semaphore_mem>>
      %dma_start3A_93 = arith.constant 0 : i32
      %dma_start3A_94 = tpu.memref_slice %arg6[%add3A_36, %dma_start3A_93] : memref<10000x128xf32, #tpu.memory_space<vmem_shared>> -> memref<125x128xf32, #tpu.memory_space<vmem_shared>>
      %dma_start3A_95 = arith.constant 0 : i32
      %dma_start3A_96 = tpu.memref_slice %arg6[%add3A_36, %dma_start3A_95] : memref<10000x128xf32, #tpu.memory_space<vmem_shared>> -> memref<125x128xf32, #tpu.memory_space<vmem_shared>>
      tpu.enqueue_dma source(%arg11 : memref<125x128xf32, #tpu.memory_space<vmem>>) target(%dma_start3A_96 : memref<125x128xf32, #tpu.memory_space<vmem_shared>>) target_semaphore(%run_scoped3A : memref<!tpu.dma_semaphore, #tpu.memory_space<semaphore_mem>>)
      %dma_wait3A_97 = arith.constant 0 : i32
      %dma_wait3A_98 = tpu.memref_slice %arg6[%add3A_36, %dma_wait3A_97] : memref<10000x128xf32, #tpu.memory_space<vmem_shared>> -> memref<125x128xf32, #tpu.memory_space<vmem_shared>>
      %dma_wait3A_99 = arith.constant 0 : i32
      %dma_wait3A_100 = tpu.memref_slice %arg6[%add3A_36, %dma_wait3A_99] : memref<10000x128xf32, #tpu.memory_space<vmem_shared>> -> memref<125x128xf32, #tpu.memory_space<vmem_shared>>
      tpu.wait_dma2 semaphore(%run_scoped3A : memref<!tpu.dma_semaphore, #tpu.memory_space<semaphore_mem>>) src(%arg11 : memref<125x128xf32, #tpu.memory_space<vmem>>) dst(%dma_wait3A_100 : memref<125x128xf32, #tpu.memory_space<vmem_shared>>)
      tpu.yield
    }) : () -> ()
    %mul3A_37 = arith.constant 624 : i32
    %mul3A_38 = arith.muli %arg1, %mul3A_37 : i32
    %add3A_39 = arith.constant 375 : i32
    %add3A_40 = arith.addi %mul3A_38, %add3A_39 : i32
    "tpu.region"() ({
      %run_scoped3A = tpu.sem_alloc : memref<!tpu.dma_semaphore, #tpu.memory_space<semaphore_mem>>
      %dma_start3A_93 = arith.constant 0 : i32
      %dma_start3A_94 = tpu.memref_slice %arg6[%add3A_40, %dma_start3A_93] : memref<10000x128xf32, #tpu.memory_space<vmem_shared>> -> memref<125x128xf32, #tpu.memory_space<vmem_shared>>
      %dma_start3A_95 = arith.constant 0 : i32
      %dma_start3A_96 = tpu.memref_slice %arg6[%add3A_40, %dma_start3A_95] : memref<10000x128xf32, #tpu.memory_space<vmem_shared>> -> memref<125x128xf32, #tpu.memory_space<vmem_shared>>
      tpu.enqueue_dma source(%arg11 : memref<125x128xf32, #tpu.memory_space<vmem>>) target(%dma_start3A_96 : memref<125x128xf32, #tpu.memory_space<vmem_shared>>) target_semaphore(%run_scoped3A : memref<!tpu.dma_semaphore, #tpu.memory_space<semaphore_mem>>)
      %dma_wait3A_97 = arith.constant 0 : i32
      %dma_wait3A_98 = tpu.memref_slice %arg6[%add3A_40, %dma_wait3A_97] : memref<10000x128xf32, #tpu.memory_space<vmem_shared>> -> memref<125x128xf32, #tpu.memory_space<vmem_shared>>
      %dma_wait3A_99 = arith.constant 0 : i32
      %dma_wait3A_100 = tpu.memref_slice %arg6[%add3A_40, %dma_wait3A_99] : memref<10000x128xf32, #tpu.memory_space<vmem_shared>> -> memref<125x128xf32, #tpu.memory_space<vmem_shared>>
      tpu.wait_dma2 semaphore(%run_scoped3A : memref<!tpu.dma_semaphore, #tpu.memory_space<semaphore_mem>>) src(%arg11 : memref<125x128xf32, #tpu.memory_space<vmem>>) dst(%dma_wait3A_100 : memref<125x128xf32, #tpu.memory_space<vmem_shared>>)
      tpu.yield
    }) : () -> ()
    %mul3A_41 = arith.constant 624 : i32
    %mul3A_42 = arith.muli %arg1, %mul3A_41 : i32
    %add3A_43 = arith.constant 624 : i32
    %add3A_44 = arith.addi %mul3A_42, %add3A_43 : i32
    %sub3A = arith.constant 124 : i32
    %sub3A_45 = arith.subi %add3A_44, %sub3A : i32
    "tpu.region"() ({
      %run_scoped3A = tpu.sem_alloc : memref<!tpu.dma_semaphore, #tpu.memory_space<semaphore_mem>>
      %dma_start3A_93 = arith.constant 0 : i32
      %dma_start3A_94 = arith.constant 0 : i32
      %dma_start3A_95 = tpu.memref_slice %arg11[%dma_start3A_93, %dma_start3A_94] : memref<125x128xf32, #tpu.memory_space<vmem>> -> memref<124x128xf32, #tpu.memory_space<vmem>>
      %dma_start3A_96 = arith.constant 0 : i32
      %dma_start3A_97 = tpu.memref_slice %arg6[%sub3A_45, %dma_start3A_96] : memref<10000x128xf32, #tpu.memory_space<vmem_shared>> -> memref<124x128xf32, #tpu.memory_space<vmem_shared>>
      %dma_start3A_98 = arith.constant 0 : i32
      %dma_start3A_99 = tpu.memref_slice %arg6[%sub3A_45, %dma_start3A_98] : memref<10000x128xf32, #tpu.memory_space<vmem_shared>> -> memref<124x128xf32, #tpu.memory_space<vmem_shared>>
      %dma_start3A_100 = arith.constant 0 : i32
      %dma_start3A_101 = arith.constant 0 : i32
      %dma_start3A_102 = tpu.memref_slice %arg11[%dma_start3A_100, %dma_start3A_101] : memref<125x128xf32, #tpu.memory_space<vmem>> -> memref<124x128xf32, #tpu.memory_space<vmem>>
      tpu.enqueue_dma source(%dma_start3A_102 : memref<124x128xf32, #tpu.memory_space<vmem>>) target(%dma_start3A_99 : memref<124x128xf32, #tpu.memory_space<vmem_shared>>) target_semaphore(%run_scoped3A : memref<!tpu.dma_semaphore, #tpu.memory_space<semaphore_mem>>)
      %dma_wait3A_103 = arith.constant 0 : i32
      %dma_wait3A_104 = arith.constant 0 : i32
      %dma_wait3A_105 = tpu.memref_slice %arg11[%dma_wait3A_103, %dma_wait3A_104] : memref<125x128xf32, #tpu.memory_space<vmem>> -> memref<124x128xf32, #tpu.memory_space<vmem>>
      %dma_wait3A_106 = arith.constant 0 : i32
      %dma_wait3A_107 = tpu.memref_slice %arg6[%sub3A_45, %dma_wait3A_106] : memref<10000x128xf32, #tpu.memory_space<vmem_shared>> -> memref<124x128xf32, #tpu.memory_space<vmem_shared>>
      %dma_wait3A_108 = arith.constant 0 : i32
      %dma_wait3A_109 = tpu.memref_slice %arg6[%sub3A_45, %dma_wait3A_108] : memref<10000x128xf32, #tpu.memory_space<vmem_shared>> -> memref<124x128xf32, #tpu.memory_space<vmem_shared>>
      %dma_wait3A_110 = arith.constant 0 : i32
      %dma_wait3A_111 = arith.constant 0 : i32
      %dma_wait3A_112 = tpu.memref_slice %arg11[%dma_wait3A_110, %dma_wait3A_111] : memref<125x128xf32, #tpu.memory_space<vmem>> -> memref<124x128xf32, #tpu.memory_space<vmem>>
      tpu.wait_dma2 semaphore(%run_scoped3A : memref<!tpu.dma_semaphore, #tpu.memory_space<semaphore_mem>>) src(%dma_wait3A_112 : memref<124x128xf32, #tpu.memory_space<vmem>>) dst(%dma_wait3A_109 : memref<124x128xf32, #tpu.memory_space<vmem_shared>>)
      tpu.yield
    }) : () -> ()
    %convert_element_type3A = arith.extui %eq3A_1 : i1 to i32
    %cond3A = arith.constant 0 : i32
    %cond3A_46 = arith.cmpi ne, %convert_element_type3A, %cond3A : i32
    scf.if %cond3A_46 {
      "tpu.region"() ({
        %run_scoped3A = tpu.sem_alloc : memref<!tpu.dma_semaphore, #tpu.memory_space<semaphore_mem>>
        %dma_start3A_93 = arith.constant 0 : i32
        %dma_start3A_94 = arith.constant 0 : i32
        %dma_start3A_95 = tpu.memref_slice %arg11[%dma_start3A_93, %dma_start3A_94] : memref<125x128xf32, #tpu.memory_space<vmem>> -> memref<16x128xf32, #tpu.memory_space<vmem>>
        %dma_start3A_96 = arith.constant 9984 : i32
        %dma_start3A_97 = arith.constant 0 : i32
        %dma_start3A_98 = tpu.memref_slice %arg6[%dma_start3A_96, %dma_start3A_97] : memref<10000x128xf32, #tpu.memory_space<vmem_shared>> -> memref<16x128xf32, #tpu.memory_space<vmem_shared>>
        %dma_start3A_99 = arith.constant 9984 : i32
        %dma_start3A_100 = arith.constant 0 : i32
        %dma_start3A_101 = tpu.memref_slice %arg6[%dma_start3A_99, %dma_start3A_100] : memref<10000x128xf32, #tpu.memory_space<vmem_shared>> -> memref<16x128xf32, #tpu.memory_space<vmem_shared>>
        %dma_start3A_102 = arith.constant 0 : i32
        %dma_start3A_103 = arith.constant 0 : i32
        %dma_start3A_104 = tpu.memref_slice %arg11[%dma_start3A_102, %dma_start3A_103] : memref<125x128xf32, #tpu.memory_space<vmem>> -> memref<16x128xf32, #tpu.memory_space<vmem>>
        tpu.enqueue_dma source(%dma_start3A_104 : memref<16x128xf32, #tpu.memory_space<vmem>>) target(%dma_start3A_101 : memref<16x128xf32, #tpu.memory_space<vmem_shared>>) target_semaphore(%run_scoped3A : memref<!tpu.dma_semaphore, #tpu.memory_space<semaphore_mem>>)
        %dma_wait3A_105 = arith.constant 0 : i32
        %dma_wait3A_106 = arith.constant 0 : i32
        %dma_wait3A_107 = tpu.memref_slice %arg11[%dma_wait3A_105, %dma_wait3A_106] : memref<125x128xf32, #tpu.memory_space<vmem>> -> memref<16x128xf32, #tpu.memory_space<vmem>>
        %dma_wait3A_108 = arith.constant 9984 : i32
        %dma_wait3A_109 = arith.constant 0 : i32
        %dma_wait3A_110 = tpu.memref_slice %arg6[%dma_wait3A_108, %dma_wait3A_109] : memref<10000x128xf32, #tpu.memory_space<vmem_shared>> -> memref<16x128xf32, #tpu.memory_space<vmem_shared>>
        %dma_wait3A_111 = arith.constant 9984 : i32
        %dma_wait3A_112 = arith.constant 0 : i32
        %dma_wait3A_113 = tpu.memref_slice %arg6[%dma_wait3A_111, %dma_wait3A_112] : memref<10000x128xf32, #tpu.memory_space<vmem_shared>> -> memref<16x128xf32, #tpu.memory_space<vmem_shared>>
        %dma_wait3A_114 = arith.constant 0 : i32
        %dma_wait3A_115 = arith.constant 0 : i32
        %dma_wait3A_116 = tpu.memref_slice %arg11[%dma_wait3A_114, %dma_wait3A_115] : memref<125x128xf32, #tpu.memory_space<vmem>> -> memref<16x128xf32, #tpu.memory_space<vmem>>
        tpu.wait_dma2 semaphore(%run_scoped3A : memref<!tpu.dma_semaphore, #tpu.memory_space<semaphore_mem>>) src(%dma_wait3A_116 : memref<16x128xf32, #tpu.memory_space<vmem>>) dst(%dma_wait3A_113 : memref<16x128xf32, #tpu.memory_space<vmem_shared>>)
        tpu.yield
      }) : () -> ()
    } else {
    }
    %dma_wait3A = arith.constant 0 : i32
    %dma_wait3A_47 = tpu.memref_slice %arg4[%mul3A_3, %dma_wait3A] : memref<2560x125xi32, #tpu.memory_space<hbm>> -> memref<80x125xi32, #tpu.memory_space<hbm>>
    %dma_wait3A_48 = arith.constant 0 : i32
    %dma_wait3A_49 = tpu.memref_slice %arg4[%mul3A_3, %dma_wait3A_48] : memref<2560x125xi32, #tpu.memory_space<hbm>> -> memref<80x125xi32, #tpu.memory_space<hbm>>
    tpu.wait_dma2 semaphore(%arg16 : memref<!tpu.dma_semaphore, #tpu.memory_space<semaphore_mem>>) src(%dma_wait3A_49 : memref<80x125xi32, #tpu.memory_space<hbm>>) dst(%arg7 : memref<80x125xi32, #tpu.memory_space<vmem>>)
    %barrier3A = arith.constant 0 : index
    tpu.barrier barrier_id(%barrier3A)
    %scan3A_50 = arith.constant 0 : i32
    %scan3A_51 = arith.constant 0 : i32
    %scan3A_52 = arith.constant 79 : i32
    %scan3A_53 = arith.addi %scan3A_51, %scan3A_52 : i32
    %scan3A_54 = arith.constant 1 : i32
    %scan3A_55 = scf.for %scan3A_93 = %scan3A_51 to %scan3A_53 step %scan3A_54 iter_args(%scan3A_94 = %scan3A_50) -> (i32)  : i32 {
      %rem3A = arith.constant 2 : i32
      %rem3A_95 = arith.remsi %scan3A_93, %rem3A : i32
      %clamp3A = arith.constant 0 : i32
      %clamp3A_96 = arith.constant 1 : i32
      %clamp3A_97 = arith.maxsi %rem3A_95, %clamp3A : i32
      %clamp3A_98 = arith.minsi %clamp3A_97, %clamp3A_96 : i32
      %cond3A_99 = arith.constant 0 : i32
      %cond3A_100 = arith.cmpi ne, %clamp3A_98, %cond3A_99 : i32
      scf.if %cond3A_100 {
        %dma_wait3A_102 = arith.constant 0 : i32
        %dma_wait3A_103 = arith.constant 0 : i32
        %dma_wait3A_104 = tpu.memref_slice %arg2[%dma_wait3A_102, %dma_wait3A_103] : memref<10000x128xf32, #tpu.memory_space<hbm>> -> memref<10000x128xf32, #tpu.memory_space<hbm>>
        tpu.wait_indirect_dma semaphore(%arg13 : memref<!tpu.dma_semaphore, #tpu.memory_space<semaphore_mem>>) src(%dma_wait3A_104 : memref<10000x128xf32, #tpu.memory_space<hbm>>) dst(%arg11 : memref<125x128xf32, #tpu.memory_space<vmem>>)
        %add3A_105 = arith.constant 2 : i32
        %add3A_106 = arith.addi %scan3A_93, %add3A_105 : i32
        %min3A = arith.constant 79 : i32
        %min3A_107 = arith.minsi %add3A_106, %min3A : i32
        %add3A_108 = arith.addi %mul3A_3, %min3A_107 : i32
        %dma_start3A_109 = arith.constant 0 : i32
        %dma_start3A_110 = tpu.memref_slice %arg3[%add3A_108, %dma_start3A_109] : memref<2560x125xi32, #tpu.memory_space<hbm>> -> memref<1x125xi32, #tpu.memory_space<hbm>>
        %dma_start3A_111 = tpu.memref_squeeze %dma_start3A_110 : memref<1x125xi32, #tpu.memory_space<hbm>> -> memref<125xi32, #tpu.memory_space<hbm>>
        %dma_start3A_112 = arith.constant 0 : i32
        %dma_start3A_113 = tpu.memref_slice %arg3[%add3A_108, %dma_start3A_112] : memref<2560x125xi32, #tpu.memory_space<hbm>> -> memref<1x125xi32, #tpu.memory_space<hbm>>
        %dma_start3A_114 = tpu.memref_squeeze %dma_start3A_113 : memref<1x125xi32, #tpu.memory_space<hbm>> -> memref<125xi32, #tpu.memory_space<hbm>>
        tpu.enqueue_dma source(%dma_start3A_114 : memref<125xi32, #tpu.memory_space<hbm>>) target(%arg9 : memref<125xi32, #tpu.memory_space<vmem>>) target_semaphore(%arg17 : memref<!tpu.dma_semaphore, #tpu.memory_space<semaphore_mem>>)
        %dma_start3A_115 = arith.constant 0 : i32
        %dma_start3A_116 = tpu.memref_slice %arg7[%scan3A_93, %dma_start3A_115] : memref<80x125xi32, #tpu.memory_space<vmem>> -> memref<1x125xi32, #tpu.memory_space<vmem>>
        %dma_start3A_117 = tpu.memref_squeeze %dma_start3A_116 : memref<1x125xi32, #tpu.memory_space<vmem>> -> memref<125xi32, #tpu.memory_space<vmem>>
        %dma_start3A_118 = arith.constant 0 : i32
        %dma_start3A_119 = arith.constant 0 : i32
        %dma_start3A_120 = tpu.memref_slice %arg6[%dma_start3A_118, %dma_start3A_119] : memref<10000x128xf32, #tpu.memory_space<vmem_shared>> -> memref<10000x128xf32, #tpu.memory_space<vmem_shared>>
        tpu.enqueue_indirect_dma source(%arg11 : memref<125x128xf32, #tpu.memory_space<vmem>>) target(%dma_start3A_120 : memref<10000x128xf32, #tpu.memory_space<vmem_shared>>) offsets(%dma_start3A_117 : memref<125xi32, #tpu.memory_space<vmem>>) semaphore(%arg15 : memref<!tpu.dma_semaphore, #tpu.memory_space<semaphore_mem>>) {add = true}
        %ge3A = arith.constant 1 : i32
        %ge3A_121 = arith.cmpi sge, %scan3A_93, %ge3A : i32
        %convert_element_type3A_122 = arith.extui %ge3A_121 : i1 to i32
        %cond3A_123 = arith.constant 0 : i32
        %cond3A_124 = arith.cmpi ne, %convert_element_type3A_122, %cond3A_123 : i32
        scf.if %cond3A_124 {
          %dma_wait3A_134 = arith.constant 0 : i32
          %dma_wait3A_135 = tpu.memref_slice %arg7[%scan3A_93, %dma_wait3A_134] : memref<80x125xi32, #tpu.memory_space<vmem>> -> memref<1x125xi32, #tpu.memory_space<vmem>>
          %dma_wait3A_136 = tpu.memref_squeeze %dma_wait3A_135 : memref<1x125xi32, #tpu.memory_space<vmem>> -> memref<125xi32, #tpu.memory_space<vmem>>
          %dma_wait3A_137 = arith.constant 0 : i32
          %dma_wait3A_138 = arith.constant 0 : i32
          %dma_wait3A_139 = tpu.memref_slice %arg6[%dma_wait3A_137, %dma_wait3A_138] : memref<10000x128xf32, #tpu.memory_space<vmem_shared>> -> memref<10000x128xf32, #tpu.memory_space<vmem_shared>>
          tpu.wait_indirect_dma semaphore(%arg14 : memref<!tpu.dma_semaphore, #tpu.memory_space<semaphore_mem>>) src(%arg10 : memref<125x128xf32, #tpu.memory_space<vmem>>) dst(%dma_wait3A_139 : memref<10000x128xf32, #tpu.memory_space<vmem_shared>>)
        } else {
        }
        %dma_wait3A_125 = arith.constant 0 : i32
        %dma_wait3A_126 = tpu.memref_slice %arg3[%mul3A_3, %dma_wait3A_125] : memref<2560x125xi32, #tpu.memory_space<hbm>> -> memref<1x125xi32, #tpu.memory_space<hbm>>
        %dma_wait3A_127 = tpu.memref_squeeze %dma_wait3A_126 : memref<1x125xi32, #tpu.memory_space<hbm>> -> memref<125xi32, #tpu.memory_space<hbm>>
        %dma_wait3A_128 = arith.constant 0 : i32
        %dma_wait3A_129 = tpu.memref_slice %arg3[%mul3A_3, %dma_wait3A_128] : memref<2560x125xi32, #tpu.memory_space<hbm>> -> memref<1x125xi32, #tpu.memory_space<hbm>>
        %dma_wait3A_130 = tpu.memref_squeeze %dma_wait3A_129 : memref<1x125xi32, #tpu.memory_space<hbm>> -> memref<125xi32, #tpu.memory_space<hbm>>
        tpu.wait_dma2 semaphore(%arg16 : memref<!tpu.dma_semaphore, #tpu.memory_space<semaphore_mem>>) src(%dma_wait3A_130 : memref<125xi32, #tpu.memory_space<hbm>>) dst(%arg8 : memref<125xi32, #tpu.memory_space<vmem>>)
        %dma_start3A_131 = arith.constant 0 : i32
        %dma_start3A_132 = arith.constant 0 : i32
        %dma_start3A_133 = tpu.memref_slice %arg2[%dma_start3A_131, %dma_start3A_132] : memref<10000x128xf32, #tpu.memory_space<hbm>> -> memref<10000x128xf32, #tpu.memory_space<hbm>>
        tpu.enqueue_indirect_dma source(%dma_start3A_133 : memref<10000x128xf32, #tpu.memory_space<hbm>>) target(%arg10 : memref<125x128xf32, #tpu.memory_space<vmem>>) offsets(%arg8 : memref<125xi32, #tpu.memory_space<vmem>>) semaphore(%arg12 : memref<!tpu.dma_semaphore, #tpu.memory_space<semaphore_mem>>)
      } else {
        %dma_wait3A_102 = arith.constant 0 : i32
        %dma_wait3A_103 = arith.constant 0 : i32
        %dma_wait3A_104 = tpu.memref_slice %arg2[%dma_wait3A_102, %dma_wait3A_103] : memref<10000x128xf32, #tpu.memory_space<hbm>> -> memref<10000x128xf32, #tpu.memory_space<hbm>>
        tpu.wait_indirect_dma semaphore(%arg12 : memref<!tpu.dma_semaphore, #tpu.memory_space<semaphore_mem>>) src(%dma_wait3A_104 : memref<10000x128xf32, #tpu.memory_space<hbm>>) dst(%arg10 : memref<125x128xf32, #tpu.memory_space<vmem>>)
        %add3A_105 = arith.constant 2 : i32
        %add3A_106 = arith.addi %scan3A_93, %add3A_105 : i32
        %min3A = arith.constant 79 : i32
        %min3A_107 = arith.minsi %add3A_106, %min3A : i32
        %add3A_108 = arith.addi %mul3A_3, %min3A_107 : i32
        %dma_start3A_109 = arith.constant 0 : i32
        %dma_start3A_110 = tpu.memref_slice %arg3[%add3A_108, %dma_start3A_109] : memref<2560x125xi32, #tpu.memory_space<hbm>> -> memref<1x125xi32, #tpu.memory_space<hbm>>
        %dma_start3A_111 = tpu.memref_squeeze %dma_start3A_110 : memref<1x125xi32, #tpu.memory_space<hbm>> -> memref<125xi32, #tpu.memory_space<hbm>>
        %dma_start3A_112 = arith.constant 0 : i32
        %dma_start3A_113 = tpu.memref_slice %arg3[%add3A_108, %dma_start3A_112] : memref<2560x125xi32, #tpu.memory_space<hbm>> -> memref<1x125xi32, #tpu.memory_space<hbm>>
        %dma_start3A_114 = tpu.memref_squeeze %dma_start3A_113 : memref<1x125xi32, #tpu.memory_space<hbm>> -> memref<125xi32, #tpu.memory_space<hbm>>
        tpu.enqueue_dma source(%dma_start3A_114 : memref<125xi32, #tpu.memory_space<hbm>>) target(%arg8 : memref<125xi32, #tpu.memory_space<vmem>>) target_semaphore(%arg16 : memref<!tpu.dma_semaphore, #tpu.memory_space<semaphore_mem>>)
        %dma_start3A_115 = arith.constant 0 : i32
        %dma_start3A_116 = tpu.memref_slice %arg7[%scan3A_93, %dma_start3A_115] : memref<80x125xi32, #tpu.memory_space<vmem>> -> memref<1x125xi32, #tpu.memory_space<vmem>>
        %dma_start3A_117 = tpu.memref_squeeze %dma_start3A_116 : memref<1x125xi32, #tpu.memory_space<vmem>> -> memref<125xi32, #tpu.memory_space<vmem>>
        %dma_start3A_118 = arith.constant 0 : i32
        %dma_start3A_119 = arith.constant 0 : i32
        %dma_start3A_120 = tpu.memref_slice %arg6[%dma_start3A_118, %dma_start3A_119] : memref<10000x128xf32, #tpu.memory_space<vmem_shared>> -> memref<10000x128xf32, #tpu.memory_space<vmem_shared>>
        tpu.enqueue_indirect_dma source(%arg10 : memref<125x128xf32, #tpu.memory_space<vmem>>) target(%dma_start3A_120 : memref<10000x128xf32, #tpu.memory_space<vmem_shared>>) offsets(%dma_start3A_117 : memref<125xi32, #tpu.memory_space<vmem>>) semaphore(%arg14 : memref<!tpu.dma_semaphore, #tpu.memory_space<semaphore_mem>>) {add = true}
        %ge3A = arith.constant 1 : i32
        %ge3A_121 = arith.cmpi sge, %scan3A_93, %ge3A : i32
        %convert_element_type3A_122 = arith.extui %ge3A_121 : i1 to i32
        %cond3A_123 = arith.constant 0 : i32
        %cond3A_124 = arith.cmpi ne, %convert_element_type3A_122, %cond3A_123 : i32
        scf.if %cond3A_124 {
          %dma_wait3A_134 = arith.constant 0 : i32
          %dma_wait3A_135 = tpu.memref_slice %arg7[%scan3A_93, %dma_wait3A_134] : memref<80x125xi32, #tpu.memory_space<vmem>> -> memref<1x125xi32, #tpu.memory_space<vmem>>
          %dma_wait3A_136 = tpu.memref_squeeze %dma_wait3A_135 : memref<1x125xi32, #tpu.memory_space<vmem>> -> memref<125xi32, #tpu.memory_space<vmem>>
          %dma_wait3A_137 = arith.constant 0 : i32
          %dma_wait3A_138 = arith.constant 0 : i32
          %dma_wait3A_139 = tpu.memref_slice %arg6[%dma_wait3A_137, %dma_wait3A_138] : memref<10000x128xf32, #tpu.memory_space<vmem_shared>> -> memref<10000x128xf32, #tpu.memory_space<vmem_shared>>
          tpu.wait_indirect_dma semaphore(%arg15 : memref<!tpu.dma_semaphore, #tpu.memory_space<semaphore_mem>>) src(%arg11 : memref<125x128xf32, #tpu.memory_space<vmem>>) dst(%dma_wait3A_139 : memref<10000x128xf32, #tpu.memory_space<vmem_shared>>)
        } else {
        }
        %dma_wait3A_125 = arith.constant 0 : i32
        %dma_wait3A_126 = tpu.memref_slice %arg3[%mul3A_3, %dma_wait3A_125] : memref<2560x125xi32, #tpu.memory_space<hbm>> -> memref<1x125xi32, #tpu.memory_space<hbm>>
        %dma_wait3A_127 = tpu.memref_squeeze %dma_wait3A_126 : memref<1x125xi32, #tpu.memory_space<hbm>> -> memref<125xi32, #tpu.memory_space<hbm>>
        %dma_wait3A_128 = arith.constant 0 : i32
        %dma_wait3A_129 = tpu.memref_slice %arg3[%mul3A_3, %dma_wait3A_128] : memref<2560x125xi32, #tpu.memory_space<hbm>> -> memref<1x125xi32, #tpu.memory_space<hbm>>
        %dma_wait3A_130 = tpu.memref_squeeze %dma_wait3A_129 : memref<1x125xi32, #tpu.memory_space<hbm>> -> memref<125xi32, #tpu.memory_space<hbm>>
        tpu.wait_dma2 semaphore(%arg17 : memref<!tpu.dma_semaphore, #tpu.memory_space<semaphore_mem>>) src(%dma_wait3A_130 : memref<125xi32, #tpu.memory_space<hbm>>) dst(%arg9 : memref<125xi32, #tpu.memory_space<vmem>>)
        %dma_start3A_131 = arith.constant 0 : i32
        %dma_start3A_132 = arith.constant 0 : i32
        %dma_start3A_133 = tpu.memref_slice %arg2[%dma_start3A_131, %dma_start3A_132] : memref<10000x128xf32, #tpu.memory_space<hbm>> -> memref<10000x128xf32, #tpu.memory_space<hbm>>
        tpu.enqueue_indirect_dma source(%dma_start3A_133 : memref<10000x128xf32, #tpu.memory_space<hbm>>) target(%arg11 : memref<125x128xf32, #tpu.memory_space<vmem>>) offsets(%arg9 : memref<125xi32, #tpu.memory_space<vmem>>) semaphore(%arg13 : memref<!tpu.dma_semaphore, #tpu.memory_space<semaphore_mem>>)
      }
      %scan3A_101 = arith.constant 0 : i32
      scf.yield %scan3A_101 : i32
    }
    %scan3A_56 = arith.constant 79 : i32
    %dma_wait3A_57 = arith.constant 0 : i32
    %dma_wait3A_58 = arith.constant 0 : i32
    %dma_wait3A_59 = tpu.memref_slice %arg2[%dma_wait3A_57, %dma_wait3A_58] : memref<10000x128xf32, #tpu.memory_space<hbm>> -> memref<10000x128xf32, #tpu.memory_space<hbm>>
    tpu.wait_indirect_dma semaphore(%arg13 : memref<!tpu.dma_semaphore, #tpu.memory_space<semaphore_mem>>) src(%dma_wait3A_59 : memref<10000x128xf32, #tpu.memory_space<hbm>>) dst(%arg11 : memref<125x128xf32, #tpu.memory_space<vmem>>)
    %dma_start3A_60 = arith.constant 79 : i32
    %dma_start3A_61 = arith.constant 0 : i32
    %dma_start3A_62 = tpu.memref_slice %arg7[%dma_start3A_60, %dma_start3A_61] : memref<80x125xi32, #tpu.memory_space<vmem>> -> memref<1x125xi32, #tpu.memory_space<vmem>>
    %dma_start3A_63 = tpu.memref_squeeze %dma_start3A_62 : memref<1x125xi32, #tpu.memory_space<vmem>> -> memref<125xi32, #tpu.memory_space<vmem>>
    %dma_start3A_64 = arith.constant 0 : i32
    %dma_start3A_65 = arith.constant 0 : i32
    %dma_start3A_66 = tpu.memref_slice %arg6[%dma_start3A_64, %dma_start3A_65] : memref<10000x128xf32, #tpu.memory_space<vmem_shared>> -> memref<10000x128xf32, #tpu.memory_space<vmem_shared>>
    tpu.enqueue_indirect_dma source(%arg11 : memref<125x128xf32, #tpu.memory_space<vmem>>) target(%dma_start3A_66 : memref<10000x128xf32, #tpu.memory_space<vmem_shared>>) offsets(%dma_start3A_63 : memref<125xi32, #tpu.memory_space<vmem>>) semaphore(%arg15 : memref<!tpu.dma_semaphore, #tpu.memory_space<semaphore_mem>>) {add = true}
    %dma_wait3A_67 = arith.constant 0 : i32
    %dma_wait3A_68 = arith.constant 0 : i32
    %dma_wait3A_69 = tpu.memref_slice %arg7[%dma_wait3A_67, %dma_wait3A_68] : memref<80x125xi32, #tpu.memory_space<vmem>> -> memref<1x125xi32, #tpu.memory_space<vmem>>
    %dma_wait3A_70 = tpu.memref_squeeze %dma_wait3A_69 : memref<1x125xi32, #tpu.memory_space<vmem>> -> memref<125xi32, #tpu.memory_space<vmem>>
    %dma_wait3A_71 = arith.constant 0 : i32
    %dma_wait3A_72 = arith.constant 0 : i32
    %dma_wait3A_73 = tpu.memref_slice %arg6[%dma_wait3A_71, %dma_wait3A_72] : memref<10000x128xf32, #tpu.memory_space<vmem_shared>> -> memref<10000x128xf32, #tpu.memory_space<vmem_shared>>
    tpu.wait_indirect_dma semaphore(%arg15 : memref<!tpu.dma_semaphore, #tpu.memory_space<semaphore_mem>>) src(%arg11 : memref<125x128xf32, #tpu.memory_space<vmem>>) dst(%dma_wait3A_73 : memref<10000x128xf32, #tpu.memory_space<vmem_shared>>)
    %dma_wait3A_74 = arith.constant 0 : i32
    %dma_wait3A_75 = arith.constant 0 : i32
    %dma_wait3A_76 = tpu.memref_slice %arg7[%dma_wait3A_74, %dma_wait3A_75] : memref<80x125xi32, #tpu.memory_space<vmem>> -> memref<1x125xi32, #tpu.memory_space<vmem>>
    %dma_wait3A_77 = tpu.memref_squeeze %dma_wait3A_76 : memref<1x125xi32, #tpu.memory_space<vmem>> -> memref<125xi32, #tpu.memory_space<vmem>>
    %dma_wait3A_78 = arith.constant 0 : i32
    %dma_wait3A_79 = arith.constant 0 : i32
    %dma_wait3A_80 = tpu.memref_slice %arg6[%dma_wait3A_78, %dma_wait3A_79] : memref<10000x128xf32, #tpu.memory_space<vmem_shared>> -> memref<10000x128xf32, #tpu.memory_space<vmem_shared>>
    tpu.wait_indirect_dma semaphore(%arg14 : memref<!tpu.dma_semaphore, #tpu.memory_space<semaphore_mem>>) src(%arg10 : memref<125x128xf32, #tpu.memory_space<vmem>>) dst(%dma_wait3A_80 : memref<10000x128xf32, #tpu.memory_space<vmem_shared>>)
    %dma_wait3A_81 = arith.constant 0 : i32
    %dma_wait3A_82 = tpu.memref_slice %arg3[%mul3A_3, %dma_wait3A_81] : memref<2560x125xi32, #tpu.memory_space<hbm>> -> memref<1x125xi32, #tpu.memory_space<hbm>>
    %dma_wait3A_83 = tpu.memref_squeeze %dma_wait3A_82 : memref<1x125xi32, #tpu.memory_space<hbm>> -> memref<125xi32, #tpu.memory_space<hbm>>
    %dma_wait3A_84 = arith.constant 0 : i32
    %dma_wait3A_85 = tpu.memref_slice %arg3[%mul3A_3, %dma_wait3A_84] : memref<2560x125xi32, #tpu.memory_space<hbm>> -> memref<1x125xi32, #tpu.memory_space<hbm>>
    %dma_wait3A_86 = tpu.memref_squeeze %dma_wait3A_85 : memref<1x125xi32, #tpu.memory_space<hbm>> -> memref<125xi32, #tpu.memory_space<hbm>>
    tpu.wait_dma2 semaphore(%arg16 : memref<!tpu.dma_semaphore, #tpu.memory_space<semaphore_mem>>) src(%dma_wait3A_86 : memref<125xi32, #tpu.memory_space<hbm>>) dst(%arg8 : memref<125xi32, #tpu.memory_space<vmem>>)
    %barrier3A_87 = arith.constant 0 : index
    tpu.barrier barrier_id(%barrier3A_87)
    %mul3A_88 = arith.constant 624 : i32
    %mul3A_89 = arith.muli %arg1, %mul3A_88 : i32
    "tpu.region"() ({
      %run_scoped3A = tpu.sem_alloc : memref<!tpu.dma_semaphore, #tpu.memory_space<semaphore_mem>>
      %dma_start3A_93 = arith.constant 0 : i32
      %dma_start3A_94 = tpu.memref_slice %arg5[%arg0, %mul3A_89, %dma_start3A_93] : memref<2x10000x128xf32, #tpu.memory_space<hbm>> -> memref<1x624x128xf32, #tpu.memory_space<hbm>>
      %dma_start3A_95 = tpu.memref_squeeze %dma_start3A_94 : memref<1x624x128xf32, #tpu.memory_space<hbm>> -> memref<624x128xf32, #tpu.memory_space<hbm>>
      %dma_start3A_96 = arith.constant 0 : i32
      %dma_start3A_97 = tpu.memref_slice %arg6[%mul3A_89, %dma_start3A_96] : memref<10000x128xf32, #tpu.memory_space<vmem_shared>> -> memref<624x128xf32, #tpu.memory_space<vmem_shared>>
      tpu.enqueue_dma source(%dma_start3A_97 : memref<624x128xf32, #tpu.memory_space<vmem_shared>>) target(%dma_start3A_95 : memref<624x128xf32, #tpu.memory_space<hbm>>) target_semaphore(%run_scoped3A : memref<!tpu.dma_semaphore, #tpu.memory_space<semaphore_mem>>)
      %dma_wait3A_98 = arith.constant 0 : i32
      %dma_wait3A_99 = tpu.memref_slice %arg5[%arg0, %mul3A_89, %dma_wait3A_98] : memref<2x10000x128xf32, #tpu.memory_space<hbm>> -> memref<1x624x128xf32, #tpu.memory_space<hbm>>
      %dma_wait3A_100 = tpu.memref_squeeze %dma_wait3A_99 : memref<1x624x128xf32, #tpu.memory_space<hbm>> -> memref<624x128xf32, #tpu.memory_space<hbm>>
      %dma_wait3A_101 = arith.constant 0 : i32
      %dma_wait3A_102 = tpu.memref_slice %arg6[%mul3A_89, %dma_wait3A_101] : memref<10000x128xf32, #tpu.memory_space<vmem_shared>> -> memref<624x128xf32, #tpu.memory_space<vmem_shared>>
      tpu.wait_dma2 semaphore(%run_scoped3A : memref<!tpu.dma_semaphore, #tpu.memory_space<semaphore_mem>>) src(%dma_wait3A_102 : memref<624x128xf32, #tpu.memory_space<vmem_shared>>) dst(%dma_wait3A_100 : memref<624x128xf32, #tpu.memory_space<hbm>>)
      tpu.yield
    }) : () -> ()
    %convert_element_type3A_90 = arith.extui %eq3A_1 : i1 to i32
    %cond3A_91 = arith.constant 0 : i32
    %cond3A_92 = arith.cmpi ne, %convert_element_type3A_90, %cond3A_91 : i32
    scf.if %cond3A_92 {
      "tpu.region"() ({
        %run_scoped3A = tpu.sem_alloc : memref<!tpu.dma_semaphore, #tpu.memory_space<semaphore_mem>>
        %dma_start3A_93 = arith.constant 9984 : i32
        %dma_start3A_94 = arith.constant 0 : i32
        %dma_start3A_95 = tpu.memref_slice %arg5[%arg0, %dma_start3A_93, %dma_start3A_94] : memref<2x10000x128xf32, #tpu.memory_space<hbm>> -> memref<1x16x128xf32, #tpu.memory_space<hbm>>
        %dma_start3A_96 = tpu.memref_squeeze %dma_start3A_95 : memref<1x16x128xf32, #tpu.memory_space<hbm>> -> memref<16x128xf32, #tpu.memory_space<hbm>>
        %dma_start3A_97 = arith.constant 9984 : i32
        %dma_start3A_98 = arith.constant 0 : i32
        %dma_start3A_99 = tpu.memref_slice %arg6[%dma_start3A_97, %dma_start3A_98] : memref<10000x128xf32, #tpu.memory_space<vmem_shared>> -> memref<16x128xf32, #tpu.memory_space<vmem_shared>>
        tpu.enqueue_dma source(%dma_start3A_99 : memref<16x128xf32, #tpu.memory_space<vmem_shared>>) target(%dma_start3A_96 : memref<16x128xf32, #tpu.memory_space<hbm>>) target_semaphore(%run_scoped3A : memref<!tpu.dma_semaphore, #tpu.memory_space<semaphore_mem>>)
        %dma_wait3A_100 = arith.constant 9984 : i32
        %dma_wait3A_101 = arith.constant 0 : i32
        %dma_wait3A_102 = tpu.memref_slice %arg5[%arg0, %dma_wait3A_100, %dma_wait3A_101] : memref<2x10000x128xf32, #tpu.memory_space<hbm>> -> memref<1x16x128xf32, #tpu.memory_space<hbm>>
        %dma_wait3A_103 = tpu.memref_squeeze %dma_wait3A_102 : memref<1x16x128xf32, #tpu.memory_space<hbm>> -> memref<16x128xf32, #tpu.memory_space<hbm>>
        %dma_wait3A_104 = arith.constant 9984 : i32
        %dma_wait3A_105 = arith.constant 0 : i32
        %dma_wait3A_106 = tpu.memref_slice %arg6[%dma_wait3A_104, %dma_wait3A_105] : memref<10000x128xf32, #tpu.memory_space<vmem_shared>> -> memref<16x128xf32, #tpu.memory_space<vmem_shared>>
        tpu.wait_dma2 semaphore(%run_scoped3A : memref<!tpu.dma_semaphore, #tpu.memory_space<semaphore_mem>>) src(%dma_wait3A_106 : memref<16x128xf32, #tpu.memory_space<vmem_shared>>) dst(%dma_wait3A_103 : memref<16x128xf32, #tpu.memory_space<hbm>>)
        tpu.yield
      }) : () -> ()
    } else {
    }
    return
  }
}

#map = affine_map<(d0, d1) -> (0, 0)>
#map1 = affine_map<(d0, d1) -> (0, 0, 0)>
module attributes {stable_mosaic.version = 14 : i64} {
  func.func @k(%arg0: i32, %arg1: i32, %arg2: memref<10000x128xf32, #tpu.memory_space<hbm>>, %arg3: memref<2560x125xi32, #tpu.memory_space<hbm>>, %arg4: memref<2560x125xi32, #tpu.memory_space<hbm>>, %arg5: memref<2x10000x128xf32, #tpu.memory_space<hbm>>, %arg6: memref<10000x128xf32, #tpu.memory_space<vmem_shared>>, %arg7: memref<80x125xi32, #tpu.memory_space<vmem>>, %arg8: memref<125xi32, #tpu.memory_space<vmem>>, %arg9: memref<125xi32, #tpu.memory_space<vmem>>, %arg10: memref<125x128xf32, #tpu.memory_space<vmem>>, %arg11: memref<125x128xf32, #tpu.memory_space<vmem>>, %arg12: memref<!tpu.dma_semaphore, #tpu.memory_space<semaphore_mem>>, %arg13: memref<!tpu.dma_semaphore, #tpu.memory_space<semaphore_mem>>, %arg14: memref<!tpu.dma_semaphore, #tpu.memory_space<semaphore_mem>>, %arg15: memref<!tpu.dma_semaphore, #tpu.memory_space<semaphore_mem>>, %arg16: memref<!tpu.dma_semaphore, #tpu.memory_space<semaphore_mem>>, %arg17: memref<!tpu.dma_semaphore, #tpu.memory_space<semaphore_mem>>) attributes {dimension_semantics = [#tpu.dimension_semantics<core_parallel>, #tpu.dimension_semantics<subcore_parallel>], iteration_bounds = array<i64: 2, 16>, scalar_prefetch = 0 : i64, scratch_operands = 12 : i64, tpu.core_type = #tpu.core_type<sc_vector_subcore>, window_params = [{transform_indices = #map}, {transform_indices = #map}, {transform_indices = #map}, {transform_indices = #map1}]} {
    %mul3A = arith.constant 16 : i32
    %mul3A_0 = arith.muli %arg0, %mul3A : i32
    %add3A = arith.addi %mul3A_0, %arg1 : i32
    %eq3A = arith.constant 15 : i32
    %eq3A_1 = arith.cmpi eq, %arg1, %eq3A : i32
    %mul3A_2 = arith.constant 80 : i32
    %mul3A_3 = arith.muli %add3A, %mul3A_2 : i32
    %dma_start3A = arith.constant 0 : i32
    %dma_start3A_4 = tpu.memref_slice %arg4[%mul3A_3, %dma_start3A] : memref<2560x125xi32, #tpu.memory_space<hbm>> -> memref<80x125xi32, #tpu.memory_space<hbm>>
    %dma_start3A_5 = arith.constant 0 : i32
    %dma_start3A_6 = tpu.memref_slice %arg4[%mul3A_3, %dma_start3A_5] : memref<2560x125xi32, #tpu.memory_space<hbm>> -> memref<80x125xi32, #tpu.memory_space<hbm>>
    tpu.enqueue_dma source(%dma_start3A_6 : memref<80x125xi32, #tpu.memory_space<hbm>>) target(%arg7 : memref<80x125xi32, #tpu.memory_space<vmem>>) target_semaphore(%arg16 : memref<!tpu.dma_semaphore, #tpu.memory_space<semaphore_mem>>)
    "tpu.region"() ({
      %run_scoped3A = tpu.sem_alloc : memref<!tpu.dma_semaphore, #tpu.memory_space<semaphore_mem>>
      %dma_start3A_93 = arith.constant 0 : i32
      %dma_start3A_94 = tpu.memref_slice %arg3[%mul3A_3, %dma_start3A_93] : memref<2560x125xi32, #tpu.memory_space<hbm>> -> memref<1x125xi32, #tpu.memory_space<hbm>>
      %dma_start3A_95 = tpu.memref_squeeze %dma_start3A_94 : memref<1x125xi32, #tpu.memory_space<hbm>> -> memref<125xi32, #tpu.memory_space<hbm>>
      %dma_start3A_96 = arith.constant 0 : i32
      %dma_start3A_97 = tpu.memref_slice %arg3[%mul3A_3, %dma_start3A_96] : memref<2560x125xi32, #tpu.memory_space<hbm>> -> memref<1x125xi32, #tpu.memory_space<hbm>>
      %dma_start3A_98 = tpu.memref_squeeze %dma_start3A_97 : memref<1x125xi32, #tpu.memory_space<hbm>> -> memref<125xi32, #tpu.memory_space<hbm>>
      tpu.enqueue_dma source(%dma_start3A_98 : memref<125xi32, #tpu.memory_space<hbm>>) target(%arg8 : memref<125xi32, #tpu.memory_space<vmem>>) target_semaphore(%run_scoped3A : memref<!tpu.dma_semaphore, #tpu.memory_space<semaphore_mem>>)
      %dma_wait3A_99 = arith.constant 0 : i32
      %dma_wait3A_100 = tpu.memref_slice %arg3[%mul3A_3, %dma_wait3A_99] : memref<2560x125xi32, #tpu.memory_space<hbm>> -> memref<1x125xi32, #tpu.memory_space<hbm>>
      %dma_wait3A_101 = tpu.memref_squeeze %dma_wait3A_100 : memref<1x125xi32, #tpu.memory_space<hbm>> -> memref<125xi32, #tpu.memory_space<hbm>>
      %dma_wait3A_102 = arith.constant 0 : i32
      %dma_wait3A_103 = tpu.memref_slice %arg3[%mul3A_3, %dma_wait3A_102] : memref<2560x125xi32, #tpu.memory_space<hbm>> -> memref<1x125xi32, #tpu.memory_space<hbm>>
      %dma_wait3A_104 = tpu.memref_squeeze %dma_wait3A_103 : memref<1x125xi32, #tpu.memory_space<hbm>> -> memref<125xi32, #tpu.memory_space<hbm>>
      tpu.wait_dma2 semaphore(%run_scoped3A : memref<!tpu.dma_semaphore, #tpu.memory_space<semaphore_mem>>) src(%dma_wait3A_104 : memref<125xi32, #tpu.memory_space<hbm>>) dst(%arg8 : memref<125xi32, #tpu.memory_space<vmem>>)
      tpu.yield
    }) : () -> ()
    %dma_start3A_7 = arith.constant 0 : i32
    %dma_start3A_8 = arith.constant 0 : i32
    %dma_start3A_9 = tpu.memref_slice %arg2[%dma_start3A_7, %dma_start3A_8] : memref<10000x128xf32, #tpu.memory_space<hbm>> -> memref<10000x128xf32, #tpu.memory_space<hbm>>
    tpu.enqueue_indirect_dma source(%dma_start3A_9 : memref<10000x128xf32, #tpu.memory_space<hbm>>) target(%arg10 : memref<125x128xf32, #tpu.memory_space<vmem>>) offsets(%arg8 : memref<125xi32, #tpu.memory_space<vmem>>) semaphore(%arg12 : memref<!tpu.dma_semaphore, #tpu.memory_space<semaphore_mem>>)
    %add3A_10 = arith.constant 1 : i32
    %add3A_11 = arith.addi %mul3A_3, %add3A_10 : i32
    %dma_start3A_12 = arith.constant 0 : i32
    %dma_start3A_13 = tpu.memref_slice %arg3[%add3A_11, %dma_start3A_12] : memref<2560x125xi32, #tpu.memory_space<hbm>> -> memref<1x125xi32, #tpu.memory_space<hbm>>
    %dma_start3A_14 = tpu.memref_squeeze %dma_start3A_13 : memref<1x125xi32, #tpu.memory_space<hbm>> -> memref<125xi32, #tpu.memory_space<hbm>>
    %dma_start3A_15 = arith.constant 0 : i32
    %dma_start3A_16 = tpu.memref_slice %arg3[%add3A_11, %dma_start3A_15] : memref<2560x125xi32, #tpu.memory_space<hbm>> -> memref<1x125xi32, #tpu.memory_space<hbm>>
    %dma_start3A_17 = tpu.memref_squeeze %dma_start3A_16 : memref<1x125xi32, #tpu.memory_space<hbm>> -> memref<125xi32, #tpu.memory_space<hbm>>
    tpu.enqueue_dma source(%dma_start3A_17 : memref<125xi32, #tpu.memory_space<hbm>>) target(%arg9 : memref<125xi32, #tpu.memory_space<vmem>>) target_semaphore(%arg17 : memref<!tpu.dma_semaphore, #tpu.memory_space<semaphore_mem>>)
    %broadcast_in_dim3A = arith.constant 0.000000e+00 : f32
    %broadcast_in_dim3A_18 = vector.broadcast %broadcast_in_dim3A : f32 to vector<16xf32>
    %scan3A = arith.constant 0 : i32
    %scan3A_19 = arith.constant 0 : i32
    %scan3A_20 = arith.constant 125 : i32
    %scan3A_21 = arith.addi %scan3A_19, %scan3A_20 : i32
    %scan3A_22 = arith.constant 1 : i32
    %scan3A_23 = scf.for %scan3A_93 = %scan3A_19 to %scan3A_21 step %scan3A_22 iter_args(%scan3A_94 = %scan3A) -> (i32)  : i32 {
      %scan3A_95 = arith.constant 0 : i32
      %scan3A_96 = arith.constant 0 : i32
      %scan3A_97 = arith.constant 8 : i32
      %scan3A_98 = arith.addi %scan3A_96, %scan3A_97 : i32
      %scan3A_99 = arith.constant 1 : i32
      %scan3A_100 = scf.for %scan3A_102 = %scan3A_96 to %scan3A_98 step %scan3A_99 iter_args(%scan3A_103 = %scan3A_95) -> (i32)  : i32 {
        %mul3A_104 = arith.constant 16 : i32
        %mul3A_105 = arith.muli %scan3A_102, %mul3A_104 : i32
        %swap3A = arith.index_cast %scan3A_93 : i32 to index
        %swap3A_106 = arith.index_cast %mul3A_105 : i32 to index
        %swap3A_107 = tpu.vector_load %arg11[%swap3A, %swap3A_106] {strides = array<i32>} : memref<125x128xf32, #tpu.memory_space<vmem>>, vector<1x16xf32>,
        %swap3A_108 = vector.shape_cast %swap3A_107 : vector<1x16xf32> to vector<16xf32>
        %swap3A_109 = vector.shape_cast %broadcast_in_dim3A_18 : vector<16xf32> to vector<1x16xf32>
        tpu.vector_store %arg11[%swap3A, %swap3A_106], %swap3A_109 {strides = array<i32>} : memref<125x128xf32, #tpu.memory_space<vmem>>, vector<1x16xf32>,
        %scan3A_110 = arith.constant 0 : i32
        scf.yield %scan3A_110 : i32
      }
      %scan3A_101 = arith.constant 8 : i32
      scf.yield %scan3A_100 : i32
    }
    %scan3A_24 = arith.constant 125 : i32
    %mul3A_25 = arith.constant 624 : i32
    %mul3A_26 = arith.muli %arg1, %mul3A_25 : i32
    %add3A_27 = arith.constant 0 : i32
    %add3A_28 = arith.addi %mul3A_26, %add3A_27 : i32
    "tpu.region"() ({
      %run_scoped3A = tpu.sem_alloc : memref<!tpu.dma_semaphore, #tpu.memory_space<semaphore_mem>>
      %dma_start3A_93 = arith.constant 0 : i32
      %dma_start3A_94 = tpu.memref_slice %arg6[%add3A_28, %dma_start3A_93] : memref<10000x128xf32, #tpu.memory_space<vmem_shared>> -> memref<125x128xf32, #tpu.memory_space<vmem_shared>>
      %dma_start3A_95 = arith.constant 0 : i32
      %dma_start3A_96 = tpu.memref_slice %arg6[%add3A_28, %dma_start3A_95] : memref<10000x128xf32, #tpu.memory_space<vmem_shared>> -> memref<125x128xf32, #tpu.memory_space<vmem_shared>>
      tpu.enqueue_dma source(%arg11 : memref<125x128xf32, #tpu.memory_space<vmem>>) target(%dma_start3A_96 : memref<125x128xf32, #tpu.memory_space<vmem_shared>>) target_semaphore(%run_scoped3A : memref<!tpu.dma_semaphore, #tpu.memory_space<semaphore_mem>>)
      %dma_wait3A_97 = arith.constant 0 : i32
      %dma_wait3A_98 = tpu.memref_slice %arg6[%add3A_28, %dma_wait3A_97] : memref<10000x128xf32, #tpu.memory_space<vmem_shared>> -> memref<125x128xf32, #tpu.memory_space<vmem_shared>>
      %dma_wait3A_99 = arith.constant 0 : i32
      %dma_wait3A_100 = tpu.memref_slice %arg6[%add3A_28, %dma_wait3A_99] : memref<10000x128xf32, #tpu.memory_space<vmem_shared>> -> memref<125x128xf32, #tpu.memory_space<vmem_shared>>
      tpu.wait_dma2 semaphore(%run_scoped3A : memref<!tpu.dma_semaphore, #tpu.memory_space<semaphore_mem>>) src(%arg11 : memref<125x128xf32, #tpu.memory_space<vmem>>) dst(%dma_wait3A_100 : memref<125x128xf32, #tpu.memory_space<vmem_shared>>)
      tpu.yield
    }) : () -> ()
    %mul3A_29 = arith.constant 624 : i32
    %mul3A_30 = arith.muli %arg1, %mul3A_29 : i32
    %add3A_31 = arith.constant 125 : i32
    %add3A_32 = arith.addi %mul3A_30, %add3A_31 : i32
    "tpu.region"() ({
      %run_scoped3A = tpu.sem_alloc : memref<!tpu.dma_semaphore, #tpu.memory_space<semaphore_mem>>
      %dma_start3A_93 = arith.constant 0 : i32
      %dma_start3A_94 = tpu.memref_slice %arg6[%add3A_32, %dma_start3A_93] : memref<10000x128xf32, #tpu.memory_space<vmem_shared>> -> memref<125x128xf32, #tpu.memory_space<vmem_shared>>
      %dma_start3A_95 = arith.constant 0 : i32
      %dma_start3A_96 = tpu.memref_slice %arg6[%add3A_32, %dma_start3A_95] : memref<10000x128xf32, #tpu.memory_space<vmem_shared>> -> memref<125x128xf32, #tpu.memory_space<vmem_shared>>
      tpu.enqueue_dma source(%arg11 : memref<125x128xf32, #tpu.memory_space<vmem>>) target(%dma_start3A_96 : memref<125x128xf32, #tpu.memory_space<vmem_shared>>) target_semaphore(%run_scoped3A : memref<!tpu.dma_semaphore, #tpu.memory_space<semaphore_mem>>)
      %dma_wait3A_97 = arith.constant 0 : i32
      %dma_wait3A_98 = tpu.memref_slice %arg6[%add3A_32, %dma_wait3A_97] : memref<10000x128xf32, #tpu.memory_space<vmem_shared>> -> memref<125x128xf32, #tpu.memory_space<vmem_shared>>
      %dma_wait3A_99 = arith.constant 0 : i32
      %dma_wait3A_100 = tpu.memref_slice %arg6[%add3A_32, %dma_wait3A_99] : memref<10000x128xf32, #tpu.memory_space<vmem_shared>> -> memref<125x128xf32, #tpu.memory_space<vmem_shared>>
      tpu.wait_dma2 semaphore(%run_scoped3A : memref<!tpu.dma_semaphore, #tpu.memory_space<semaphore_mem>>) src(%arg11 : memref<125x128xf32, #tpu.memory_space<vmem>>) dst(%dma_wait3A_100 : memref<125x128xf32, #tpu.memory_space<vmem_shared>>)
      tpu.yield
    }) : () -> ()
    %mul3A_33 = arith.constant 624 : i32
    %mul3A_34 = arith.muli %arg1, %mul3A_33 : i32
    %add3A_35 = arith.constant 250 : i32
    %add3A_36 = arith.addi %mul3A_34, %add3A_35 : i32
    "tpu.region"() ({
      %run_scoped3A = tpu.sem_alloc : memref<!tpu.dma_semaphore, #tpu.memory_space<semaphore_mem>>
      %dma_start3A_93 = arith.constant 0 : i32
      %dma_start3A_94 = tpu.memref_slice %arg6[%add3A_36, %dma_start3A_93] : memref<10000x128xf32, #tpu.memory_space<vmem_shared>> -> memref<125x128xf32, #tpu.memory_space<vmem_shared>>
      %dma_start3A_95 = arith.constant 0 : i32
      %dma_start3A_96 = tpu.memref_slice %arg6[%add3A_36, %dma_start3A_95] : memref<10000x128xf32, #tpu.memory_space<vmem_shared>> -> memref<125x128xf32, #tpu.memory_space<vmem_shared>>
      tpu.enqueue_dma source(%arg11 : memref<125x128xf32, #tpu.memory_space<vmem>>) target(%dma_start3A_96 : memref<125x128xf32, #tpu.memory_space<vmem_shared>>) target_semaphore(%run_scoped3A : memref<!tpu.dma_semaphore, #tpu.memory_space<semaphore_mem>>)
      %dma_wait3A_97 = arith.constant 0 : i32
      %dma_wait3A_98 = tpu.memref_slice %arg6[%add3A_36, %dma_wait3A_97] : memref<10000x128xf32, #tpu.memory_space<vmem_shared>> -> memref<125x128xf32, #tpu.memory_space<vmem_shared>>
      %dma_wait3A_99 = arith.constant 0 : i32
      %dma_wait3A_100 = tpu.memref_slice %arg6[%add3A_36, %dma_wait3A_99] : memref<10000x128xf32, #tpu.memory_space<vmem_shared>> -> memref<125x128xf32, #tpu.memory_space<vmem_shared>>
      tpu.wait_dma2 semaphore(%run_scoped3A : memref<!tpu.dma_semaphore, #tpu.memory_space<semaphore_mem>>) src(%arg11 : memref<125x128xf32, #tpu.memory_space<vmem>>) dst(%dma_wait3A_100 : memref<125x128xf32, #tpu.memory_space<vmem_shared>>)
      tpu.yield
    }) : () -> ()
    %mul3A_37 = arith.constant 624 : i32
    %mul3A_38 = arith.muli %arg1, %mul3A_37 : i32
    %add3A_39 = arith.constant 375 : i32
    %add3A_40 = arith.addi %mul3A_38, %add3A_39 : i32
    "tpu.region"() ({
      %run_scoped3A = tpu.sem_alloc : memref<!tpu.dma_semaphore, #tpu.memory_space<semaphore_mem>>
      %dma_start3A_93 = arith.constant 0 : i32
      %dma_start3A_94 = tpu.memref_slice %arg6[%add3A_40, %dma_start3A_93] : memref<10000x128xf32, #tpu.memory_space<vmem_shared>> -> memref<125x128xf32, #tpu.memory_space<vmem_shared>>
      %dma_start3A_95 = arith.constant 0 : i32
      %dma_start3A_96 = tpu.memref_slice %arg6[%add3A_40, %dma_start3A_95] : memref<10000x128xf32, #tpu.memory_space<vmem_shared>> -> memref<125x128xf32, #tpu.memory_space<vmem_shared>>
      tpu.enqueue_dma source(%arg11 : memref<125x128xf32, #tpu.memory_space<vmem>>) target(%dma_start3A_96 : memref<125x128xf32, #tpu.memory_space<vmem_shared>>) target_semaphore(%run_scoped3A : memref<!tpu.dma_semaphore, #tpu.memory_space<semaphore_mem>>)
      %dma_wait3A_97 = arith.constant 0 : i32
      %dma_wait3A_98 = tpu.memref_slice %arg6[%add3A_40, %dma_wait3A_97] : memref<10000x128xf32, #tpu.memory_space<vmem_shared>> -> memref<125x128xf32, #tpu.memory_space<vmem_shared>>
      %dma_wait3A_99 = arith.constant 0 : i32
      %dma_wait3A_100 = tpu.memref_slice %arg6[%add3A_40, %dma_wait3A_99] : memref<10000x128xf32, #tpu.memory_space<vmem_shared>> -> memref<125x128xf32, #tpu.memory_space<vmem_shared>>
      tpu.wait_dma2 semaphore(%run_scoped3A : memref<!tpu.dma_semaphore, #tpu.memory_space<semaphore_mem>>) src(%arg11 : memref<125x128xf32, #tpu.memory_space<vmem>>) dst(%dma_wait3A_100 : memref<125x128xf32, #tpu.memory_space<vmem_shared>>)
      tpu.yield
    }) : () -> ()
    %mul3A_41 = arith.constant 624 : i32
    %mul3A_42 = arith.muli %arg1, %mul3A_41 : i32
    %add3A_43 = arith.constant 624 : i32
    %add3A_44 = arith.addi %mul3A_42, %add3A_43 : i32
    %sub3A = arith.constant 124 : i32
    %sub3A_45 = arith.subi %add3A_44, %sub3A : i32
    "tpu.region"() ({
      %run_scoped3A = tpu.sem_alloc : memref<!tpu.dma_semaphore, #tpu.memory_space<semaphore_mem>>
      %dma_start3A_93 = arith.constant 0 : i32
      %dma_start3A_94 = arith.constant 0 : i32
      %dma_start3A_95 = tpu.memref_slice %arg11[%dma_start3A_93, %dma_start3A_94] : memref<125x128xf32, #tpu.memory_space<vmem>> -> memref<124x128xf32, #tpu.memory_space<vmem>>
      %dma_start3A_96 = arith.constant 0 : i32
      %dma_start3A_97 = tpu.memref_slice %arg6[%sub3A_45, %dma_start3A_96] : memref<10000x128xf32, #tpu.memory_space<vmem_shared>> -> memref<124x128xf32, #tpu.memory_space<vmem_shared>>
      %dma_start3A_98 = arith.constant 0 : i32
      %dma_start3A_99 = tpu.memref_slice %arg6[%sub3A_45, %dma_start3A_98] : memref<10000x128xf32, #tpu.memory_space<vmem_shared>> -> memref<124x128xf32, #tpu.memory_space<vmem_shared>>
      %dma_start3A_100 = arith.constant 0 : i32
      %dma_start3A_101 = arith.constant 0 : i32
      %dma_start3A_102 = tpu.memref_slice %arg11[%dma_start3A_100, %dma_start3A_101] : memref<125x128xf32, #tpu.memory_space<vmem>> -> memref<124x128xf32, #tpu.memory_space<vmem>>
      tpu.enqueue_dma source(%dma_start3A_102 : memref<124x128xf32, #tpu.memory_space<vmem>>) target(%dma_start3A_99 : memref<124x128xf32, #tpu.memory_space<vmem_shared>>) target_semaphore(%run_scoped3A : memref<!tpu.dma_semaphore, #tpu.memory_space<semaphore_mem>>)
      %dma_wait3A_103 = arith.constant 0 : i32
      %dma_wait3A_104 = arith.constant 0 : i32
      %dma_wait3A_105 = tpu.memref_slice %arg11[%dma_wait3A_103, %dma_wait3A_104] : memref<125x128xf32, #tpu.memory_space<vmem>> -> memref<124x128xf32, #tpu.memory_space<vmem>>
      %dma_wait3A_106 = arith.constant 0 : i32
      %dma_wait3A_107 = tpu.memref_slice %arg6[%sub3A_45, %dma_wait3A_106] : memref<10000x128xf32, #tpu.memory_space<vmem_shared>> -> memref<124x128xf32, #tpu.memory_space<vmem_shared>>
      %dma_wait3A_108 = arith.constant 0 : i32
      %dma_wait3A_109 = tpu.memref_slice %arg6[%sub3A_45, %dma_wait3A_108] : memref<10000x128xf32, #tpu.memory_space<vmem_shared>> -> memref<124x128xf32, #tpu.memory_space<vmem_shared>>
      %dma_wait3A_110 = arith.constant 0 : i32
      %dma_wait3A_111 = arith.constant 0 : i32
      %dma_wait3A_112 = tpu.memref_slice %arg11[%dma_wait3A_110, %dma_wait3A_111] : memref<125x128xf32, #tpu.memory_space<vmem>> -> memref<124x128xf32, #tpu.memory_space<vmem>>
      tpu.wait_dma2 semaphore(%run_scoped3A : memref<!tpu.dma_semaphore, #tpu.memory_space<semaphore_mem>>) src(%dma_wait3A_112 : memref<124x128xf32, #tpu.memory_space<vmem>>) dst(%dma_wait3A_109 : memref<124x128xf32, #tpu.memory_space<vmem_shared>>)
      tpu.yield
    }) : () -> ()
    %convert_element_type3A = arith.extui %eq3A_1 : i1 to i32
    %cond3A = arith.constant 0 : i32
    %cond3A_46 = arith.cmpi ne, %convert_element_type3A, %cond3A : i32
    scf.if %cond3A_46 {
      "tpu.region"() ({
        %run_scoped3A = tpu.sem_alloc : memref<!tpu.dma_semaphore, #tpu.memory_space<semaphore_mem>>
        %dma_start3A_93 = arith.constant 0 : i32
        %dma_start3A_94 = arith.constant 0 : i32
        %dma_start3A_95 = tpu.memref_slice %arg11[%dma_start3A_93, %dma_start3A_94] : memref<125x128xf32, #tpu.memory_space<vmem>> -> memref<16x128xf32, #tpu.memory_space<vmem>>
        %dma_start3A_96 = arith.constant 9984 : i32
        %dma_start3A_97 = arith.constant 0 : i32
        %dma_start3A_98 = tpu.memref_slice %arg6[%dma_start3A_96, %dma_start3A_97] : memref<10000x128xf32, #tpu.memory_space<vmem_shared>> -> memref<16x128xf32, #tpu.memory_space<vmem_shared>>
        %dma_start3A_99 = arith.constant 9984 : i32
        %dma_start3A_100 = arith.constant 0 : i32
        %dma_start3A_101 = tpu.memref_slice %arg6[%dma_start3A_99, %dma_start3A_100] : memref<10000x128xf32, #tpu.memory_space<vmem_shared>> -> memref<16x128xf32, #tpu.memory_space<vmem_shared>>
        %dma_start3A_102 = arith.constant 0 : i32
        %dma_start3A_103 = arith.constant 0 : i32
        %dma_start3A_104 = tpu.memref_slice %arg11[%dma_start3A_102, %dma_start3A_103] : memref<125x128xf32, #tpu.memory_space<vmem>> -> memref<16x128xf32, #tpu.memory_space<vmem>>
        tpu.enqueue_dma source(%dma_start3A_104 : memref<16x128xf32, #tpu.memory_space<vmem>>) target(%dma_start3A_101 : memref<16x128xf32, #tpu.memory_space<vmem_shared>>) target_semaphore(%run_scoped3A : memref<!tpu.dma_semaphore, #tpu.memory_space<semaphore_mem>>)
        %dma_wait3A_105 = arith.constant 0 : i32
        %dma_wait3A_106 = arith.constant 0 : i32
        %dma_wait3A_107 = tpu.memref_slice %arg11[%dma_wait3A_105, %dma_wait3A_106] : memref<125x128xf32, #tpu.memory_space<vmem>> -> memref<16x128xf32, #tpu.memory_space<vmem>>
        %dma_wait3A_108 = arith.constant 9984 : i32
        %dma_wait3A_109 = arith.constant 0 : i32
        %dma_wait3A_110 = tpu.memref_slice %arg6[%dma_wait3A_108, %dma_wait3A_109] : memref<10000x128xf32, #tpu.memory_space<vmem_shared>> -> memref<16x128xf32, #tpu.memory_space<vmem_shared>>
        %dma_wait3A_111 = arith.constant 9984 : i32
        %dma_wait3A_112 = arith.constant 0 : i32
        %dma_wait3A_113 = tpu.memref_slice %arg6[%dma_wait3A_111, %dma_wait3A_112] : memref<10000x128xf32, #tpu.memory_space<vmem_shared>> -> memref<16x128xf32, #tpu.memory_space<vmem_shared>>
        %dma_wait3A_114 = arith.constant 0 : i32
        %dma_wait3A_115 = arith.constant 0 : i32
        %dma_wait3A_116 = tpu.memref_slice %arg11[%dma_wait3A_114, %dma_wait3A_115] : memref<125x128xf32, #tpu.memory_space<vmem>> -> memref<16x128xf32, #tpu.memory_space<vmem>>
        tpu.wait_dma2 semaphore(%run_scoped3A : memref<!tpu.dma_semaphore, #tpu.memory_space<semaphore_mem>>) src(%dma_wait3A_116 : memref<16x128xf32, #tpu.memory_space<vmem>>) dst(%dma_wait3A_113 : memref<16x128xf32, #tpu.memory_space<vmem_shared>>)
        tpu.yield
      }) : () -> ()
    } else {
    }
    %dma_wait3A = arith.constant 0 : i32
    %dma_wait3A_47 = tpu.memref_slice %arg4[%mul3A_3, %dma_wait3A] : memref<2560x125xi32, #tpu.memory_space<hbm>> -> memref<80x125xi32, #tpu.memory_space<hbm>>
    %dma_wait3A_48 = arith.constant 0 : i32
    %dma_wait3A_49 = tpu.memref_slice %arg4[%mul3A_3, %dma_wait3A_48] : memref<2560x125xi32, #tpu.memory_space<hbm>> -> memref<80x125xi32, #tpu.memory_space<hbm>>
    tpu.wait_dma2 semaphore(%arg16 : memref<!tpu.dma_semaphore, #tpu.memory_space<semaphore_mem>>) src(%dma_wait3A_49 : memref<80x125xi32, #tpu.memory_space<hbm>>) dst(%arg7 : memref<80x125xi32, #tpu.memory_space<vmem>>)
    %barrier3A = arith.constant 0 : index
    tpu.barrier barrier_id(%barrier3A)
    %scan3A_50 = arith.constant 0 : i32
    %scan3A_51 = arith.constant 0 : i32
    %scan3A_52 = arith.constant 79 : i32
    %scan3A_53 = arith.addi %scan3A_51, %scan3A_52 : i32
    %scan3A_54 = arith.constant 1 : i32
    %scan3A_55 = scf.for %scan3A_93 = %scan3A_51 to %scan3A_53 step %scan3A_54 iter_args(%scan3A_94 = %scan3A_50) -> (i32)  : i32 {
      %rem3A = arith.constant 2 : i32
      %rem3A_95 = arith.remsi %scan3A_93, %rem3A : i32
      %clamp3A = arith.constant 0 : i32
      %clamp3A_96 = arith.constant 1 : i32
      %clamp3A_97 = arith.maxsi %rem3A_95, %clamp3A : i32
      %clamp3A_98 = arith.minsi %clamp3A_97, %clamp3A_96 : i32
      %cond3A_99 = arith.constant 0 : i32
      %cond3A_100 = arith.cmpi ne, %clamp3A_98, %cond3A_99 : i32
      scf.if %cond3A_100 {
        %dma_wait3A_102 = arith.constant 0 : i32
        %dma_wait3A_103 = arith.constant 0 : i32
        %dma_wait3A_104 = tpu.memref_slice %arg2[%dma_wait3A_102, %dma_wait3A_103] : memref<10000x128xf32, #tpu.memory_space<hbm>> -> memref<10000x128xf32, #tpu.memory_space<hbm>>
        tpu.wait_indirect_dma semaphore(%arg13 : memref<!tpu.dma_semaphore, #tpu.memory_space<semaphore_mem>>) src(%dma_wait3A_104 : memref<10000x128xf32, #tpu.memory_space<hbm>>) dst(%arg11 : memref<125x128xf32, #tpu.memory_space<vmem>>)
        %add3A_105 = arith.constant 2 : i32
        %add3A_106 = arith.addi %scan3A_93, %add3A_105 : i32
        %min3A = arith.constant 79 : i32
        %min3A_107 = arith.minsi %add3A_106, %min3A : i32
        %add3A_108 = arith.addi %mul3A_3, %min3A_107 : i32
        %dma_start3A_109 = arith.constant 0 : i32
        %dma_start3A_110 = tpu.memref_slice %arg3[%add3A_108, %dma_start3A_109] : memref<2560x125xi32, #tpu.memory_space<hbm>> -> memref<1x125xi32, #tpu.memory_space<hbm>>
        %dma_start3A_111 = tpu.memref_squeeze %dma_start3A_110 : memref<1x125xi32, #tpu.memory_space<hbm>> -> memref<125xi32, #tpu.memory_space<hbm>>
        %dma_start3A_112 = arith.constant 0 : i32
        %dma_start3A_113 = tpu.memref_slice %arg3[%add3A_108, %dma_start3A_112] : memref<2560x125xi32, #tpu.memory_space<hbm>> -> memref<1x125xi32, #tpu.memory_space<hbm>>
        %dma_start3A_114 = tpu.memref_squeeze %dma_start3A_113 : memref<1x125xi32, #tpu.memory_space<hbm>> -> memref<125xi32, #tpu.memory_space<hbm>>
        tpu.enqueue_dma source(%dma_start3A_114 : memref<125xi32, #tpu.memory_space<hbm>>) target(%arg9 : memref<125xi32, #tpu.memory_space<vmem>>) target_semaphore(%arg17 : memref<!tpu.dma_semaphore, #tpu.memory_space<semaphore_mem>>)
        %dma_start3A_115 = arith.constant 0 : i32
        %dma_start3A_116 = tpu.memref_slice %arg7[%scan3A_93, %dma_start3A_115] : memref<80x125xi32, #tpu.memory_space<vmem>> -> memref<1x125xi32, #tpu.memory_space<vmem>>
        %dma_start3A_117 = tpu.memref_squeeze %dma_start3A_116 : memref<1x125xi32, #tpu.memory_space<vmem>> -> memref<125xi32, #tpu.memory_space<vmem>>
        %dma_start3A_118 = arith.constant 0 : i32
        %dma_start3A_119 = arith.constant 0 : i32
        %dma_start3A_120 = tpu.memref_slice %arg6[%dma_start3A_118, %dma_start3A_119] : memref<10000x128xf32, #tpu.memory_space<vmem_shared>> -> memref<10000x128xf32, #tpu.memory_space<vmem_shared>>
        tpu.enqueue_indirect_dma source(%arg11 : memref<125x128xf32, #tpu.memory_space<vmem>>) target(%dma_start3A_120 : memref<10000x128xf32, #tpu.memory_space<vmem_shared>>) offsets(%dma_start3A_117 : memref<125xi32, #tpu.memory_space<vmem>>) semaphore(%arg15 : memref<!tpu.dma_semaphore, #tpu.memory_space<semaphore_mem>>) {add = true}
        %ge3A = arith.constant 1 : i32
        %ge3A_121 = arith.cmpi sge, %scan3A_93, %ge3A : i32
        %convert_element_type3A_122 = arith.extui %ge3A_121 : i1 to i32
        %cond3A_123 = arith.constant 0 : i32
        %cond3A_124 = arith.cmpi ne, %convert_element_type3A_122, %cond3A_123 : i32
        scf.if %cond3A_124 {
          %dma_wait3A_134 = arith.constant 0 : i32
          %dma_wait3A_135 = tpu.memref_slice %arg7[%scan3A_93, %dma_wait3A_134] : memref<80x125xi32, #tpu.memory_space<vmem>> -> memref<1x125xi32, #tpu.memory_space<vmem>>
          %dma_wait3A_136 = tpu.memref_squeeze %dma_wait3A_135 : memref<1x125xi32, #tpu.memory_space<vmem>> -> memref<125xi32, #tpu.memory_space<vmem>>
          %dma_wait3A_137 = arith.constant 0 : i32
          %dma_wait3A_138 = arith.constant 0 : i32
          %dma_wait3A_139 = tpu.memref_slice %arg6[%dma_wait3A_137, %dma_wait3A_138] : memref<10000x128xf32, #tpu.memory_space<vmem_shared>> -> memref<10000x128xf32, #tpu.memory_space<vmem_shared>>
          tpu.wait_indirect_dma semaphore(%arg14 : memref<!tpu.dma_semaphore, #tpu.memory_space<semaphore_mem>>) src(%arg10 : memref<125x128xf32, #tpu.memory_space<vmem>>) dst(%dma_wait3A_139 : memref<10000x128xf32, #tpu.memory_space<vmem_shared>>)
        } else {
        }
        %dma_wait3A_125 = arith.constant 0 : i32
        %dma_wait3A_126 = tpu.memref_slice %arg3[%mul3A_3, %dma_wait3A_125] : memref<2560x125xi32, #tpu.memory_space<hbm>> -> memref<1x125xi32, #tpu.memory_space<hbm>>
        %dma_wait3A_127 = tpu.memref_squeeze %dma_wait3A_126 : memref<1x125xi32, #tpu.memory_space<hbm>> -> memref<125xi32, #tpu.memory_space<hbm>>
        %dma_wait3A_128 = arith.constant 0 : i32
        %dma_wait3A_129 = tpu.memref_slice %arg3[%mul3A_3, %dma_wait3A_128] : memref<2560x125xi32, #tpu.memory_space<hbm>> -> memref<1x125xi32, #tpu.memory_space<hbm>>
        %dma_wait3A_130 = tpu.memref_squeeze %dma_wait3A_129 : memref<1x125xi32, #tpu.memory_space<hbm>> -> memref<125xi32, #tpu.memory_space<hbm>>
        tpu.wait_dma2 semaphore(%arg16 : memref<!tpu.dma_semaphore, #tpu.memory_space<semaphore_mem>>) src(%dma_wait3A_130 : memref<125xi32, #tpu.memory_space<hbm>>) dst(%arg8 : memref<125xi32, #tpu.memory_space<vmem>>)
        %dma_start3A_131 = arith.constant 0 : i32
        %dma_start3A_132 = arith.constant 0 : i32
        %dma_start3A_133 = tpu.memref_slice %arg2[%dma_start3A_131, %dma_start3A_132] : memref<10000x128xf32, #tpu.memory_space<hbm>> -> memref<10000x128xf32, #tpu.memory_space<hbm>>
        tpu.enqueue_indirect_dma source(%dma_start3A_133 : memref<10000x128xf32, #tpu.memory_space<hbm>>) target(%arg10 : memref<125x128xf32, #tpu.memory_space<vmem>>) offsets(%arg8 : memref<125xi32, #tpu.memory_space<vmem>>) semaphore(%arg12 : memref<!tpu.dma_semaphore, #tpu.memory_space<semaphore_mem>>)
      } else {
        %dma_wait3A_102 = arith.constant 0 : i32
        %dma_wait3A_103 = arith.constant 0 : i32
        %dma_wait3A_104 = tpu.memref_slice %arg2[%dma_wait3A_102, %dma_wait3A_103] : memref<10000x128xf32, #tpu.memory_space<hbm>> -> memref<10000x128xf32, #tpu.memory_space<hbm>>
        tpu.wait_indirect_dma semaphore(%arg12 : memref<!tpu.dma_semaphore, #tpu.memory_space<semaphore_mem>>) src(%dma_wait3A_104 : memref<10000x128xf32, #tpu.memory_space<hbm>>) dst(%arg10 : memref<125x128xf32, #tpu.memory_space<vmem>>)
        %add3A_105 = arith.constant 2 : i32
        %add3A_106 = arith.addi %scan3A_93, %add3A_105 : i32
        %min3A = arith.constant 79 : i32
        %min3A_107 = arith.minsi %add3A_106, %min3A : i32
        %add3A_108 = arith.addi %mul3A_3, %min3A_107 : i32
        %dma_start3A_109 = arith.constant 0 : i32
        %dma_start3A_110 = tpu.memref_slice %arg3[%add3A_108, %dma_start3A_109] : memref<2560x125xi32, #tpu.memory_space<hbm>> -> memref<1x125xi32, #tpu.memory_space<hbm>>
        %dma_start3A_111 = tpu.memref_squeeze %dma_start3A_110 : memref<1x125xi32, #tpu.memory_space<hbm>> -> memref<125xi32, #tpu.memory_space<hbm>>
        %dma_start3A_112 = arith.constant 0 : i32
        %dma_start3A_113 = tpu.memref_slice %arg3[%add3A_108, %dma_start3A_112] : memref<2560x125xi32, #tpu.memory_space<hbm>> -> memref<1x125xi32, #tpu.memory_space<hbm>>
        %dma_start3A_114 = tpu.memref_squeeze %dma_start3A_113 : memref<1x125xi32, #tpu.memory_space<hbm>> -> memref<125xi32, #tpu.memory_space<hbm>>
        tpu.enqueue_dma source(%dma_start3A_114 : memref<125xi32, #tpu.memory_space<hbm>>) target(%arg8 : memref<125xi32, #tpu.memory_space<vmem>>) target_semaphore(%arg16 : memref<!tpu.dma_semaphore, #tpu.memory_space<semaphore_mem>>)
        %dma_start3A_115 = arith.constant 0 : i32
        %dma_start3A_116 = tpu.memref_slice %arg7[%scan3A_93, %dma_start3A_115] : memref<80x125xi32, #tpu.memory_space<vmem>> -> memref<1x125xi32, #tpu.memory_space<vmem>>
        %dma_start3A_117 = tpu.memref_squeeze %dma_start3A_116 : memref<1x125xi32, #tpu.memory_space<vmem>> -> memref<125xi32, #tpu.memory_space<vmem>>
        %dma_start3A_118 = arith.constant 0 : i32
        %dma_start3A_119 = arith.constant 0 : i32
        %dma_start3A_120 = tpu.memref_slice %arg6[%dma_start3A_118, %dma_start3A_119] : memref<10000x128xf32, #tpu.memory_space<vmem_shared>> -> memref<10000x128xf32, #tpu.memory_space<vmem_shared>>
        tpu.enqueue_indirect_dma source(%arg10 : memref<125x128xf32, #tpu.memory_space<vmem>>) target(%dma_start3A_120 : memref<10000x128xf32, #tpu.memory_space<vmem_shared>>) offsets(%dma_start3A_117 : memref<125xi32, #tpu.memory_space<vmem>>) semaphore(%arg14 : memref<!tpu.dma_semaphore, #tpu.memory_space<semaphore_mem>>) {add = true}
        %ge3A = arith.constant 1 : i32
        %ge3A_121 = arith.cmpi sge, %scan3A_93, %ge3A : i32
        %convert_element_type3A_122 = arith.extui %ge3A_121 : i1 to i32
        %cond3A_123 = arith.constant 0 : i32
        %cond3A_124 = arith.cmpi ne, %convert_element_type3A_122, %cond3A_123 : i32
        scf.if %cond3A_124 {
          %dma_wait3A_134 = arith.constant 0 : i32
          %dma_wait3A_135 = tpu.memref_slice %arg7[%scan3A_93, %dma_wait3A_134] : memref<80x125xi32, #tpu.memory_space<vmem>> -> memref<1x125xi32, #tpu.memory_space<vmem>>
          %dma_wait3A_136 = tpu.memref_squeeze %dma_wait3A_135 : memref<1x125xi32, #tpu.memory_space<vmem>> -> memref<125xi32, #tpu.memory_space<vmem>>
          %dma_wait3A_137 = arith.constant 0 : i32
          %dma_wait3A_138 = arith.constant 0 : i32
          %dma_wait3A_139 = tpu.memref_slice %arg6[%dma_wait3A_137, %dma_wait3A_138] : memref<10000x128xf32, #tpu.memory_space<vmem_shared>> -> memref<10000x128xf32, #tpu.memory_space<vmem_shared>>
          tpu.wait_indirect_dma semaphore(%arg15 : memref<!tpu.dma_semaphore, #tpu.memory_space<semaphore_mem>>) src(%arg11 : memref<125x128xf32, #tpu.memory_space<vmem>>) dst(%dma_wait3A_139 : memref<10000x128xf32, #tpu.memory_space<vmem_shared>>)
        } else {
        }
        %dma_wait3A_125 = arith.constant 0 : i32
        %dma_wait3A_126 = tpu.memref_slice %arg3[%mul3A_3, %dma_wait3A_125] : memref<2560x125xi32, #tpu.memory_space<hbm>> -> memref<1x125xi32, #tpu.memory_space<hbm>>
        %dma_wait3A_127 = tpu.memref_squeeze %dma_wait3A_126 : memref<1x125xi32, #tpu.memory_space<hbm>> -> memref<125xi32, #tpu.memory_space<hbm>>
        %dma_wait3A_128 = arith.constant 0 : i32
        %dma_wait3A_129 = tpu.memref_slice %arg3[%mul3A_3, %dma_wait3A_128] : memref<2560x125xi32, #tpu.memory_space<hbm>> -> memref<1x125xi32, #tpu.memory_space<hbm>>
        %dma_wait3A_130 = tpu.memref_squeeze %dma_wait3A_129 : memref<1x125xi32, #tpu.memory_space<hbm>> -> memref<125xi32, #tpu.memory_space<hbm>>
        tpu.wait_dma2 semaphore(%arg17 : memref<!tpu.dma_semaphore, #tpu.memory_space<semaphore_mem>>) src(%dma_wait3A_130 : memref<125xi32, #tpu.memory_space<hbm>>) dst(%arg9 : memref<125xi32, #tpu.memory_space<vmem>>)
        %dma_start3A_131 = arith.constant 0 : i32
        %dma_start3A_132 = arith.constant 0 : i32
        %dma_start3A_133 = tpu.memref_slice %arg2[%dma_start3A_131, %dma_start3A_132] : memref<10000x128xf32, #tpu.memory_space<hbm>> -> memref<10000x128xf32, #tpu.memory_space<hbm>>
        tpu.enqueue_indirect_dma source(%dma_start3A_133 : memref<10000x128xf32, #tpu.memory_space<hbm>>) target(%arg11 : memref<125x128xf32, #tpu.memory_space<vmem>>) offsets(%arg9 : memref<125xi32, #tpu.memory_space<vmem>>) semaphore(%arg13 : memref<!tpu.dma_semaphore, #tpu.memory_space<semaphore_mem>>)
      }
      %scan3A_101 = arith.constant 0 : i32
      scf.yield %scan3A_101 : i32
    }
    %scan3A_56 = arith.constant 79 : i32
    %dma_wait3A_57 = arith.constant 0 : i32
    %dma_wait3A_58 = arith.constant 0 : i32
    %dma_wait3A_59 = tpu.memref_slice %arg2[%dma_wait3A_57, %dma_wait3A_58] : memref<10000x128xf32, #tpu.memory_space<hbm>> -> memref<10000x128xf32, #tpu.memory_space<hbm>>
    tpu.wait_indirect_dma semaphore(%arg13 : memref<!tpu.dma_semaphore, #tpu.memory_space<semaphore_mem>>) src(%dma_wait3A_59 : memref<10000x128xf32, #tpu.memory_space<hbm>>) dst(%arg11 : memref<125x128xf32, #tpu.memory_space<vmem>>)
    %dma_start3A_60 = arith.constant 79 : i32
    %dma_start3A_61 = arith.constant 0 : i32
    %dma_start3A_62 = tpu.memref_slice %arg7[%dma_start3A_60, %dma_start3A_61] : memref<80x125xi32, #tpu.memory_space<vmem>> -> memref<1x125xi32, #tpu.memory_space<vmem>>
    %dma_start3A_63 = tpu.memref_squeeze %dma_start3A_62 : memref<1x125xi32, #tpu.memory_space<vmem>> -> memref<125xi32, #tpu.memory_space<vmem>>
    %dma_start3A_64 = arith.constant 0 : i32
    %dma_start3A_65 = arith.constant 0 : i32
    %dma_start3A_66 = tpu.memref_slice %arg6[%dma_start3A_64, %dma_start3A_65] : memref<10000x128xf32, #tpu.memory_space<vmem_shared>> -> memref<10000x128xf32, #tpu.memory_space<vmem_shared>>
    tpu.enqueue_indirect_dma source(%arg11 : memref<125x128xf32, #tpu.memory_space<vmem>>) target(%dma_start3A_66 : memref<10000x128xf32, #tpu.memory_space<vmem_shared>>) offsets(%dma_start3A_63 : memref<125xi32, #tpu.memory_space<vmem>>) semaphore(%arg15 : memref<!tpu.dma_semaphore, #tpu.memory_space<semaphore_mem>>) {add = true}
    %dma_wait3A_67 = arith.constant 0 : i32
    %dma_wait3A_68 = arith.constant 0 : i32
    %dma_wait3A_69 = tpu.memref_slice %arg7[%dma_wait3A_67, %dma_wait3A_68] : memref<80x125xi32, #tpu.memory_space<vmem>> -> memref<1x125xi32, #tpu.memory_space<vmem>>
    %dma_wait3A_70 = tpu.memref_squeeze %dma_wait3A_69 : memref<1x125xi32, #tpu.memory_space<vmem>> -> memref<125xi32, #tpu.memory_space<vmem>>
    %dma_wait3A_71 = arith.constant 0 : i32
    %dma_wait3A_72 = arith.constant 0 : i32
    %dma_wait3A_73 = tpu.memref_slice %arg6[%dma_wait3A_71, %dma_wait3A_72] : memref<10000x128xf32, #tpu.memory_space<vmem_shared>> -> memref<10000x128xf32, #tpu.memory_space<vmem_shared>>
    tpu.wait_indirect_dma semaphore(%arg15 : memref<!tpu.dma_semaphore, #tpu.memory_space<semaphore_mem>>) src(%arg11 : memref<125x128xf32, #tpu.memory_space<vmem>>) dst(%dma_wait3A_73 : memref<10000x128xf32, #tpu.memory_space<vmem_shared>>)
    %dma_wait3A_74 = arith.constant 0 : i32
    %dma_wait3A_75 = arith.constant 0 : i32
    %dma_wait3A_76 = tpu.memref_slice %arg7[%dma_wait3A_74, %dma_wait3A_75] : memref<80x125xi32, #tpu.memory_space<vmem>> -> memref<1x125xi32, #tpu.memory_space<vmem>>
    %dma_wait3A_77 = tpu.memref_squeeze %dma_wait3A_76 : memref<1x125xi32, #tpu.memory_space<vmem>> -> memref<125xi32, #tpu.memory_space<vmem>>
    %dma_wait3A_78 = arith.constant 0 : i32
    %dma_wait3A_79 = arith.constant 0 : i32
    %dma_wait3A_80 = tpu.memref_slice %arg6[%dma_wait3A_78, %dma_wait3A_79] : memref<10000x128xf32, #tpu.memory_space<vmem_shared>> -> memref<10000x128xf32, #tpu.memory_space<vmem_shared>>
    tpu.wait_indirect_dma semaphore(%arg14 : memref<!tpu.dma_semaphore, #tpu.memory_space<semaphore_mem>>) src(%arg10 : memref<125x128xf32, #tpu.memory_space<vmem>>) dst(%dma_wait3A_80 : memref<10000x128xf32, #tpu.memory_space<vmem_shared>>)
    %dma_wait3A_81 = arith.constant 0 : i32
    %dma_wait3A_82 = tpu.memref_slice %arg3[%mul3A_3, %dma_wait3A_81] : memref<2560x125xi32, #tpu.memory_space<hbm>> -> memref<1x125xi32, #tpu.memory_space<hbm>>
    %dma_wait3A_83 = tpu.memref_squeeze %dma_wait3A_82 : memref<1x125xi32, #tpu.memory_space<hbm>> -> memref<125xi32, #tpu.memory_space<hbm>>
    %dma_wait3A_84 = arith.constant 0 : i32
    %dma_wait3A_85 = tpu.memref_slice %arg3[%mul3A_3, %dma_wait3A_84] : memref<2560x125xi32, #tpu.memory_space<hbm>> -> memref<1x125xi32, #tpu.memory_space<hbm>>
    %dma_wait3A_86 = tpu.memref_squeeze %dma_wait3A_85 : memref<1x125xi32, #tpu.memory_space<hbm>> -> memref<125xi32, #tpu.memory_space<hbm>>
    tpu.wait_dma2 semaphore(%arg16 : memref<!tpu.dma_semaphore, #tpu.memory_space<semaphore_mem>>) src(%dma_wait3A_86 : memref<125xi32, #tpu.memory_space<hbm>>) dst(%arg8 : memref<125xi32, #tpu.memory_space<vmem>>)
    %barrier3A_87 = arith.constant 0 : index
    tpu.barrier barrier_id(%barrier3A_87)
    %mul3A_88 = arith.constant 624 : i32
    %mul3A_89 = arith.muli %arg1, %mul3A_88 : i32
    "tpu.region"() ({
      %run_scoped3A = tpu.sem_alloc : memref<!tpu.dma_semaphore, #tpu.memory_space<semaphore_mem>>
      %dma_start3A_93 = arith.constant 0 : i32
      %dma_start3A_94 = tpu.memref_slice %arg5[%arg0, %mul3A_89, %dma_start3A_93] : memref<2x10000x128xf32, #tpu.memory_space<hbm>> -> memref<1x624x128xf32, #tpu.memory_space<hbm>>
      %dma_start3A_95 = tpu.memref_squeeze %dma_start3A_94 : memref<1x624x128xf32, #tpu.memory_space<hbm>> -> memref<624x128xf32, #tpu.memory_space<hbm>>
      %dma_start3A_96 = arith.constant 0 : i32
      %dma_start3A_97 = tpu.memref_slice %arg6[%mul3A_89, %dma_start3A_96] : memref<10000x128xf32, #tpu.memory_space<vmem_shared>> -> memref<624x128xf32, #tpu.memory_space<vmem_shared>>
      tpu.enqueue_dma source(%dma_start3A_97 : memref<624x128xf32, #tpu.memory_space<vmem_shared>>) target(%dma_start3A_95 : memref<624x128xf32, #tpu.memory_space<hbm>>) target_semaphore(%run_scoped3A : memref<!tpu.dma_semaphore, #tpu.memory_space<semaphore_mem>>)
      %dma_wait3A_98 = arith.constant 0 : i32
      %dma_wait3A_99 = tpu.memref_slice %arg5[%arg0, %mul3A_89, %dma_wait3A_98] : memref<2x10000x128xf32, #tpu.memory_space<hbm>> -> memref<1x624x128xf32, #tpu.memory_space<hbm>>
      %dma_wait3A_100 = tpu.memref_squeeze %dma_wait3A_99 : memref<1x624x128xf32, #tpu.memory_space<hbm>> -> memref<624x128xf32, #tpu.memory_space<hbm>>
      %dma_wait3A_101 = arith.constant 0 : i32
      %dma_wait3A_102 = tpu.memref_slice %arg6[%mul3A_89, %dma_wait3A_101] : memref<10000x128xf32, #tpu.memory_space<vmem_shared>> -> memref<624x128xf32, #tpu.memory_space<vmem_shared>>
      tpu.wait_dma2 semaphore(%run_scoped3A : memref<!tpu.dma_semaphore, #tpu.memory_space<semaphore_mem>>) src(%dma_wait3A_102 : memref<624x128xf32, #tpu.memory_space<vmem_shared>>) dst(%dma_wait3A_100 : memref<624x128xf32, #tpu.memory_space<hbm>>)
      tpu.yield
    }) : () -> ()
    %convert_element_type3A_90 = arith.extui %eq3A_1 : i1 to i32
    %cond3A_91 = arith.constant 0 : i32
    %cond3A_92 = arith.cmpi ne, %convert_element_type3A_90, %cond3A_91 : i32
    scf.if %cond3A_92 {
      "tpu.region"() ({
        %run_scoped3A = tpu.sem_alloc : memref<!tpu.dma_semaphore, #tpu.memory_space<semaphore_mem>>
        %dma_start3A_93 = arith.constant 9984 : i32
        %dma_start3A_94 = arith.constant 0 : i32
        %dma_start3A_95 = tpu.memref_slice %arg5[%arg0, %dma_start3A_93, %dma_start3A_94] : memref<2x10000x128xf32, #tpu.memory_space<hbm>> -> memref<1x16x128xf32, #tpu.memory_space<hbm>>
        %dma_start3A_96 = tpu.memref_squeeze %dma_start3A_95 : memref<1x16x128xf32, #tpu.memory_space<hbm>> -> memref<16x128xf32, #tpu.memory_space<hbm>>
        %dma_start3A_97 = arith.constant 9984 : i32
        %dma_start3A_98 = arith.constant 0 : i32
        %dma_start3A_99 = tpu.memref_slice %arg6[%dma_start3A_97, %dma_start3A_98] : memref<10000x128xf32, #tpu.memory_space<vmem_shared>> -> memref<16x128xf32, #tpu.memory_space<vmem_shared>>
        tpu.enqueue_dma source(%dma_start3A_99 : memref<16x128xf32, #tpu.memory_space<vmem_shared>>) target(%dma_start3A_96 : memref<16x128xf32, #tpu.memory_space<hbm>>) target_semaphore(%run_scoped3A : memref<!tpu.dma_semaphore, #tpu.memory_space<semaphore_mem>>)
        %dma_wait3A_100 = arith.constant 9984 : i32
        %dma_wait3A_101 = arith.constant 0 : i32
        %dma_wait3A_102 = tpu.memref_slice %arg5[%arg0, %dma_wait3A_100, %dma_wait3A_101] : memref<2x10000x128xf32, #tpu.memory_space<hbm>> -> memref<1x16x128xf32, #tpu.memory_space<hbm>>
        %dma_wait3A_103 = tpu.memref_squeeze %dma_wait3A_102 : memref<1x16x128xf32, #tpu.memory_space<hbm>> -> memref<16x128xf32, #tpu.memory_space<hbm>>
        %dma_wait3A_104 = arith.constant 9984 : i32
        %dma_wait3A_105 = arith.constant 0 : i32
        %dma_wait3A_106 = tpu.memref_slice %arg6[%dma_wait3A_104, %dma_wait3A_105] : memref<10000x128xf32, #tpu.memory_space<vmem_shared>> -> memref<16x128xf32, #tpu.memory_space<vmem_shared>>
        tpu.wait_dma2 semaphore(%run_scoped3A : memref<!tpu.dma_semaphore, #tpu.memory_space<semaphore_mem>>) src(%dma_wait3A_106 : memref<16x128xf32, #tpu.memory_space<vmem_shared>>) dst(%dma_wait3A_103 : memref<16x128xf32, #tpu.memory_space<hbm>>)
        tpu.yield
      }) : () -> ()
    } else {
    }
    return
  }
}

module attributes {stable_mosaic.version = 14 : i64} {
  func.func @_tc_body(%arg0: i32, %arg1: memref<2x1000x128xf32, #tpu.memory_space<vmem>>, %arg2: memref<2x1000x16xf32, #tpu.memory_space<vmem>>, %arg3: memref<1000x128xf32, #tpu.memory_space<vmem>>, %arg4: memref<128x128xf32, #tpu.memory_space<vmem>>, %arg5: memref<128x128xf32, #tpu.memory_space<vmem>>, %arg6: memref<1x128xf32, #tpu.memory_space<vmem>>, %arg7: memref<1000x128xf32, #tpu.memory_space<vmem>>) attributes {dimension_semantics = [#tpu.dimension_semantics<arbitrary>], iteration_bounds = array<i64: 10>, scalar_prefetch = 0 : i64, scratch_operands = 0 : i64, tpu.core_type = #tpu.core_type<tc>, window_params = [{transform_indices = @transform_0, window_bounds = array<i64: 2, 1000, 128>}, {transform_indices = @transform_1, window_bounds = array<i64: 2, 1000, 16>}, {transform_indices = @transform_2, window_bounds = array<i64: 1000, 128>}, {pipeline_mode = #tpu.pipeline_mode<synchronous>, transform_indices = @transform_3, window_bounds = array<i64: 128, 128>}, {pipeline_mode = #tpu.pipeline_mode<synchronous>, transform_indices = @transform_4, window_bounds = array<i64: 128, 128>}, {pipeline_mode = #tpu.pipeline_mode<synchronous>, transform_indices = @transform_5, window_bounds = array<i64: 1, 128>}, {transform_indices = @transform_6, window_bounds = array<i64: 1000, 128>}]} {
    %get3A = arith.constant 0 : index
    %get3A_0 = arith.constant 0 : index
    %get3A_1 = arith.constant 0 : index
    %get3A_2 = vector.load %arg1[%get3A, %get3A_0, %get3A_1] : memref<2x1000x128xf32, #tpu.memory_space<vmem>>, vector<1x1000x128xf32>
    %get3A_3 = vector.shape_cast %get3A_2 : vector<1x1000x128xf32> to vector<1000x128xf32>
    %get3A_4 = arith.constant 1 : index
    %get3A_5 = arith.constant 0 : index
    %get3A_6 = arith.constant 0 : index
    %get3A_7 = vector.load %arg1[%get3A_4, %get3A_5, %get3A_6] : memref<2x1000x128xf32, #tpu.memory_space<vmem>>, vector<1x1000x128xf32>
    %get3A_8 = vector.shape_cast %get3A_7 : vector<1x1000x128xf32> to vector<1000x128xf32>
    %add3A = arith.addf %get3A_3, %get3A_8 : vector<1000x128xf32>
    %get3A_9 = arith.constant 0 : index
    %get3A_10 = arith.constant 0 : index
    %get3A_11 = arith.constant 0 : index
    %get3A_12 = vector.load %arg2[%get3A_9, %get3A_10, %get3A_11] : memref<2x1000x16xf32, #tpu.memory_space<vmem>>, vector<1x1000x1xf32>
    %get3A_13 = vector.shape_cast %get3A_12 : vector<1x1000x1xf32> to vector<1000x1xf32>
    %get3A_14 = arith.constant 1 : index
    %get3A_15 = arith.constant 0 : index
    %get3A_16 = arith.constant 0 : index
    %get3A_17 = vector.load %arg2[%get3A_14, %get3A_15, %get3A_16] : memref<2x1000x16xf32, #tpu.memory_space<vmem>>, vector<1x1000x1xf32>
    %get3A_18 = vector.shape_cast %get3A_17 : vector<1x1000x1xf32> to vector<1000x1xf32>
    %add3A_19 = arith.addf %get3A_13, %get3A_18 : vector<1000x1xf32>
    %max3A = arith.constant 1.000000e+00 : f32
    %max3A_20 = vector.broadcast %max3A : f32 to vector<1000x1xf32>
    %max3A_21 = arith.maximumf %add3A_19, %max3A_20 : vector<1000x1xf32>
    %div3A = vector.broadcast %max3A_21 : vector<1000x1xf32> to vector<1000x128xf32>
    %div3A_22 = arith.divf %add3A, %div3A : vector<1000x128xf32>
    %get3A_23 = arith.constant 0 : index
    %get3A_24 = arith.constant 0 : index
    %get3A_25 = vector.load %arg4[%get3A_23, %get3A_24] : memref<128x128xf32, #tpu.memory_space<vmem>>, vector<128x128xf32>
    %dot_general3A = arith.constant dense<0.000000e+00> : vector<1000x128xf32>
    %dot_general3A_26 = tpu.matmul %div3A_22, %get3A_25, %dot_general3A {dimension_numbers = #tpu.dot_dimension_numbers<[1], [1], [0], [0], [0, 0, 1, 0], [], []>, transpose_lhs_hint = false} : vector<1000x128xf32>, vector<128x128xf32>, vector<1000x128xf32> -> vector<1000x128xf32>
    %get3A_27 = arith.constant 0 : index
    %get3A_28 = arith.constant 0 : index
    %get3A_29 = vector.load %arg3[%get3A_27, %get3A_28] : memref<1000x128xf32, #tpu.memory_space<vmem>>, vector<1000x128xf32>
    %get3A_30 = arith.constant 0 : index
    %get3A_31 = arith.constant 0 : index
    %get3A_32 = vector.load %arg5[%get3A_30, %get3A_31] : memref<128x128xf32, #tpu.memory_space<vmem>>, vector<128x128xf32>
    %dot_general3A_33 = arith.constant dense<0.000000e+00> : vector<1000x128xf32>
    %dot_general3A_34 = tpu.matmul %get3A_29, %get3A_32, %dot_general3A_33 {dimension_numbers = #tpu.dot_dimension_numbers<[1], [1], [0], [0], [0, 0, 1, 0], [], []>, transpose_lhs_hint = false} : vector<1000x128xf32>, vector<128x128xf32>, vector<1000x128xf32> -> vector<1000x128xf32>
    %add3A_35 = arith.addf %dot_general3A_26, %dot_general3A_34 : vector<1000x128xf32>
    %get3A_36 = arith.constant 0 : index
    %get3A_37 = arith.constant 0 : index
    %get3A_38 = vector.load %arg6[%get3A_36, %get3A_37] : memref<1x128xf32, #tpu.memory_space<vmem>>, vector<1x128xf32>
    %add3A_39 = vector.broadcast %get3A_38 : vector<1x128xf32> to vector<1000x128xf32>
    %add3A_40 = arith.addf %add3A_35, %add3A_39 : vector<1000x128xf32>
    %max3A_41 = arith.constant 0.000000e+00 : f32
    %max3A_42 = vector.broadcast %max3A_41 : f32 to vector<1000x128xf32>
    %max3A_43 = arith.maximumf %add3A_40, %max3A_42 : vector<1000x128xf32>
    %swap3A = arith.constant 0 : index
    %swap3A_44 = arith.constant 0 : index
    %swap3A_45 = vector.load %arg7[%swap3A, %swap3A_44] : memref<1000x128xf32, #tpu.memory_space<vmem>>, vector<1000x128xf32>
    tpu.vector_store %arg7[%swap3A, %swap3A_44], %max3A_43 {strides = array<i32>} : memref<1000x128xf32, #tpu.memory_space<vmem>>, vector<1000x128xf32>,
    return
  }
  func.func @transform_0(%arg0: i32) -> (i32, i32, i32) {
    %c0_i32 = arith.constant 0 : i32
    %c0_i32_0 = arith.constant 0 : i32
    %c0_i32_1 = arith.constant 0 : i32
    return %c0_i32, %arg0, %c0_i32_0 : i32, i32, i32
  }
  func.func @transform_1(%arg0: i32) -> (i32, i32, i32) {
    %c0_i32 = arith.constant 0 : i32
    %c0_i32_0 = arith.constant 0 : i32
    %c0_i32_1 = arith.constant 0 : i32
    return %c0_i32, %arg0, %c0_i32_0 : i32, i32, i32
  }
  func.func @transform_2(%arg0: i32) -> (i32, i32) {
    %c0_i32 = arith.constant 0 : i32
    %c0_i32_0 = arith.constant 0 : i32
    return %arg0, %c0_i32 : i32, i32
  }
  func.func @transform_3(%arg0: i32) -> (i32, i32) {
    %c0_i32 = arith.constant 0 : i32
    %c0_i32_0 = arith.constant 0 : i32
    %c0_i32_1 = arith.constant 0 : i32
    return %c0_i32, %c0_i32_0 : i32, i32
  }
  func.func @transform_4(%arg0: i32) -> (i32, i32) {
    %c0_i32 = arith.constant 0 : i32
    %c0_i32_0 = arith.constant 0 : i32
    %c0_i32_1 = arith.constant 0 : i32
    return %c0_i32, %c0_i32_0 : i32, i32
  }
  func.func @transform_5(%arg0: i32) -> (i32, i32) {
    %c0_i32 = arith.constant 0 : i32
    %c0_i32_0 = arith.constant 0 : i32
    %c0_i32_1 = arith.constant 0 : i32
    return %c0_i32, %c0_i32_0 : i32, i32
  }
  func.func @transform_6(%arg0: i32) -> (i32, i32) {
    %c0_i32 = arith.constant 0 : i32
    %c0_i32_0 = arith.constant 0 : i32
    return %arg0, %c0_i32 : i32, i32
  }
}

module attributes {stable_mosaic.version = 14 : i64} {
  func.func @_tc_body_final(%arg0: i32, %arg1: memref<2x1000x128xf32, #tpu.memory_space<vmem>>, %arg2: memref<2x1000x16xf32, #tpu.memory_space<vmem>>, %arg3: memref<1000x128xf32, #tpu.memory_space<vmem>>, %arg4: memref<128x128xf32, #tpu.memory_space<vmem>>, %arg5: memref<128x128xf32, #tpu.memory_space<vmem>>, %arg6: memref<1x128xf32, #tpu.memory_space<vmem>>, %arg7: memref<128x128xf32, #tpu.memory_space<vmem>>, %arg8: memref<1x128xf32, #tpu.memory_space<vmem>>, %arg9: memref<1000x128xf32, #tpu.memory_space<vmem>>) attributes {dimension_semantics = [#tpu.dimension_semantics<arbitrary>], iteration_bounds = array<i64: 10>, scalar_prefetch = 0 : i64, scratch_operands = 0 : i64, tpu.core_type = #tpu.core_type<tc>, window_params = [{transform_indices = @transform_0, window_bounds = array<i64: 2, 1000, 128>}, {transform_indices = @transform_1, window_bounds = array<i64: 2, 1000, 16>}, {transform_indices = @transform_2, window_bounds = array<i64: 1000, 128>}, {pipeline_mode = #tpu.pipeline_mode<synchronous>, transform_indices = @transform_3, window_bounds = array<i64: 128, 128>}, {pipeline_mode = #tpu.pipeline_mode<synchronous>, transform_indices = @transform_4, window_bounds = array<i64: 128, 128>}, {pipeline_mode = #tpu.pipeline_mode<synchronous>, transform_indices = @transform_5, window_bounds = array<i64: 1, 128>}, {pipeline_mode = #tpu.pipeline_mode<synchronous>, transform_indices = @transform_6, window_bounds = array<i64: 128, 128>}, {pipeline_mode = #tpu.pipeline_mode<synchronous>, transform_indices = @transform_7, window_bounds = array<i64: 1, 128>}, {transform_indices = @transform_8, window_bounds = array<i64: 1000, 128>}]} {
    %get3A = arith.constant 0 : index
    %get3A_0 = arith.constant 0 : index
    %get3A_1 = arith.constant 0 : index
    %get3A_2 = vector.load %arg1[%get3A, %get3A_0, %get3A_1] : memref<2x1000x128xf32, #tpu.memory_space<vmem>>, vector<1x1000x128xf32>
    %get3A_3 = vector.shape_cast %get3A_2 : vector<1x1000x128xf32> to vector<1000x128xf32>
    %get3A_4 = arith.constant 1 : index
    %get3A_5 = arith.constant 0 : index
    %get3A_6 = arith.constant 0 : index
    %get3A_7 = vector.load %arg1[%get3A_4, %get3A_5, %get3A_6] : memref<2x1000x128xf32, #tpu.memory_space<vmem>>, vector<1x1000x128xf32>
    %get3A_8 = vector.shape_cast %get3A_7 : vector<1x1000x128xf32> to vector<1000x128xf32>
    %add3A = arith.addf %get3A_3, %get3A_8 : vector<1000x128xf32>
    %get3A_9 = arith.constant 0 : index
    %get3A_10 = arith.constant 0 : index
    %get3A_11 = arith.constant 0 : index
    %get3A_12 = vector.load %arg2[%get3A_9, %get3A_10, %get3A_11] : memref<2x1000x16xf32, #tpu.memory_space<vmem>>, vector<1x1000x1xf32>
    %get3A_13 = vector.shape_cast %get3A_12 : vector<1x1000x1xf32> to vector<1000x1xf32>
    %get3A_14 = arith.constant 1 : index
    %get3A_15 = arith.constant 0 : index
    %get3A_16 = arith.constant 0 : index
    %get3A_17 = vector.load %arg2[%get3A_14, %get3A_15, %get3A_16] : memref<2x1000x16xf32, #tpu.memory_space<vmem>>, vector<1x1000x1xf32>
    %get3A_18 = vector.shape_cast %get3A_17 : vector<1x1000x1xf32> to vector<1000x1xf32>
    %add3A_19 = arith.addf %get3A_13, %get3A_18 : vector<1000x1xf32>
    %max3A = arith.constant 1.000000e+00 : f32
    %max3A_20 = vector.broadcast %max3A : f32 to vector<1000x1xf32>
    %max3A_21 = arith.maximumf %add3A_19, %max3A_20 : vector<1000x1xf32>
    %div3A = vector.broadcast %max3A_21 : vector<1000x1xf32> to vector<1000x128xf32>
    %div3A_22 = arith.divf %add3A, %div3A : vector<1000x128xf32>
    %get3A_23 = arith.constant 0 : index
    %get3A_24 = arith.constant 0 : index
    %get3A_25 = vector.load %arg4[%get3A_23, %get3A_24] : memref<128x128xf32, #tpu.memory_space<vmem>>, vector<128x128xf32>
    %dot_general3A = arith.constant dense<0.000000e+00> : vector<1000x128xf32>
    %dot_general3A_26 = tpu.matmul %div3A_22, %get3A_25, %dot_general3A {dimension_numbers = #tpu.dot_dimension_numbers<[1], [1], [0], [0], [0, 0, 1, 0], [], []>, transpose_lhs_hint = false} : vector<1000x128xf32>, vector<128x128xf32>, vector<1000x128xf32> -> vector<1000x128xf32>
    %get3A_27 = arith.constant 0 : index
    %get3A_28 = arith.constant 0 : index
    %get3A_29 = vector.load %arg3[%get3A_27, %get3A_28] : memref<1000x128xf32, #tpu.memory_space<vmem>>, vector<1000x128xf32>
    %get3A_30 = arith.constant 0 : index
    %get3A_31 = arith.constant 0 : index
    %get3A_32 = vector.load %arg5[%get3A_30, %get3A_31] : memref<128x128xf32, #tpu.memory_space<vmem>>, vector<128x128xf32>
    %dot_general3A_33 = arith.constant dense<0.000000e+00> : vector<1000x128xf32>
    %dot_general3A_34 = tpu.matmul %get3A_29, %get3A_32, %dot_general3A_33 {dimension_numbers = #tpu.dot_dimension_numbers<[1], [1], [0], [0], [0, 0, 1, 0], [], []>, transpose_lhs_hint = false} : vector<1000x128xf32>, vector<128x128xf32>, vector<1000x128xf32> -> vector<1000x128xf32>
    %add3A_35 = arith.addf %dot_general3A_26, %dot_general3A_34 : vector<1000x128xf32>
    %get3A_36 = arith.constant 0 : index
    %get3A_37 = arith.constant 0 : index
    %get3A_38 = vector.load %arg6[%get3A_36, %get3A_37] : memref<1x128xf32, #tpu.memory_space<vmem>>, vector<1x128xf32>
    %add3A_39 = vector.broadcast %get3A_38 : vector<1x128xf32> to vector<1000x128xf32>
    %add3A_40 = arith.addf %add3A_35, %add3A_39 : vector<1000x128xf32>
    %max3A_41 = arith.constant 0.000000e+00 : f32
    %max3A_42 = vector.broadcast %max3A_41 : f32 to vector<1000x128xf32>
    %max3A_43 = arith.maximumf %add3A_40, %max3A_42 : vector<1000x128xf32>
    %get3A_44 = arith.constant 0 : index
    %get3A_45 = arith.constant 0 : index
    %get3A_46 = vector.load %arg7[%get3A_44, %get3A_45] : memref<128x128xf32, #tpu.memory_space<vmem>>, vector<128x128xf32>
    %dot_general3A_47 = arith.constant dense<0.000000e+00> : vector<1000x128xf32>
    %dot_general3A_48 = tpu.matmul %max3A_43, %get3A_46, %dot_general3A_47 {dimension_numbers = #tpu.dot_dimension_numbers<[1], [1], [0], [0], [0, 0, 1, 0], [], []>, transpose_lhs_hint = false} : vector<1000x128xf32>, vector<128x128xf32>, vector<1000x128xf32> -> vector<1000x128xf32>
    %get3A_49 = arith.constant 0 : index
    %get3A_50 = arith.constant 0 : index
    %get3A_51 = vector.load %arg8[%get3A_49, %get3A_50] : memref<1x128xf32, #tpu.memory_space<vmem>>, vector<1x128xf32>
    %add3A_52 = vector.broadcast %get3A_51 : vector<1x128xf32> to vector<1000x128xf32>
    %add3A_53 = arith.addf %dot_general3A_48, %add3A_52 : vector<1000x128xf32>
    %swap3A = arith.constant 0 : index
    %swap3A_54 = arith.constant 0 : index
    %swap3A_55 = vector.load %arg9[%swap3A, %swap3A_54] : memref<1000x128xf32, #tpu.memory_space<vmem>>, vector<1000x128xf32>
    tpu.vector_store %arg9[%swap3A, %swap3A_54], %add3A_53 {strides = array<i32>} : memref<1000x128xf32, #tpu.memory_space<vmem>>, vector<1000x128xf32>,
    return
  }
  func.func @transform_0(%arg0: i32) -> (i32, i32, i32) {
    %c0_i32 = arith.constant 0 : i32
    %c0_i32_0 = arith.constant 0 : i32
    %c0_i32_1 = arith.constant 0 : i32
    return %c0_i32, %arg0, %c0_i32_0 : i32, i32, i32
  }
  func.func @transform_1(%arg0: i32) -> (i32, i32, i32) {
    %c0_i32 = arith.constant 0 : i32
    %c0_i32_0 = arith.constant 0 : i32
    %c0_i32_1 = arith.constant 0 : i32
    return %c0_i32, %arg0, %c0_i32_0 : i32, i32, i32
  }
  func.func @transform_2(%arg0: i32) -> (i32, i32) {
    %c0_i32 = arith.constant 0 : i32
    %c0_i32_0 = arith.constant 0 : i32
    return %arg0, %c0_i32 : i32, i32
  }
  func.func @transform_3(%arg0: i32) -> (i32, i32) {
    %c0_i32 = arith.constant 0 : i32
    %c0_i32_0 = arith.constant 0 : i32
    %c0_i32_1 = arith.constant 0 : i32
    return %c0_i32, %c0_i32_0 : i32, i32
  }
  func.func @transform_4(%arg0: i32) -> (i32, i32) {
    %c0_i32 = arith.constant 0 : i32
    %c0_i32_0 = arith.constant 0 : i32
    %c0_i32_1 = arith.constant 0 : i32
    return %c0_i32, %c0_i32_0 : i32, i32
  }
  func.func @transform_5(%arg0: i32) -> (i32, i32) {
    %c0_i32 = arith.constant 0 : i32
    %c0_i32_0 = arith.constant 0 : i32
    %c0_i32_1 = arith.constant 0 : i32
    return %c0_i32, %c0_i32_0 : i32, i32
  }
  func.func @transform_6(%arg0: i32) -> (i32, i32) {
    %c0_i32 = arith.constant 0 : i32
    %c0_i32_0 = arith.constant 0 : i32
    %c0_i32_1 = arith.constant 0 : i32
    return %c0_i32, %c0_i32_0 : i32, i32
  }
  func.func @transform_7(%arg0: i32) -> (i32, i32) {
    %c0_i32 = arith.constant 0 : i32
    %c0_i32_0 = arith.constant 0 : i32
    %c0_i32_1 = arith.constant 0 : i32
    return %c0_i32, %c0_i32_0 : i32, i32
  }
  func.func @transform_8(%arg0: i32) -> (i32, i32) {
    %c0_i32 = arith.constant 0 : i32
    %c0_i32_0 = arith.constant 0 : i32
    return %arg0, %c0_i32 : i32, i32
  }
}

</mosaic_0001>

<sc_bundles>
// kernel: kernel.11.cloned.1.call-start
scs
__scs_entry_jumppad:
0x0: {  	(pc) =	sbr.rel $0x88, $3  }
0x1: {  	(tag) =	ssettag $0x0;
	lr =	simm.s32 $0x1  }
0x2: {  	[smem:$0x3F94] =	sst lr;
	_ =	strace $0xD0000000  }
0x3: {  	_ = 	snop  }
0x4: {  	_ = 	snop  }
0x5: {  	_ = 	snop  }
0x6: {  	_ = 	snop  }
0x7: {  	_ = 	snop  }
__scs_overlays_trampoline_lowered:
0x8: {  	[smem:$0x3FA3] =	sst s0  }
0x9: {  	[smem:$0x3FA4] =	sst s1  }
0xa: {  	[smem:$0x3FA5] =	sst s2  }
0xb: {  	[smem:$0x3FA6] =	sst s3  }
0xc: {  	[smem:$0x3FA7] =	sst s4  }
0xd: {  	[smem:$0x3FA8] =	sst s5  }
0xe: {  	[smem:$0x3FA9] =	sst s6  }
0xf: {  	[smem:$0x3FAA] =	sst s7  }
0x10: {  	[smem:$0x3FAB] =	sst s8  }
0x11: {  	[smem:$0x3FAC] =	sst s9;
	s0 =	simm.s32 @!p0 $0x0  }
0x12: {  	s1 =	sld [smem:$0x3F92];
	s0 =	simm.s32 @p0 $0x1  }
0x13: {  	[smem:$0x3FAD] =	sst s0;
	s0 =	simm.s32 @!p1 $0x0  }
0x14: {  	s2 =	sld [smem:$0x3F91];
	s0 =	simm.s32 @p1 $0x1  }
0x15: {  	[smem:$0x3FAE] =	sst s0;
	s0 =	simm.s32 @!p2 $0x0  }
0x16: {  	s3 =	sld [smem:$0x3FDB];
	s0 =	simm.s32 @p2 $0x1  }
0x17: {  	s4 =	simm.s32 $0x1BF5;
	[smem:$0x3FB0] =	sst s0  }
0x18: {  	s0 =	sld [smem:$0x3F93];
	_ =	swait.ge [sflag:s4], $0x0  }
0x19: {  	s7 =	sld [smem:$0x3F94]  }
0x1a: {  	s8 =	sadd.s32 $0xFFFFE003, lr  }
0x1b: {  	s9 =	sadd.s32 $0xFFFFFEF7, lr;
	s5 =	simm.s32 $0xFFFFFFFF;
	p2 =	slt.u32 s8, $0xFFFFF086  }
0x1c: {  	p1 =	slt.u32 s9, $0xF7A;
	s5 =	simm.s32 @!p2 $0x0  }
0x1d: {  	s5 =	simm.s32 @p1 $0x1;
	p0 =	seq.s32 s7, s2  }
0x1e: {  	s7 =	smul.u32 @!p0 $0xF7A, s2;
	p2 =	seq.s32 @!p0 s5, $0x0  }
0x1f: {  	s9 =	smul.u32 $0xF7A, s1;
	s8 =	simm.s32 @!p0 $0x1BF5;
	p2 =	por !p2, p0  }
0x20: {  	[sflag:s8] =	ssyncset.s32 @!p0 $0xFFFFF086;
	s6 =	sadd.s32 @!p0 s3, s7;
	s7 =	simm.s32 @!p0 $0x108  }
0x21: {  	s3 =	sadd.s32 s3, s9;
	s6 =	sadd.s32 @!p0 $0x88, s6;
	s7 =	simm.s32 @p2 $0x1082  }
0x22: {  	[simem:s7], [sflag:s8] =	dma.local @!p0 [hbm:s6], $0xF7A  }
0x23: {  	s9 =	sor.u32 $0xD0000000, s2;
	s6 =	simm.s32 $0x108;
	_ =	swait.ge @!p0 [sflag:s8], $0x0  }
0x24: {  	s3 =	sadd.s32 $0x88, s3;
	s6 =	simm.s32 @!p1 $0x1082;
	[sflag:s4] =	ssyncset.s32 $0xFFFFF086  }
0x25: {  	[simem:s6], [sflag:s4] =	dma.local [hbm:s3], $0xF7A  }
0x26: {  	[smem:$0x3F94] =	sst s1;
	(tag) =	ssettag s2;
	_ =	strace s9  }
0x27: {  	s1 =	sld [smem:$0x3FA4]  }
0x28: {  	s2 =	sld [smem:$0x3FA5]  }
0x29: {  	s4 =	sld [smem:$0x3FA7]  }
0x2a: {  	p0 =	seq.s32 s5, $0x0;
	s5 =	sld [smem:$0x3FA8]  }
0x2b: {  	s6 =	sld [smem:$0x3FA9]  }
0x2c: {  	s7 =	sld [smem:$0x3FAA]  }
0x2d: {  	s3 =	simm.s32 $0x108;
	s8 =	sld [smem:$0x3FAB]  }
0x2e: {  	s3 =	simm.s32 @!p0 $0x1082;
	s9 =	sld [smem:$0x3FAC]  }
0x2f: {  	lr =	sadd.s32 s0, s3;
	s0 =	sld [smem:$0x3FA3]  }
0x30: {  	s3 =	sld [smem:$0x3FA6]  }
0x31: {  	[smem:$0x3FAF] =	sst s10  }
0x32: {  	s10 =	sld [smem:$0x3FAD];
	_ =	sdelay $0x3  }
0x33: {  	p0 =	seq.s32 s10, $0x1;
	s10 =	sld [smem:$0x3FAF];
	_ =	sdelay $0x3  }
0x34: {  	[smem:$0x3FAF] =	sst s10  }
0x35: {  	s10 =	sld [smem:$0x3FAE];
	_ =	sdelay $0x3  }
0x36: {  	p1 =	seq.s32 s10, $0x1;
	s10 =	sld [smem:$0x3FAF];
	_ =	sdelay $0x3  }
0x37: {  	[smem:$0x3FAF] =	sst s10  }
0x38: {  	s10 =	sld [smem:$0x3FB0]  }
0x39: {  	_ = 	snop;
	(pc) =	sbr.ind lr, $3  }
0x3a: {  	_ = 	snop  }
0x3b: {  	_ = 	snop  }
0x3c: {  	p2 =	seq.s32 s10, $0x1;
	s10 =	sld [smem:$0x3FAF]  }
0x3d: {  	_ =	shalt  }
0x3e: {  	_ =	shalt  }
0x3f: {  	_ =	shalt  }
0x40: {  	_ =	shalt  }
0x41: {  	_ =	shalt  }
0x42: {  	_ =	shalt  }
0x43: {  	_ =	shalt  }
0x44: {  	_ =	shalt  }
0x45: {  	_ =	shalt  }
0x46: {  	_ =	shalt  }
0x47: {  	_ =	shalt  }
0x48: {  	_ =	shalt  }
0x49: {  	_ =	shalt  }
0x4a: {  	_ =	shalt  }
0x4b: {  	_ =	shalt  }
0x4c: {  	_ =	shalt  }
0x4d: {  	_ =	shalt  }
0x4e: {  	_ =	shalt  }
0x4f: {  	_ =	shalt  }
0x50: {  	_ =	shalt  }
0x51: {  	_ =	shalt  }
0x52: {  	_ =	shalt  }
0x53: {  	_ =	shalt  }
0x54: {  	_ =	shalt  }
0x55: {  	_ =	shalt  }
0x56: {  	_ =	shalt  }
0x57: {  	_ =	shalt  }
0x58: {  	_ =	shalt  }
0x59: {  	_ =	shalt  }
0x5a: {  	_ =	shalt  }
0x5b: {  	_ =	shalt  }
0x5c: {  	_ =	shalt  }
0x5d: {  	_ =	shalt  }
0x5e: {  	_ =	shalt  }
0x5f: {  	_ =	shalt  }
0x60: {  	_ =	shalt  }
0x61: {  	_ =	shalt  }
0x62: {  	_ =	shalt  }
0x63: {  	_ =	shalt  }
0x64: {  	_ =	shalt  }
0x65: {  	_ =	shalt  }
0x66: {  	_ =	shalt  }
0x67: {  	_ =	shalt  }
0x68: {  	_ =	shalt  }
0x69: {  	_ =	shalt  }
0x6a: {  	_ =	shalt  }
0x6b: {  	_ =	shalt  }
0x6c: {  	_ =	shalt  }
0x6d: {  	_ =	shalt  }
0x6e: {  	_ =	shalt  }
0x6f: {  	_ =	shalt  }
0x70: {  	_ =	shalt  }
0x71: {  	_ =	shalt  }
0x72: {  	_ =	shalt  }
0x73: {  	_ =	shalt  }
0x74: {  	_ =	shalt  }
0x75: {  	_ =	shalt  }
0x76: {  	_ =	shalt  }
0x77: {  	_ =	shalt  }
0x78: {  	_ =	shalt  }
0x79: {  	_ =	shalt  }
0x7a: {  	_ =	shalt  }
0x7b: {  	_ =	shalt  }
0x7c: {  	_ =	shalt  }
0x7d: {  	_ =	shalt  }
0x7e: {  	_ =	shalt  }
0x7f: {  	_ =	shalt  }
0x80: {  	_ =	shalt  }
0x81: {  	_ =	shalt  }
0x82: {  	_ =	shalt  }
0x83: {  	_ =	shalt  }
0x84: {  	_ =	shalt  }
0x85: {  	_ =	shalt  }
0x86: {  	_ =	shalt  }
0x87: {  	_ =	shalt  }
.Lfunc_end0:
.L_simem_size_0:
called_computation.1_lowered:
.L_overlay_start_0:
0x88: {  	s2 =	sld [smem:$0x3FD9]  }
0x89: {  	s3 =	sld [smem:$0x3FFE];
	_ =	sdelay $0x1  }
0x8a: {  	s1 =	srdreg.scid  }
0x8b: {  	s0 =	sand.u32 $0x1, s1  }
0x8c: {  	s17 =	sshll.u32 s0, $0xA;
	s2 =	sadd.s32 s3, s2  }
0x8d: {  	s2 =	sadd.s32 s2, s17  }
0x8e: {  	[smem:$0x3FBB] =	sst s2  }
0x8f: {  	_ = 	snop  }
0x90: {  	s2 =	sld [smem:$0x3FD0];
	(tm) =	ssettm $0x1  }
0x91: {  	s18 =	sld [smem:$0x3FFB];
	_ =	sdelay $0x3  }
0x92: {  	_ =	strace s18  }
0x93: {  	s3 =	sld [smem:$0x3FFC];
	_ =	sdelay $0x3  }
0x94: {  	_ =	strace s3  }
0x95: {  	s3 =	sld [smem:$0x3FFD];
	_ =	sdelay $0x3  }
0x96: {  	_ =	strace s3  }
0x97: {  	_ =	strace $0x8FFFFFFF  }
0x98: {  	s19 =	sld [smem:$0x3FDB];
	_ =	sdelay $0x1  }
0x99: {  	s4 =	simm.s32 $_scs_section_size  }
0x9a: {  	s5 =	simm.s32 $_size__tile_overlayer_lowered;
	s6 =	simm.s32 $_tile_overlayer_lowered  }
0x9b: {  	s22 =	simm.s32 $0x1BFF;
	s21 =	sshll.u32 s6, $0x1;
	s3 =	sadd.s32 s4, s19  }
0x9c: {  	s7 =	simm.s32 $0x0;
	s20 =	sshll.u32 s5, $0x1;
	s5 =	sadd.s32 s21, s3  }
0x9d: {  	[timem:s7], [sflag:s22] =	dma.local [hbm:s5], s20  }
0x9e: {  	_ =	swait.ge [sflag:s22], s20  }
0x9f: {  	s4 =	ssub.s32 $0x0, s20;
	[sflag:s22] =	ssyncset.done $0x0  }
0xa0: {  	[sflag:s22] =	ssyncadd.s32 s4;
	_ =	sdelay $0x1  }
0xa1: {  	s23 =	simm.s32 $0x1B8B  }
0xa2: {  	_ =	swait.ge [sflag:s23], $0x1  }
0xa3: {  	[sflag:s23] =	ssyncset.done $0x0  }
0xa4: {  	s25 =	simm.s32 $0x1B8E;
	s24 =	sld [smem:$0x3FFE];
	[sflag:s23] =	ssyncadd.s32 $0xFFFFFFFF  }
0xa5: {  	s26 =	simm.s32 $execute0_lowered;
	[smem:$0x3FD2] =	sst s25  }
0xa6: {  	s5 =	sshll.u32 s26, $0x1;
	_ =	strace $0x80000049;
	[dreg:$0x1] =	wrdreg $0xFFFFFFFF  }
0xa7: {  	s28 =	simm.s32 $_size_execute0_lowered;
	s3 =	sadd.s32 s3, s5;
	[dreg:$0x0] =	wrdreg $0x0  }
0xa8: {  	s5 =	sshll.u32 s28, $0x1;
	[dreg:$0x2] =	wrdreg s3  }
0xa9: {  	[dreg:$0x3] =	wrdreg s5  }
0xaa: {  	[dreg:$0x4] =	wrdreg $0xC0  }
0xab: {  	_ =	task [dreg:s7], $0x5FFFF  }
0xac: {  	[dreg:$0x1] =	wrdreg $0xFFFFFFFF  }
0xad: {  	[dreg:$0x0] =	wrdreg $0x60  }
0xae: {  	[dreg:$0x2] =	wrdreg s2  }
0xaf: {  	[dreg:$0x3] =	wrdreg s24  }
0xb0: {  	[dreg:$0x4] =	wrdreg $0x0  }
0xb1: {  	[dreg:$0x5] =	wrdreg $0x9  }
0xb2: {  	_ =	task.clear_ibuf [dreg:s7], $0x6FFFF;
	_ =	strace $0x90000049  }
0xb3: {  	s29 =	simm.s32 $0x9;
	_ =	strace $0x8000004B  }
0xb4: {  	_ =	swait.ge [sflag:s29], $0x1  }
0xb5: {  	[sflag:s29] =	ssyncadd.s32 $0xFFFFFFFF  }
0xb6: {  	_ =	strace $0x9000004B  }
0xb7: {  	_ =	sfence  }
0xb8: {  	s30 =	sld [smem:$0x0];
	_ =	sdelay $0x2  }
0xb9: {  	s31 =	sshll.u32 s1, $0xD;
	s1 =	sshrl.u32 s1, $0x2  }
0xba: {  	s3 =	sand.u32 $0x4000, s31;
	s1 =	sadd.s32 s1, s30  }
0xbb: {  	s0 =	sor.u32 s3, s0;
	s1 =	sshll.u32 s1, $0x11  }
0xbc: {  	s0 =	sor.u32 s1, s0  }
0xbd: {  	s0 =	sadd.s32 $0x8F2B, s0  }
0xbe: {  	[sflag:s0] =	ssyncadd.remote.s32 $0x1  }
0xbf: {  	_ =	sfence.sel $0xFFFF  }
0xc0: {  	[dreg:$0x0] =	wrdreg $0xFFFFFFFF;
	(pc) =	sbr.abs _section_cstart, $3  }
0xc1: {  	[dreg:$0x1] =	wrdreg $0xFFFFFFFF  }
0xc2: {  	_ =	task.clear_ibuf [dreg:s7], $0x2FFFF;
	_ =	strace $0x9FFFFFFF  }
0xc3: {  	(tm) =	ssettm $0x7FFFFFFF  }
tec
execute0_lowered:
.L_overlay_start_1:
0x0: {  	(tag) =	ssettag $0x1  }
0x1: {  	s0 =	rddreg [dreg:$0x0]  }
0x2: {  	s1 =	srdreg.scid;
	s2 =	rddreg [dreg:$0x1]  }
0x3: {  	s3 =	rddreg [dreg:$0x2];
	s12 =	stileid.u32  }
0x4: {  	s4 =	simm.s32 $0x0;
	s28 =	simm.s32 $0x5;
	s29 =	simm.s32 $0x6  }
0x5: {  	s30 =	simm.s32 $0x2;
	s31 =	simm.s32 $0x0;
	s11 =	smul.u32 $0x4E000, s12  }
0x6: {  	s1 =	sand.u32 $0x1, s1;
	[smem:$0x7FF] =	sst s4;
	s19 =	smul.u32 $0x13800, s12  }
0x7: {  	s14 =	sadd.s32 $0x138000, s3;
	p0 =	sne.s32 s12, $0xF;
	s5 =	sshll.u32 s1, $0x4  }
0x8: {  	s9 =	ssub.s32 $0x2, s1;
	s1 =	smul.u32 $0x138800, s1;
	s6 =	sor.u32 s12, s5  }
0x9: {  	_ =	strace $0x8000004A;
	s5 =	sadd.s32 $0x70200, s2;
	s7 =	smul.u32 $0x500, s6  }
0xa: {  	s10 =	sshrl.u32 s9, $0x1;
	s21 =	sshrl.u32 s11, $0x2;
	s6 =	smul.u32 $0x50, s6  }
0xb: {  	s10 =	ssub.s32 s9, s10;
	s9 =	sadd.s32 s19, s3;
	s8 =	sadd.s32 s7, s2  }
0xc: {  	s2 =	sadd.s32 $0x4400, s2;
	s18 =	sadd.s32 s5, s7;
	s7 =	sadd.s32 s19, s1  }
0xd: {  	s15 =	sor.u32 $0x2, s6;
	s1 =	sshrl.u32 s1, $0x3;
	s8 =	sadd.s32 $0x66200, s8  }
0xe: {  	[dreg:$0x4] =	wrdreg s18;
	s20 =	sadd.s32 $0x10, s18;
	s25 =	sshrl.u32 s7, $0x3  }
0xf: {  	s1 =	sadd.s32 s2, s1;
	s26 =	sshll.u32 s15, $0x4;
	[dreg:$0x5] =	wrdreg s8  }
0x10: {  	s18 =	smax.u32 s10, $0x1;
	s10 =	simm.s32 $0x13880;
	[dreg:$0x6] =	wrdreg s20  }
0x11: {  	s8 =	sadd.s32 s21, s3;
	s6 =	sadd.s32 s2, s25;
	s17 =	sadd.s32 $0x27000, s1  }
0x12: {  	s19 =	sadd.s32 s5, s26;
	s22 =	sadd.s32 $0x3E80, s8;
	[dreg:$0xb] =	wrdreg s6  }
0x13: {  	s21 =	simm.s32 $0x16080;
	s23 =	sadd.s32 $0x7D00, s8;
	[dreg:$0x7] =	wrdreg s22  }
0x14: {  	s25 =	simm.s32 $0x16100;
	s24 =	sadd.s32 $0xBB80, s8;
	[dreg:$0x8] =	wrdreg s23  }
0x15: {  	s26 =	simm.s32 $0x1A000;
	s8 =	sadd.s32 $0xFA00, s8;
	[dreg:$0x9] =	wrdreg s24  }
0x16: {  	s1 =	simm.s32 $0x4;
	s2 =	simm.s32 $0x3;
	[dreg:$0xa] =	wrdreg s8  }
0x17: {  	v0 =	vimm.f32 $0.0e+00;
	s22 =	simm.s32 $0x7;
	s23 =	simm.s32 $0x7D;
	s24 =	simm.s32 $0x16180  }
.LBB2_1:
0x18: {  	s6 =	rddreg [dreg:$0x5]  }
0x19: {  	[tilespmem:s10], [sflag:$0x5] =	stream.linear.gather [hbm4b:s6+s4], $0x2800, $0x38;
	[tilespmem:$0x1DE80] =	vst v63  }
0x1a: {  	s16 =	rddreg [dreg:$0x4]  }
0x1b: {  	[tilespmem:s21], [sflag:$0x7] =	stream.linear.gather [hbm4b:s16+s4], $0x80, $0x38;
	[tilespmem:$0x1DE80] =	vst v63  }
0x1c: {  	_ =	swait.ge [sflag:s22], $0x80  }
0x1d: {  	[sflag:s22] =	ssyncset.done $0x0  }
0x1e: {  	[sflag:s22] =	ssyncadd.s32 $0xFFFFFF80  }
0x1f: {  	[tilespmem:s24], [sflag:$0x1] =	stream.indirect.gather [hbm4b:s0+s23], $0x80, s21, s23, $0xb8;
	[tilespmem:$0x1DE80] =	vst v63  }
0x20: {  	s7 =	simm.s32 $0x70;
	s8 =	simm.s32 $0x3C0;
	s20 =	rddreg [dreg:$0x6]  }
0x21: {  	[tilespmem:s25], [sflag:$0x6] =	stream.linear.gather [hbm4b:s20+s4], $0x80, $0x38;
	[tilespmem:$0x1DE80] =	vst v63  }
.LBB2_2:
0x22: {  	p1 =	sne.s32 s8, $0xF9C0;
	[tilespmem:s7+$0x1A000] =	vst v0  }
0x23: {  	[tilespmem:s7+$0x19F90] =	vst v0  }
0x24: {  	[tilespmem:s7+$0x19FA0] =	vst v0  }
.Ltmp0:
0x25: {  	[tilespmem:s7+$0x19FB0] =	vst v0;
	(pc) =	sbr.rel @p1 .LBB2_2-.Ltmp0, $4  }
0x26: {  	[tilespmem:s7+$0x19FC0] =	vst v0  }
0x27: {  	[tilespmem:s7+$0x19FD0] =	vst v0  }
0x28: {  	[tilespmem:s7+$0x19FE0] =	vst v0  }
0x29: {  	[tilespmem:s7+$0x19FF0] =	vst v0;
	s7 =	sshra.s32 s8, $0x2;
	s8 =	sadd.s32 $0x200, s8  }
0x2a: {  	[tilespmem:s7+$0x1A000] =	vst v0  }
0x2b: {  	[tilespmem:s7+$0x19F90] =	vst v0  }
0x2c: {  	[tilespmem:s7+$0x19FA0] =	vst v0  }
0x2d: {  	[tilespmem:s7+$0x19FB0] =	vst v0  }
0x2e: {  	[tilespmem:s7+$0x19FC0] =	vst v0  }
0x2f: {  	[tilespmem:s7+$0x19FD0] =	vst v0  }
0x30: {  	[tilespmem:s7+$0x19FE0] =	vst v0  }
0x31: {  	[tilespmem:s7+$0x19FF0] =	vst v0  }
0x32: {  	[spmem:s9] =	stream.linear.scatter [tilespmem:s26], [sflag:$0x7], $0x3E80, $0x38;
	[tilespmem:$0x1DE80] =	vst v63  }
0x33: {  	_ =	swait.ge [sflag:s22], $0x3E80  }
0x34: {  	[sflag:s22] =	ssyncset.done $0x0  }
0x35: {  	s6 =	rddreg [dreg:$0x7];
	[sflag:s22] =	ssyncadd.s32 $0xFFFFC180  }
0x36: {  	[spmem:s6] =	stream.linear.scatter [tilespmem:s26], [sflag:$0x7], $0x3E80, $0x38;
	[tilespmem:$0x1DE80] =	vst v63  }
0x37: {  	_ =	swait.ge [sflag:s22], $0x3E80  }
0x38: {  	[sflag:s22] =	ssyncset.done $0x0  }
0x39: {  	s11 =	rddreg [dreg:$0x8];
	[sflag:s22] =	ssyncadd.s32 $0xFFFFC180  }
0x3a: {  	[spmem:s11] =	stream.linear.scatter [tilespmem:s26], [sflag:$0x7], $0x3E80, $0x38;
	[tilespmem:$0x1DE80] =	vst v63  }
0x3b: {  	_ =	swait.ge [sflag:s22], $0x3E80  }
0x3c: {  	[sflag:s22] =	ssyncset.done $0x0  }
0x3d: {  	s12 =	rddreg [dreg:$0x9];
	[sflag:s22] =	ssyncadd.s32 $0xFFFFC180  }
0x3e: {  	[spmem:s12] =	stream.linear.scatter [tilespmem:s26], [sflag:$0x7], $0x3E80, $0x38;
	[tilespmem:$0x1DE80] =	vst v63  }
0x3f: {  	_ =	swait.ge [sflag:s22], $0x3E80  }
0x40: {  	[sflag:s22] =	ssyncset.done $0x0  }
0x41: {  	s13 =	rddreg [dreg:$0xa];
	[sflag:s22] =	ssyncadd.s32 $0xFFFFC180  }
0x42: {  	[spmem:s13] =	stream.linear.scatter [tilespmem:s26], [sflag:$0x7], $0x3E00, $0x38;
	[tilespmem:$0x1DE80] =	vst v63  }
0x43: {  	_ =	swait.ge [sflag:s22], $0x3E00  }
0x44: {  	[sflag:s22] =	ssyncset.done $0x0  }
0x45: {  	s6 =	simm.s32 @!p0 $0x1A000;
	[sflag:s22] =	ssyncadd.s32 $0xFFFFC200  }
0x46: {  	[spmem:s14] =	stream.linear.scatter @!p0 [tilespmem:s6], [sflag:$0x7], $0x800, $0x38;
	[tilespmem:$0x1DE80] =	vst v63  }
0x47: {  	s6 =	simm.s32 @!p0 $0x7  }
0x48: {  	_ =	swait.ge @!p0 [sflag:s6], $0x800  }
0x49: {  	[sflag:s6] =	ssyncset.done @!p0 $0x0  }
0x4a: {  	[sflag:s6] =	ssyncadd.s32 @!p0 $0xFFFFF800  }
0x4b: {  	_ =	swait.ge [sflag:s28], $0x2800  }
0x4c: {  	[sflag:s28] =	ssyncset.done $0x0  }
0x4d: {  	[sflag:s28] =	ssyncadd.s32 $0xFFFFD800  }
0x4e: {  	s16 =	simm.s32 $0x1;
	[bflag:$0x0] =	sbarrier.arrive $0xFFFF  }
0x4f: {  	_ =	swait.ge [sflag:s16], $0x3E80  }
0x50: {  	[sflag:s16] =	ssyncset.done $0x0  }
0x51: {  	[sflag:s16] =	ssyncadd.s32 $0xFFFFC180  }
0x52: {  	[tilespmem:s21], [sflag:$0x5] =	stream.linear.gather [hbm4b:s19+s4], $0x80, $0x38;
	[tilespmem:$0x1DE80] =	vst v63  }
0x53: {  	_ = 	snop  }
0x54: {  	[spmem:s3] =	stream.indirect.scatter.add.f32 [tilespmem:s24], [sflag:$0x3], $0x80, s10, s23, $0xb8;
	[tilespmem:$0x1DE80] =	vst v63  }
0x55: {  	s20 =	sand.u32 $0x1, s16;
	_ =	swait.ge [sflag:s29], $0x80  }
0x56: {  	p1 =	seq.s32 s20, $0x0;
	s6 =	smin.u32 s16, $0x4D;
	[sflag:s29] =	ssyncset.done $0x0  }
0x57: {  	s7 =	simm.s32 @p1 $0x1;
	s6 =	sadd.s32 s6, s15;
	[sflag:s29] =	ssyncadd.s32 $0xFFFFFF80  }
0x58: {  	[tilespmem:s26], [sflag:$0x2] =	stream.indirect.gather [hbm4b:s0+s23], $0x80, s25, s23, $0xb8;
	[tilespmem:$0x1DE80] =	vst v63  }
0x59: {  	s6 =	sshll.u32 s6, $0x4;
	_ =	swait.ge @p1 [sflag:s7], $0x3E80  }
0x5a: {  	s8 =	simm.s32 $0x13900;
	s6 =	sadd.s32 s5, s6;
	[sflag:s7] =	ssyncset.done @p1 $0x0  }
0x5b: {  	s10 =	simm.s32 @p1 $0x16080;
	[sflag:s7] =	ssyncadd.s32 @p1 $0xFFFFC180;
	s7 =	simm.s32 @p1 $0x0  }
0x5c: {  	[tilespmem:s10], [sflag:$0x5] =	stream.linear.gather @p1 [hbm4b:s6+s7], $0x80, $0x38;
	[tilespmem:$0x1DE80] =	vst v63  }
0x5d: {  	s11 =	simm.s32 @p1 $0x4;
	s7 =	simm.s32 @p1 $0x7D;
	s10 =	simm.s32 @p1 $0x16180  }
0x5e: {  	[spmem:s3] =	stream.indirect.scatter.add.f32 @p1 [tilespmem:s10], [sflag:$0x3], $0x80, s8, s7, $0xb8;
	[tilespmem:$0x1DE80] =	vst v63  }
0x5f: {  	_ =	swait.ge @p1 [sflag:s11], $0x3E80;
	p1 =	por p1, p1  }
0x60: {  	[sflag:s11] =	ssyncset.done @p1 $0x0  }
0x61: {  	s10 =	simm.s32 @p1 $0x6;
	[sflag:s11] =	ssyncadd.s32 @p1 $0xFFFFC180  }
0x62: {  	_ =	swait.ge @p1 [sflag:s10], $0x80  }
0x63: {  	s12 =	simm.s32 @p1 $0x1A000;
	[sflag:s10] =	ssyncset.done @p1 $0x0  }
0x64: {  	s11 =	simm.s32 @!p1 $0x2;
	[sflag:s10] =	ssyncadd.s32 @p1 $0xFFFFFF80;
	s10 =	simm.s32 @p1 $0x16100  }
0x65: {  	[tilespmem:s12], [sflag:$0x2] =	stream.indirect.gather @p1 [hbm4b:s0+s7], $0x80, s10, s7, $0xb8;
	[tilespmem:$0x1DE80] =	vst v63  }
0x66: {  	_ =	swait.ge @!p1 [sflag:s11], $0x3E80  }
0x67: {  	[sflag:s11] =	ssyncset.done @!p1 $0x0  }
0x68: {  	s7 =	simm.s32 @!p1 $0x0;
	s10 =	simm.s32 @!p1 $0x16100;
	[sflag:s11] =	ssyncadd.s32 @!p1 $0xFFFFC180  }
0x69: {  	[tilespmem:s10], [sflag:$0x6] =	stream.linear.gather @!p1 [hbm4b:s6+s7], $0x80, $0x38;
	[tilespmem:$0x1DE80] =	vst v63  }
0x6a: {  	s11 =	simm.s32 @!p1 $0x7D;
	s6 =	simm.s32 @!p1 $0x1A000;
	s7 =	simm.s32 @!p1 $0x3  }
0x6b: {  	[spmem:s3] =	stream.indirect.scatter.add.f32 @!p1 [tilespmem:s6], [sflag:$0x4], $0x80, s8, s11, $0xb8;
	[tilespmem:$0x1DE80] =	vst v63  }
0x6c: {  	_ =	swait.ge @!p1 [sflag:s7], $0x3E80  }
0x6d: {  	s12 =	simm.s32 @!p1 $0x5;
	s10 =	simm.s32 $0x2;
	[sflag:s7] =	ssyncset.done @!p1 $0x0  }
0x6e: {  	s13 =	sand.u32 $0x1, s10;
	s8 =	simm.s32 $0x3;
	[sflag:s7] =	ssyncadd.s32 @!p1 $0xFFFFC180  }
0x6f: {  	s6 =	simm.s32 @!p1 $0x16180;
	p2 =	seq.s32 s13, $0x0;
	_ =	swait.ge @!p1 [sflag:s12], $0x80  }
0x70: {  	s13 =	simm.s32 @!p1 $0x16080;
	s7 =	simm.s32 $0x13980;
	[sflag:s12] =	ssyncset.done @!p1 $0x0  }
.LBB2_4:
0x71: {  	s16 =	smin.u32 s10, $0x4D  }
0x72: {  	s20 =	simm.s32 @p2 $0x1;
	[sflag:s12] =	ssyncadd.s32 @!p1 $0xFFFFFF80;
	s10 =	smov.u32 s8  }
0x73: {  	[tilespmem:s6], [sflag:$0x1] =	stream.indirect.gather @!p1 [hbm4b:s0+s11], $0x80, s13, s11, $0xb8;
	[tilespmem:$0x1DE80] =	vst v63  }
0x74: {  	s8 =	sadd.s32 $0x1, s8;
	s6 =	sadd.s32 s16, s15;
	_ =	swait.ge @p2 [sflag:s20], $0x3E80  }
0x75: {  	s11 =	simm.s32 @p2 $0x16080;
	s6 =	sshll.u32 s6, $0x4;
	[sflag:s20] =	ssyncset.done @p2 $0x0  }
0x76: {  	s12 =	simm.s32 @p2 $0x0;
	s6 =	sadd.s32 s5, s6;
	[sflag:s20] =	ssyncadd.s32 @p2 $0xFFFFC180  }
0x77: {  	[tilespmem:s11], [sflag:$0x5] =	stream.linear.gather @p2 [hbm4b:s6+s12], $0x80, $0x38;
	[tilespmem:$0x1DE80] =	vst v63  }
0x78: {  	s13 =	simm.s32 @p2 $0x4;
	s11 =	simm.s32 @p2 $0x7D;
	s12 =	simm.s32 @p2 $0x16180  }
0x79: {  	[spmem:s3] =	stream.indirect.scatter.add.f32 @p2 [tilespmem:s12], [sflag:$0x3], $0x80, s7, s11, $0xb8;
	[tilespmem:$0x1DE80] =	vst v63  }
0x7a: {  	p3 =	sne.s32 s8, $0x4F;
	p1 =	por p2, p2;
	_ =	swait.ge @p2 [sflag:s13], $0x3E80  }
0x7b: {  	[sflag:s13] =	ssyncset.done @p1 $0x0  }
0x7c: {  	s12 =	simm.s32 @p1 $0x6;
	[sflag:s13] =	ssyncadd.s32 @p1 $0xFFFFC180  }
0x7d: {  	_ =	swait.ge @p1 [sflag:s12], $0x80  }
0x7e: {  	s13 =	simm.s32 @!p1 $0x2;
	[sflag:s12] =	ssyncset.done @p1 $0x0  }
0x7f: {  	s16 =	simm.s32 @p1 $0x1A000;
	[sflag:s12] =	ssyncadd.s32 @p1 $0xFFFFFF80;
	s12 =	simm.s32 @p1 $0x16100  }
0x80: {  	[tilespmem:s16], [sflag:$0x2] =	stream.indirect.gather @p1 [hbm4b:s0+s11], $0x80, s12, s11, $0xb8;
	[tilespmem:$0x1DE80] =	vst v63  }
0x81: {  	_ =	swait.ge @!p1 [sflag:s13], $0x3E80  }
0x82: {  	[sflag:s13] =	ssyncset.done @!p1 $0x0  }
0x83: {  	s11 =	simm.s32 @!p1 $0x0;
	s12 =	simm.s32 @!p1 $0x16100;
	[sflag:s13] =	ssyncadd.s32 @!p1 $0xFFFFC180  }
0x84: {  	[tilespmem:s12], [sflag:$0x6] =	stream.linear.gather @!p1 [hbm4b:s6+s11], $0x80, $0x38;
	[tilespmem:$0x1DE80] =	vst v63  }
0x85: {  	s11 =	simm.s32 @!p1 $0x7D;
	s6 =	simm.s32 @!p1 $0x1A000;
	s12 =	simm.s32 @!p1 $0x3  }
0x86: {  	[spmem:s3] =	stream.indirect.scatter.add.f32 @!p1 [tilespmem:s6], [sflag:$0x4], $0x80, s7, s11, $0xb8;
	[tilespmem:$0x1DE80] =	vst v63  }
.Ltmp1:
0x87: {  	_ =	swait.ge @!p1 [sflag:s12], $0x3E80;
	(pc) =	sbr.rel @p3 .LBB2_4-.Ltmp1, $4  }
0x88: {  	[sflag:s12] =	ssyncset.done @!p1 $0x0  }
0x89: {  	s7 =	sadd.s32 $0x80, s7;
	[sflag:s12] =	ssyncadd.s32 @!p1 $0xFFFFC180;
	s12 =	simm.s32 @!p1 $0x5  }
0x8a: {  	s13 =	sand.u32 $0x1, s10;
	s6 =	simm.s32 @!p1 $0x16180;
	_ =	swait.ge @!p1 [sflag:s12], $0x80  }
0x8b: {  	p2 =	seq.s32 s13, $0x0;
	s13 =	simm.s32 @!p1 $0x16080;
	[sflag:s12] =	ssyncset.done @!p1 $0x0  }
0x8c: {  	s8 =	smin.u32 s10, $0x4D;
	s10 =	simm.s32 @p2 $0x1;
	[sflag:s12] =	ssyncadd.s32 @!p1 $0xFFFFFF80  }
0x8d: {  	[tilespmem:s6], [sflag:$0x1] =	stream.indirect.gather @!p1 [hbm4b:s0+s11], $0x80, s13, s11, $0xb8;
	[tilespmem:$0x1DE80] =	vst v63  }
0x8e: {  	s11 =	sadd.s32 s8, s15;
	_ =	swait.ge @p2 [sflag:s10], $0x3E80  }
0x8f: {  	s8 =	simm.s32 @p2 $0x16080;
	s6 =	sshll.u32 s11, $0x4;
	[sflag:s10] =	ssyncset.done @p2 $0x0  }
0x90: {  	s6 =	sadd.s32 s5, s6;
	[sflag:s10] =	ssyncadd.s32 @p2 $0xFFFFC180;
	s10 =	simm.s32 @p2 $0x0  }
0x91: {  	[tilespmem:s8], [sflag:$0x5] =	stream.linear.gather @p2 [hbm4b:s6+s10], $0x80, $0x38;
	[tilespmem:$0x1DE80] =	vst v63  }
0x92: {  	s11 =	simm.s32 @p2 $0x4;
	s8 =	simm.s32 @p2 $0x7D;
	s10 =	simm.s32 @p2 $0x16180  }
0x93: {  	[spmem:s3] =	stream.indirect.scatter.add.f32 @p2 [tilespmem:s10], [sflag:$0x3], $0x80, s7, s8, $0xb8;
	[tilespmem:$0x1DE80] =	vst v63  }
0x94: {  	p1 =	por p2, p2;
	_ =	swait.ge @p2 [sflag:s11], $0x3E80  }
0x95: {  	[sflag:s11] =	ssyncset.done @p1 $0x0  }
0x96: {  	s10 =	simm.s32 @p1 $0x6;
	[sflag:s11] =	ssyncadd.s32 @p1 $0xFFFFC180  }
0x97: {  	_ =	swait.ge @p1 [sflag:s10], $0x80  }
0x98: {  	s12 =	simm.s32 @p1 $0x1A000;
	[sflag:s10] =	ssyncset.done @p1 $0x0  }
0x99: {  	s11 =	simm.s32 @!p1 $0x2;
	[sflag:s10] =	ssyncadd.s32 @p1 $0xFFFFFF80;
	s10 =	simm.s32 @p1 $0x16100  }
0x9a: {  	[tilespmem:s12], [sflag:$0x2] =	stream.indirect.gather @p1 [hbm4b:s0+s8], $0x80, s10, s8, $0xb8;
	[tilespmem:$0x1DE80] =	vst v63  }
0x9b: {  	_ =	swait.ge @!p1 [sflag:s11], $0x3E80  }
0x9c: {  	[sflag:s11] =	ssyncset.done @!p1 $0x0  }
0x9d: {  	s8 =	simm.s32 @!p1 $0x0;
	s10 =	simm.s32 @!p1 $0x16100;
	[sflag:s11] =	ssyncadd.s32 @!p1 $0xFFFFC180  }
0x9e: {  	[tilespmem:s10], [sflag:$0x6] =	stream.linear.gather @!p1 [hbm4b:s6+s8], $0x80, $0x38;
	[tilespmem:$0x1DE80] =	vst v63  }
0x9f: {  	s6 =	simm.s32 @!p1 $0x7D;
	s8 =	simm.s32 @!p1 $0x1A000;
	s10 =	simm.s32 @!p1 $0x3  }
0xa0: {  	[spmem:s3] =	stream.indirect.scatter.add.f32 @!p1 [tilespmem:s8], [sflag:$0x4], $0x80, s7, s6, $0xb8;
	[tilespmem:$0x1DE80] =	vst v63  }
0xa1: {  	_ =	swait.ge @!p1 [sflag:s10], $0x3E80  }
0xa2: {  	[sflag:s10] =	ssyncset.done @!p1 $0x0  }
0xa3: {  	s7 =	simm.s32 @!p1 $0x5;
	[sflag:s10] =	ssyncadd.s32 @!p1 $0xFFFFC180  }
0xa4: {  	_ =	swait.ge @!p1 [sflag:s7], $0x80  }
0xa5: {  	[sflag:s7] =	ssyncset.done @!p1 $0x0  }
0xa6: {  	s8 =	simm.s32 @!p1 $0x16180;
	s10 =	simm.s32 @!p1 $0x16080;
	[sflag:s7] =	ssyncadd.s32 @!p1 $0xFFFFFF80  }
0xa7: {  	[tilespmem:s8], [sflag:$0x1] =	stream.indirect.gather @!p1 [hbm4b:s0+s6], $0x80, s10, s6, $0xb8;
	[tilespmem:$0x1DE80] =	vst v63  }
0xa8: {  	_ =	swait.ge [sflag:s30], $0x3E80  }
0xa9: {  	[sflag:s30] =	ssyncset.done $0x0  }
0xaa: {  	s12 =	simm.s32 $0x16000;
	[sflag:s30] =	ssyncadd.s32 $0xFFFFC180  }
0xab: {  	[spmem:s3] =	stream.indirect.scatter.add.f32 [tilespmem:s26], [sflag:$0x4], $0x80, s12, s23, $0xb8;
	[tilespmem:$0x1DE80] =	vst v63  }
0xac: {  	_ =	swait.ge [sflag:s1], $0x3E80  }
0xad: {  	[sflag:s1] =	ssyncset.done $0x0  }
0xae: {  	[sflag:s1] =	ssyncadd.s32 $0xFFFFC180  }
0xaf: {  	_ =	swait.ge [sflag:s2], $0x3E80  }
0xb0: {  	[sflag:s2] =	ssyncset.done $0x0  }
0xb1: {  	[sflag:s2] =	ssyncadd.s32 $0xFFFFC180  }
0xb2: {  	_ =	swait.ge [sflag:s28], $0x80  }
0xb3: {  	[sflag:s28] =	ssyncset.done $0x0  }
0xb4: {  	s13 =	stileid.u32;
	[sflag:s28] =	ssyncadd.s32 $0xFFFFFF80  }
0xb5: {  	s6 =	sshll.u32 s13, $0x6;
	[bflag:$0x0] =	sbarrier.arrive $0xFFFF  }
0xb6: {  	s16 =	sshrl.u32 s9, $0x3;
	s6 =	sor.u32 $0x1C07, s6;
	s20 =	rddreg [dreg:$0xb]  }
0xb7: {  	[hbm:s20], [sflag:s6] =	dma.local [spmem:s16], $0x2700  }
0xb8: {  	_ =	swait.ge [sflag:s22], $0x2700  }
0xb9: {  	s31 =	sadd.s32 $0x1, s31;
	[sflag:s22] =	ssyncset.done $0x0  }
0xba: {  	s7 =	sshrl.u32 @!p0 s14, $0x3;
	p1 =	sne.s32 s31, s18;
	[sflag:s22] =	ssyncadd.s32 $0xFFFFD900  }
0xbb: {  	[hbm:s17], [sflag:s6] =	dma.local @!p0 [spmem:s7], $0x100  }
.Ltmp2:
0xbc: {  	_ = 	snop;
	(pc) =	sbr.rel @p1 .LBB2_1-.Ltmp2, $4  }
0xbd: {  	s6 =	simm.s32 @!p0 $0x7  }
0xbe: {  	_ =	swait.ge @!p0 [sflag:s6], $0x100  }
0xbf: {  	[sflag:s6] =	ssyncset.done @!p0 $0x0  }
0xc0: {  	s10 =	simm.s32 $0x13880;
	[sflag:s6] =	ssyncadd.s32 @!p0 $0xFFFFFF00  }
0xc1: {  	_ =	sfence.sel $0x180000  }
0xc2: {  	[bflag:$0x0] =	sbarrier.arrive $0xFFFF  }
0xc3: {  	_ =	strace $0x9000004A  }
0xc4: {  	s0 =	stileid.u32;
	[bflag:$0x2] =	sbarrier.arrive $0xFFFF  }
0xc5: {  	p0 =	sne.s32 s0, $0x0;
	s0 =	rddreg [dreg:$0x3]  }
0xc6: {  	s0 =	sadd.s32 @!p0 $0x100000, s0  }
0xc7: {  	[sflag:s0] =	ssyncadd.tile.s32 @!p0 $0x1;
	_ =	shalt  }
.Lfunc_end2:
_tile_overlayer_lowered:
.L_overlay_start_2:
0xc8: {  	(tag) =	ssettag $0x2  }
0xc9: {  	s0 =	rddreg [dreg:$0x0];
	s2 =	stileid.u32  }
0xca: {  	s1 =	rddreg [dreg:$0x1];
	p0 =	sne.s32 s2, $0x0  }
0xcb: {  	s3 =	rddreg [dreg:$0x2];
	[bflag:$0x3] =	sbarrier.arrive $0xFFFF;
	s2 =	simm.s32 @!p0 $0x1C07  }
0xcc: {  	[timem:s3], [sflag:s2] =	dma.local @!p0 [hbm:s0], s1  }
0xcd: {  	s0 =	simm.s32 @!p0 $0x7  }
0xce: {  	_ =	swait.ge @!p0 [sflag:s0], s1  }
0xcf: {  	s1 =	ssub.s32 @!p0 $0x0, s1;
	[sflag:s0] =	ssyncset.done @!p0 $0x0  }
0xd0: {  	[sflag:s0] =	ssyncadd.s32 @!p0 s1  }
0xd1: {  	[bflag:$0x3] =	sbarrier.arrive $0xFFFF  }
0xd2: {  	_ =	shalt  }

// kernel: kernel.14.cloned.1.call-start
scs
__scs_entry_jumppad:
0x0: {  	(pc) =	sbr.rel $0x88, $3  }
0x1: {  	(tag) =	ssettag $0x0;
	lr =	simm.s32 $0x1  }
0x2: {  	[smem:$0x3F94] =	sst lr;
	_ =	strace $0xD0000000  }
0x3: {  	_ = 	snop  }
0x4: {  	_ = 	snop  }
0x5: {  	_ = 	snop  }
0x6: {  	_ = 	snop  }
0x7: {  	_ = 	snop  }
__scs_overlays_trampoline_lowered:
0x8: {  	[smem:$0x3FA3] =	sst s0  }
0x9: {  	[smem:$0x3FA4] =	sst s1  }
0xa: {  	[smem:$0x3FA5] =	sst s2  }
0xb: {  	[smem:$0x3FA6] =	sst s3  }
0xc: {  	[smem:$0x3FA7] =	sst s4  }
0xd: {  	[smem:$0x3FA8] =	sst s5  }
0xe: {  	[smem:$0x3FA9] =	sst s6  }
0xf: {  	[smem:$0x3FAA] =	sst s7  }
0x10: {  	[smem:$0x3FAB] =	sst s8  }
0x11: {  	[smem:$0x3FAC] =	sst s9;
	s0 =	simm.s32 @!p0 $0x0  }
0x12: {  	s1 =	sld [smem:$0x3F92];
	s0 =	simm.s32 @p0 $0x1  }
0x13: {  	[smem:$0x3FAD] =	sst s0;
	s0 =	simm.s32 @!p1 $0x0  }
0x14: {  	s2 =	sld [smem:$0x3F91];
	s0 =	simm.s32 @p1 $0x1  }
0x15: {  	[smem:$0x3FAE] =	sst s0;
	s0 =	simm.s32 @!p2 $0x0  }
0x16: {  	s3 =	sld [smem:$0x3FDB];
	s0 =	simm.s32 @p2 $0x1  }
0x17: {  	s4 =	simm.s32 $0x1BF5;
	[smem:$0x3FB0] =	sst s0  }
0x18: {  	s0 =	sld [smem:$0x3F93];
	_ =	swait.ge [sflag:s4], $0x0  }
0x19: {  	s7 =	sld [smem:$0x3F94]  }
0x1a: {  	s8 =	sadd.s32 $0xFFFFE003, lr  }
0x1b: {  	s9 =	sadd.s32 $0xFFFFFEF7, lr;
	s5 =	simm.s32 $0xFFFFFFFF;
	p2 =	slt.u32 s8, $0xFFFFF086  }
0x1c: {  	p1 =	slt.u32 s9, $0xF7A;
	s5 =	simm.s32 @!p2 $0x0  }
0x1d: {  	s5 =	simm.s32 @p1 $0x1;
	p0 =	seq.s32 s7, s2  }
0x1e: {  	s7 =	smul.u32 @!p0 $0xF7A, s2;
	p2 =	seq.s32 @!p0 s5, $0x0  }
0x1f: {  	s9 =	smul.u32 $0xF7A, s1;
	s8 =	simm.s32 @!p0 $0x1BF5;
	p2 =	por !p2, p0  }
0x20: {  	[sflag:s8] =	ssyncset.s32 @!p0 $0xFFFFF086;
	s6 =	sadd.s32 @!p0 s3, s7;
	s7 =	simm.s32 @!p0 $0x108  }
0x21: {  	s3 =	sadd.s32 s3, s9;
	s6 =	sadd.s32 @!p0 $0x88, s6;
	s7 =	simm.s32 @p2 $0x1082  }
0x22: {  	[simem:s7], [sflag:s8] =	dma.local @!p0 [hbm:s6], $0xF7A  }
0x23: {  	s9 =	sor.u32 $0xD0000000, s2;
	s6 =	simm.s32 $0x108;
	_ =	swait.ge @!p0 [sflag:s8], $0x0  }
0x24: {  	s3 =	sadd.s32 $0x88, s3;
	s6 =	simm.s32 @!p1 $0x1082;
	[sflag:s4] =	ssyncset.s32 $0xFFFFF086  }
0x25: {  	[simem:s6], [sflag:s4] =	dma.local [hbm:s3], $0xF7A  }
0x26: {  	[smem:$0x3F94] =	sst s1;
	(tag) =	ssettag s2;
	_ =	strace s9  }
0x27: {  	s1 =	sld [smem:$0x3FA4]  }
0x28: {  	s2 =	sld [smem:$0x3FA5]  }
0x29: {  	s4 =	sld [smem:$0x3FA7]  }
0x2a: {  	p0 =	seq.s32 s5, $0x0;
	s5 =	sld [smem:$0x3FA8]  }
0x2b: {  	s6 =	sld [smem:$0x3FA9]  }
0x2c: {  	s7 =	sld [smem:$0x3FAA]  }
0x2d: {  	s3 =	simm.s32 $0x108;
	s8 =	sld [smem:$0x3FAB]  }
0x2e: {  	s3 =	simm.s32 @!p0 $0x1082;
	s9 =	sld [smem:$0x3FAC]  }
0x2f: {  	lr =	sadd.s32 s0, s3;
	s0 =	sld [smem:$0x3FA3]  }
0x30: {  	s3 =	sld [smem:$0x3FA6]  }
0x31: {  	[smem:$0x3FAF] =	sst s10  }
0x32: {  	s10 =	sld [smem:$0x3FAD];
	_ =	sdelay $0x3  }
0x33: {  	p0 =	seq.s32 s10, $0x1;
	s10 =	sld [smem:$0x3FAF];
	_ =	sdelay $0x3  }
0x34: {  	[smem:$0x3FAF] =	sst s10  }
0x35: {  	s10 =	sld [smem:$0x3FAE];
	_ =	sdelay $0x3  }
0x36: {  	p1 =	seq.s32 s10, $0x1;
	s10 =	sld [smem:$0x3FAF];
	_ =	sdelay $0x3  }
0x37: {  	[smem:$0x3FAF] =	sst s10  }
0x38: {  	s10 =	sld [smem:$0x3FB0]  }
0x39: {  	_ = 	snop;
	(pc) =	sbr.ind lr, $3  }
0x3a: {  	_ = 	snop  }
0x3b: {  	_ = 	snop  }
0x3c: {  	p2 =	seq.s32 s10, $0x1;
	s10 =	sld [smem:$0x3FAF]  }
0x3d: {  	_ =	shalt  }
0x3e: {  	_ =	shalt  }
0x3f: {  	_ =	shalt  }
0x40: {  	_ =	shalt  }
0x41: {  	_ =	shalt  }
0x42: {  	_ =	shalt  }
0x43: {  	_ =	shalt  }
0x44: {  	_ =	shalt  }
0x45: {  	_ =	shalt  }
0x46: {  	_ =	shalt  }
0x47: {  	_ =	shalt  }
0x48: {  	_ =	shalt  }
0x49: {  	_ =	shalt  }
0x4a: {  	_ =	shalt  }
0x4b: {  	_ =	shalt  }
0x4c: {  	_ =	shalt  }
0x4d: {  	_ =	shalt  }
0x4e: {  	_ =	shalt  }
0x4f: {  	_ =	shalt  }
0x50: {  	_ =	shalt  }
0x51: {  	_ =	shalt  }
0x52: {  	_ =	shalt  }
0x53: {  	_ =	shalt  }
0x54: {  	_ =	shalt  }
0x55: {  	_ =	shalt  }
0x56: {  	_ =	shalt  }
0x57: {  	_ =	shalt  }
0x58: {  	_ =	shalt  }
0x59: {  	_ =	shalt  }
0x5a: {  	_ =	shalt  }
0x5b: {  	_ =	shalt  }
0x5c: {  	_ =	shalt  }
0x5d: {  	_ =	shalt  }
0x5e: {  	_ =	shalt  }
0x5f: {  	_ =	shalt  }
0x60: {  	_ =	shalt  }
0x61: {  	_ =	shalt  }
0x62: {  	_ =	shalt  }
0x63: {  	_ =	shalt  }
0x64: {  	_ =	shalt  }
0x65: {  	_ =	shalt  }
0x66: {  	_ =	shalt  }
0x67: {  	_ =	shalt  }
0x68: {  	_ =	shalt  }
0x69: {  	_ =	shalt  }
0x6a: {  	_ =	shalt  }
0x6b: {  	_ =	shalt  }
0x6c: {  	_ =	shalt  }
0x6d: {  	_ =	shalt  }
0x6e: {  	_ =	shalt  }
0x6f: {  	_ =	shalt  }
0x70: {  	_ =	shalt  }
0x71: {  	_ =	shalt  }
0x72: {  	_ =	shalt  }
0x73: {  	_ =	shalt  }
0x74: {  	_ =	shalt  }
0x75: {  	_ =	shalt  }
0x76: {  	_ =	shalt  }
0x77: {  	_ =	shalt  }
0x78: {  	_ =	shalt  }
0x79: {  	_ =	shalt  }
0x7a: {  	_ =	shalt  }
0x7b: {  	_ =	shalt  }
0x7c: {  	_ =	shalt  }
0x7d: {  	_ =	shalt  }
0x7e: {  	_ =	shalt  }
0x7f: {  	_ =	shalt  }
0x80: {  	_ =	shalt  }
0x81: {  	_ =	shalt  }
0x82: {  	_ =	shalt  }
0x83: {  	_ =	shalt  }
0x84: {  	_ =	shalt  }
0x85: {  	_ =	shalt  }
0x86: {  	_ =	shalt  }
0x87: {  	_ =	shalt  }
.Lfunc_end0:
.L_simem_size_0:
called_computation.2_lowered:
.L_overlay_start_0:
0x88: {  	s2 =	sld [smem:$0x3FD9]  }
0x89: {  	s3 =	sld [smem:$0x3FFE];
	_ =	sdelay $0x1  }
0x8a: {  	s1 =	srdreg.scid  }
0x8b: {  	s0 =	sand.u32 $0x1, s1  }
0x8c: {  	s17 =	sshll.u32 s0, $0xA;
	s2 =	sadd.s32 s3, s2  }
0x8d: {  	s2 =	sadd.s32 s2, s17  }
0x8e: {  	[smem:$0x3FBB] =	sst s2  }
0x8f: {  	_ = 	snop  }
0x90: {  	s2 =	sld [smem:$0x3FD0];
	(tm) =	ssettm $0x1  }
0x91: {  	s18 =	sld [smem:$0x3FFB];
	_ =	sdelay $0x3  }
0x92: {  	_ =	strace s18  }
0x93: {  	s3 =	sld [smem:$0x3FFC];
	_ =	sdelay $0x3  }
0x94: {  	_ =	strace s3  }
0x95: {  	s3 =	sld [smem:$0x3FFD];
	_ =	sdelay $0x3  }
0x96: {  	_ =	strace s3  }
0x97: {  	_ =	strace $0x8FFFFFFF  }
0x98: {  	s19 =	sld [smem:$0x3FDB];
	_ =	sdelay $0x1  }
0x99: {  	s4 =	simm.s32 $_scs_section_size  }
0x9a: {  	s5 =	simm.s32 $_size__tile_overlayer_lowered;
	s6 =	simm.s32 $_tile_overlayer_lowered  }
0x9b: {  	s22 =	simm.s32 $0x1BFF;
	s21 =	sshll.u32 s6, $0x1;
	s3 =	sadd.s32 s4, s19  }
0x9c: {  	s7 =	simm.s32 $0x0;
	s20 =	sshll.u32 s5, $0x1;
	s5 =	sadd.s32 s21, s3  }
0x9d: {  	[timem:s7], [sflag:s22] =	dma.local [hbm:s5], s20  }
0x9e: {  	_ =	swait.ge [sflag:s22], s20  }
0x9f: {  	s4 =	ssub.s32 $0x0, s20;
	[sflag:s22] =	ssyncset.done $0x0  }
0xa0: {  	[sflag:s22] =	ssyncadd.s32 s4;
	_ =	sdelay $0x1  }
0xa1: {  	s23 =	simm.s32 $0x1B8B  }
0xa2: {  	_ =	swait.ge [sflag:s23], $0x1  }
0xa3: {  	[sflag:s23] =	ssyncset.done $0x0  }
0xa4: {  	s25 =	simm.s32 $0x1B8E;
	s24 =	sld [smem:$0x3FFE];
	[sflag:s23] =	ssyncadd.s32 $0xFFFFFFFF  }
0xa5: {  	s26 =	simm.s32 $execute0_lowered;
	[smem:$0x3FD2] =	sst s25  }
0xa6: {  	s5 =	sshll.u32 s26, $0x1;
	_ =	strace $0x8000004C;
	[dreg:$0x1] =	wrdreg $0xFFFFFFFF  }
0xa7: {  	s28 =	simm.s32 $_size_execute0_lowered;
	s3 =	sadd.s32 s3, s5;
	[dreg:$0x0] =	wrdreg $0x0  }
0xa8: {  	s5 =	sshll.u32 s28, $0x1;
	[dreg:$0x2] =	wrdreg s3  }
0xa9: {  	[dreg:$0x3] =	wrdreg s5  }
0xaa: {  	[dreg:$0x4] =	wrdreg $0xC0  }
0xab: {  	_ =	task [dreg:s7], $0x5FFFF  }
0xac: {  	[dreg:$0x1] =	wrdreg $0xFFFFFFFF  }
0xad: {  	[dreg:$0x0] =	wrdreg $0x60  }
0xae: {  	[dreg:$0x2] =	wrdreg s2  }
0xaf: {  	[dreg:$0x3] =	wrdreg s24  }
0xb0: {  	[dreg:$0x4] =	wrdreg $0x0  }
0xb1: {  	[dreg:$0x5] =	wrdreg $0x9  }
0xb2: {  	_ =	task.clear_ibuf [dreg:s7], $0x6FFFF;
	_ =	strace $0x9000004C  }
0xb3: {  	s29 =	simm.s32 $0x9;
	_ =	strace $0x8000004E  }
0xb4: {  	_ =	swait.ge [sflag:s29], $0x1  }
0xb5: {  	[sflag:s29] =	ssyncadd.s32 $0xFFFFFFFF  }
0xb6: {  	_ =	strace $0x9000004E  }
0xb7: {  	_ =	sfence  }
0xb8: {  	s30 =	sld [smem:$0x0];
	_ =	sdelay $0x2  }
0xb9: {  	s31 =	sshll.u32 s1, $0xD;
	s1 =	sshrl.u32 s1, $0x2  }
0xba: {  	s3 =	sand.u32 $0x4000, s31;
	s1 =	sadd.s32 s1, s30  }
0xbb: {  	s0 =	sor.u32 s3, s0;
	s1 =	sshll.u32 s1, $0x11  }
0xbc: {  	s0 =	sor.u32 s1, s0  }
0xbd: {  	s0 =	sadd.s32 $0x8F2B, s0  }
0xbe: {  	[sflag:s0] =	ssyncadd.remote.s32 $0x1  }
0xbf: {  	_ =	sfence.sel $0xFFFF  }
0xc0: {  	[dreg:$0x0] =	wrdreg $0xFFFFFFFF;
	(pc) =	sbr.abs _section_cstart, $3  }
0xc1: {  	[dreg:$0x1] =	wrdreg $0xFFFFFFFF  }
0xc2: {  	_ =	task.clear_ibuf [dreg:s7], $0x2FFFF;
	_ =	strace $0x9FFFFFFF  }
0xc3: {  	(tm) =	ssettm $0x7FFFFFFF  }
tec
execute0_lowered:
.L_overlay_start_1:
0x0: {  	(tag) =	ssettag $0x1  }
0x1: {  	s0 =	rddreg [dreg:$0x0]  }
0x2: {  	s1 =	srdreg.scid;
	s2 =	rddreg [dreg:$0x1]  }
0x3: {  	s3 =	rddreg [dreg:$0x2];
	s12 =	stileid.u32  }
0x4: {  	s4 =	simm.s32 $0x0;
	s28 =	simm.s32 $0x5;
	s29 =	simm.s32 $0x6  }
0x5: {  	s30 =	simm.s32 $0x2;
	s31 =	simm.s32 $0x0;
	s11 =	smul.u32 $0x4E000, s12  }
0x6: {  	s1 =	sand.u32 $0x1, s1;
	[smem:$0x7FF] =	sst s4;
	s19 =	smul.u32 $0x13800, s12  }
0x7: {  	s14 =	sadd.s32 $0x138000, s3;
	p0 =	sne.s32 s12, $0xF;
	s5 =	sshll.u32 s1, $0x4  }
0x8: {  	s9 =	ssub.s32 $0x2, s1;
	s1 =	smul.u32 $0x138800, s1;
	s6 =	sor.u32 s12, s5  }
0x9: {  	_ =	strace $0x8000004D;
	s5 =	sadd.s32 $0x70200, s2;
	s7 =	smul.u32 $0x500, s6  }
0xa: {  	s10 =	sshrl.u32 s9, $0x1;
	s21 =	sshrl.u32 s11, $0x2;
	s6 =	smul.u32 $0x50, s6  }
0xb: {  	s10 =	ssub.s32 s9, s10;
	s9 =	sadd.s32 s19, s3;
	s8 =	sadd.s32 s7, s2  }
0xc: {  	s2 =	sadd.s32 $0x4400, s2;
	s18 =	sadd.s32 s5, s7;
	s7 =	sadd.s32 s19, s1  }
0xd: {  	s15 =	sor.u32 $0x2, s6;
	s1 =	sshrl.u32 s1, $0x3;
	s8 =	sadd.s32 $0x66200, s8  }
0xe: {  	[dreg:$0x4] =	wrdreg s18;
	s20 =	sadd.s32 $0x10, s18;
	s25 =	sshrl.u32 s7, $0x3  }
0xf: {  	s1 =	sadd.s32 s2, s1;
	s26 =	sshll.u32 s15, $0x4;
	[dreg:$0x5] =	wrdreg s8  }
0x10: {  	s18 =	smax.u32 s10, $0x1;
	s10 =	simm.s32 $0x13880;
	[dreg:$0x6] =	wrdreg s20  }
0x11: {  	s8 =	sadd.s32 s21, s3;
	s6 =	sadd.s32 s2, s25;
	s17 =	sadd.s32 $0x27000, s1  }
0x12: {  	s19 =	sadd.s32 s5, s26;
	s22 =	sadd.s32 $0x3E80, s8;
	[dreg:$0xb] =	wrdreg s6  }
0x13: {  	s21 =	simm.s32 $0x16080;
	s23 =	sadd.s32 $0x7D00, s8;
	[dreg:$0x7] =	wrdreg s22  }
0x14: {  	s25 =	simm.s32 $0x16100;
	s24 =	sadd.s32 $0xBB80, s8;
	[dreg:$0x8] =	wrdreg s23  }
0x15: {  	s26 =	simm.s32 $0x1A000;
	s8 =	sadd.s32 $0xFA00, s8;
	[dreg:$0x9] =	wrdreg s24  }
0x16: {  	s1 =	simm.s32 $0x4;
	s2 =	simm.s32 $0x3;
	[dreg:$0xa] =	wrdreg s8  }
0x17: {  	v0 =	vimm.f32 $0.0e+00;
	s22 =	simm.s32 $0x7;
	s23 =	simm.s32 $0x7D;
	s24 =	simm.s32 $0x16180  }
.LBB2_1:
0x18: {  	s6 =	rddreg [dreg:$0x5]  }
0x19: {  	[tilespmem:s10], [sflag:$0x5] =	stream.linear.gather [hbm4b:s6+s4], $0x2800, $0x38;
	[tilespmem:$0x1DE80] =	vst v63  }
0x1a: {  	s16 =	rddreg [dreg:$0x4]  }
0x1b: {  	[tilespmem:s21], [sflag:$0x7] =	stream.linear.gather [hbm4b:s16+s4], $0x80, $0x38;
	[tilespmem:$0x1DE80] =	vst v63  }
0x1c: {  	_ =	swait.ge [sflag:s22], $0x80  }
0x1d: {  	[sflag:s22] =	ssyncset.done $0x0  }
0x1e: {  	[sflag:s22] =	ssyncadd.s32 $0xFFFFFF80  }
0x1f: {  	[tilespmem:s24], [sflag:$0x1] =	stream.indirect.gather [hbm4b:s0+s23], $0x80, s21, s23, $0xb8;
	[tilespmem:$0x1DE80] =	vst v63  }
0x20: {  	s7 =	simm.s32 $0x70;
	s8 =	simm.s32 $0x3C0;
	s20 =	rddreg [dreg:$0x6]  }
0x21: {  	[tilespmem:s25], [sflag:$0x6] =	stream.linear.gather [hbm4b:s20+s4], $0x80, $0x38;
	[tilespmem:$0x1DE80] =	vst v63  }
.LBB2_2:
0x22: {  	p1 =	sne.s32 s8, $0xF9C0;
	[tilespmem:s7+$0x1A000] =	vst v0  }
0x23: {  	[tilespmem:s7+$0x19F90] =	vst v0  }
0x24: {  	[tilespmem:s7+$0x19FA0] =	vst v0  }
.Ltmp0:
0x25: {  	[tilespmem:s7+$0x19FB0] =	vst v0;
	(pc) =	sbr.rel @p1 .LBB2_2-.Ltmp0, $4  }
0x26: {  	[tilespmem:s7+$0x19FC0] =	vst v0  }
0x27: {  	[tilespmem:s7+$0x19FD0] =	vst v0  }
0x28: {  	[tilespmem:s7+$0x19FE0] =	vst v0  }
0x29: {  	[tilespmem:s7+$0x19FF0] =	vst v0;
	s7 =	sshra.s32 s8, $0x2;
	s8 =	sadd.s32 $0x200, s8  }
0x2a: {  	[tilespmem:s7+$0x1A000] =	vst v0  }
0x2b: {  	[tilespmem:s7+$0x19F90] =	vst v0  }
0x2c: {  	[tilespmem:s7+$0x19FA0] =	vst v0  }
0x2d: {  	[tilespmem:s7+$0x19FB0] =	vst v0  }
0x2e: {  	[tilespmem:s7+$0x19FC0] =	vst v0  }
0x2f: {  	[tilespmem:s7+$0x19FD0] =	vst v0  }
0x30: {  	[tilespmem:s7+$0x19FE0] =	vst v0  }
0x31: {  	[tilespmem:s7+$0x19FF0] =	vst v0  }
0x32: {  	[spmem:s9] =	stream.linear.scatter [tilespmem:s26], [sflag:$0x7], $0x3E80, $0x38;
	[tilespmem:$0x1DE80] =	vst v63  }
0x33: {  	_ =	swait.ge [sflag:s22], $0x3E80  }
0x34: {  	[sflag:s22] =	ssyncset.done $0x0  }
0x35: {  	s6 =	rddreg [dreg:$0x7];
	[sflag:s22] =	ssyncadd.s32 $0xFFFFC180  }
0x36: {  	[spmem:s6] =	stream.linear.scatter [tilespmem:s26], [sflag:$0x7], $0x3E80, $0x38;
	[tilespmem:$0x1DE80] =	vst v63  }
0x37: {  	_ =	swait.ge [sflag:s22], $0x3E80  }
0x38: {  	[sflag:s22] =	ssyncset.done $0x0  }
0x39: {  	s11 =	rddreg [dreg:$0x8];
	[sflag:s22] =	ssyncadd.s32 $0xFFFFC180  }
0x3a: {  	[spmem:s11] =	stream.linear.scatter [tilespmem:s26], [sflag:$0x7], $0x3E80, $0x38;
	[tilespmem:$0x1DE80] =	vst v63  }
0x3b: {  	_ =	swait.ge [sflag:s22], $0x3E80  }
0x3c: {  	[sflag:s22] =	ssyncset.done $0x0  }
0x3d: {  	s12 =	rddreg [dreg:$0x9];
	[sflag:s22] =	ssyncadd.s32 $0xFFFFC180  }
0x3e: {  	[spmem:s12] =	stream.linear.scatter [tilespmem:s26], [sflag:$0x7], $0x3E80, $0x38;
	[tilespmem:$0x1DE80] =	vst v63  }
0x3f: {  	_ =	swait.ge [sflag:s22], $0x3E80  }
0x40: {  	[sflag:s22] =	ssyncset.done $0x0  }
0x41: {  	s13 =	rddreg [dreg:$0xa];
	[sflag:s22] =	ssyncadd.s32 $0xFFFFC180  }
0x42: {  	[spmem:s13] =	stream.linear.scatter [tilespmem:s26], [sflag:$0x7], $0x3E00, $0x38;
	[tilespmem:$0x1DE80] =	vst v63  }
0x43: {  	_ =	swait.ge [sflag:s22], $0x3E00  }
0x44: {  	[sflag:s22] =	ssyncset.done $0x0  }
0x45: {  	s6 =	simm.s32 @!p0 $0x1A000;
	[sflag:s22] =	ssyncadd.s32 $0xFFFFC200  }
0x46: {  	[spmem:s14] =	stream.linear.scatter @!p0 [tilespmem:s6], [sflag:$0x7], $0x800, $0x38;
	[tilespmem:$0x1DE80] =	vst v63  }
0x47: {  	s6 =	simm.s32 @!p0 $0x7  }
0x48: {  	_ =	swait.ge @!p0 [sflag:s6], $0x800  }
0x49: {  	[sflag:s6] =	ssyncset.done @!p0 $0x0  }
0x4a: {  	[sflag:s6] =	ssyncadd.s32 @!p0 $0xFFFFF800  }
0x4b: {  	_ =	swait.ge [sflag:s28], $0x2800  }
0x4c: {  	[sflag:s28] =	ssyncset.done $0x0  }
0x4d: {  	[sflag:s28] =	ssyncadd.s32 $0xFFFFD800  }
0x4e: {  	s16 =	simm.s32 $0x1;
	[bflag:$0x0] =	sbarrier.arrive $0xFFFF  }
0x4f: {  	_ =	swait.ge [sflag:s16], $0x3E80  }
0x50: {  	[sflag:s16] =	ssyncset.done $0x0  }
0x51: {  	[sflag:s16] =	ssyncadd.s32 $0xFFFFC180  }
0x52: {  	[tilespmem:s21], [sflag:$0x5] =	stream.linear.gather [hbm4b:s19+s4], $0x80, $0x38;
	[tilespmem:$0x1DE80] =	vst v63  }
0x53: {  	_ = 	snop  }
0x54: {  	[spmem:s3] =	stream.indirect.scatter.add.f32 [tilespmem:s24], [sflag:$0x3], $0x80, s10, s23, $0xb8;
	[tilespmem:$0x1DE80] =	vst v63  }
0x55: {  	s20 =	sand.u32 $0x1, s16;
	_ =	swait.ge [sflag:s29], $0x80  }
0x56: {  	p1 =	seq.s32 s20, $0x0;
	s6 =	smin.u32 s16, $0x4D;
	[sflag:s29] =	ssyncset.done $0x0  }
0x57: {  	s7 =	simm.s32 @p1 $0x1;
	s6 =	sadd.s32 s6, s15;
	[sflag:s29] =	ssyncadd.s32 $0xFFFFFF80  }
0x58: {  	[tilespmem:s26], [sflag:$0x2] =	stream.indirect.gather [hbm4b:s0+s23], $0x80, s25, s23, $0xb8;
	[tilespmem:$0x1DE80] =	vst v63  }
0x59: {  	s6 =	sshll.u32 s6, $0x4;
	_ =	swait.ge @p1 [sflag:s7], $0x3E80  }
0x5a: {  	s8 =	simm.s32 $0x13900;
	s6 =	sadd.s32 s5, s6;
	[sflag:s7] =	ssyncset.done @p1 $0x0  }
0x5b: {  	s10 =	simm.s32 @p1 $0x16080;
	[sflag:s7] =	ssyncadd.s32 @p1 $0xFFFFC180;
	s7 =	simm.s32 @p1 $0x0  }
0x5c: {  	[tilespmem:s10], [sflag:$0x5] =	stream.linear.gather @p1 [hbm4b:s6+s7], $0x80, $0x38;
	[tilespmem:$0x1DE80] =	vst v63  }
0x5d: {  	s11 =	simm.s32 @p1 $0x4;
	s7 =	simm.s32 @p1 $0x7D;
	s10 =	simm.s32 @p1 $0x16180  }
0x5e: {  	[spmem:s3] =	stream.indirect.scatter.add.f32 @p1 [tilespmem:s10], [sflag:$0x3], $0x80, s8, s7, $0xb8;
	[tilespmem:$0x1DE80] =	vst v63  }
0x5f: {  	_ =	swait.ge @p1 [sflag:s11], $0x3E80;
	p1 =	por p1, p1  }
0x60: {  	[sflag:s11] =	ssyncset.done @p1 $0x0  }
0x61: {  	s10 =	simm.s32 @p1 $0x6;
	[sflag:s11] =	ssyncadd.s32 @p1 $0xFFFFC180  }
0x62: {  	_ =	swait.ge @p1 [sflag:s10], $0x80  }
0x63: {  	s12 =	simm.s32 @p1 $0x1A000;
	[sflag:s10] =	ssyncset.done @p1 $0x0  }
0x64: {  	s11 =	simm.s32 @!p1 $0x2;
	[sflag:s10] =	ssyncadd.s32 @p1 $0xFFFFFF80;
	s10 =	simm.s32 @p1 $0x16100  }
0x65: {  	[tilespmem:s12], [sflag:$0x2] =	stream.indirect.gather @p1 [hbm4b:s0+s7], $0x80, s10, s7, $0xb8;
	[tilespmem:$0x1DE80] =	vst v63  }
0x66: {  	_ =	swait.ge @!p1 [sflag:s11], $0x3E80  }
0x67: {  	[sflag:s11] =	ssyncset.done @!p1 $0x0  }
0x68: {  	s7 =	simm.s32 @!p1 $0x0;
	s10 =	simm.s32 @!p1 $0x16100;
	[sflag:s11] =	ssyncadd.s32 @!p1 $0xFFFFC180  }
0x69: {  	[tilespmem:s10], [sflag:$0x6] =	stream.linear.gather @!p1 [hbm4b:s6+s7], $0x80, $0x38;
	[tilespmem:$0x1DE80] =	vst v63  }
0x6a: {  	s11 =	simm.s32 @!p1 $0x7D;
	s6 =	simm.s32 @!p1 $0x1A000;
	s7 =	simm.s32 @!p1 $0x3  }
0x6b: {  	[spmem:s3] =	stream.indirect.scatter.add.f32 @!p1 [tilespmem:s6], [sflag:$0x4], $0x80, s8, s11, $0xb8;
	[tilespmem:$0x1DE80] =	vst v63  }
0x6c: {  	_ =	swait.ge @!p1 [sflag:s7], $0x3E80  }
0x6d: {  	s12 =	simm.s32 @!p1 $0x5;
	s10 =	simm.s32 $0x2;
	[sflag:s7] =	ssyncset.done @!p1 $0x0  }
0x6e: {  	s13 =	sand.u32 $0x1, s10;
	s8 =	simm.s32 $0x3;
	[sflag:s7] =	ssyncadd.s32 @!p1 $0xFFFFC180  }
0x6f: {  	s6 =	simm.s32 @!p1 $0x16180;
	p2 =	seq.s32 s13, $0x0;
	_ =	swait.ge @!p1 [sflag:s12], $0x80  }
0x70: {  	s13 =	simm.s32 @!p1 $0x16080;
	s7 =	simm.s32 $0x13980;
	[sflag:s12] =	ssyncset.done @!p1 $0x0  }
.LBB2_4:
0x71: {  	s16 =	smin.u32 s10, $0x4D  }
0x72: {  	s20 =	simm.s32 @p2 $0x1;
	[sflag:s12] =	ssyncadd.s32 @!p1 $0xFFFFFF80;
	s10 =	smov.u32 s8  }
0x73: {  	[tilespmem:s6], [sflag:$0x1] =	stream.indirect.gather @!p1 [hbm4b:s0+s11], $0x80, s13, s11, $0xb8;
	[tilespmem:$0x1DE80] =	vst v63  }
0x74: {  	s8 =	sadd.s32 $0x1, s8;
	s6 =	sadd.s32 s16, s15;
	_ =	swait.ge @p2 [sflag:s20], $0x3E80  }
0x75: {  	s11 =	simm.s32 @p2 $0x16080;
	s6 =	sshll.u32 s6, $0x4;
	[sflag:s20] =	ssyncset.done @p2 $0x0  }
0x76: {  	s12 =	simm.s32 @p2 $0x0;
	s6 =	sadd.s32 s5, s6;
	[sflag:s20] =	ssyncadd.s32 @p2 $0xFFFFC180  }
0x77: {  	[tilespmem:s11], [sflag:$0x5] =	stream.linear.gather @p2 [hbm4b:s6+s12], $0x80, $0x38;
	[tilespmem:$0x1DE80] =	vst v63  }
0x78: {  	s13 =	simm.s32 @p2 $0x4;
	s11 =	simm.s32 @p2 $0x7D;
	s12 =	simm.s32 @p2 $0x16180  }
0x79: {  	[spmem:s3] =	stream.indirect.scatter.add.f32 @p2 [tilespmem:s12], [sflag:$0x3], $0x80, s7, s11, $0xb8;
	[tilespmem:$0x1DE80] =	vst v63  }
0x7a: {  	p3 =	sne.s32 s8, $0x4F;
	p1 =	por p2, p2;
	_ =	swait.ge @p2 [sflag:s13], $0x3E80  }
0x7b: {  	[sflag:s13] =	ssyncset.done @p1 $0x0  }
0x7c: {  	s12 =	simm.s32 @p1 $0x6;
	[sflag:s13] =	ssyncadd.s32 @p1 $0xFFFFC180  }
0x7d: {  	_ =	swait.ge @p1 [sflag:s12], $0x80  }
0x7e: {  	s13 =	simm.s32 @!p1 $0x2;
	[sflag:s12] =	ssyncset.done @p1 $0x0  }
0x7f: {  	s16 =	simm.s32 @p1 $0x1A000;
	[sflag:s12] =	ssyncadd.s32 @p1 $0xFFFFFF80;
	s12 =	simm.s32 @p1 $0x16100  }
0x80: {  	[tilespmem:s16], [sflag:$0x2] =	stream.indirect.gather @p1 [hbm4b:s0+s11], $0x80, s12, s11, $0xb8;
	[tilespmem:$0x1DE80] =	vst v63  }
0x81: {  	_ =	swait.ge @!p1 [sflag:s13], $0x3E80  }
0x82: {  	[sflag:s13] =	ssyncset.done @!p1 $0x0  }
0x83: {  	s11 =	simm.s32 @!p1 $0x0;
	s12 =	simm.s32 @!p1 $0x16100;
	[sflag:s13] =	ssyncadd.s32 @!p1 $0xFFFFC180  }
0x84: {  	[tilespmem:s12], [sflag:$0x6] =	stream.linear.gather @!p1 [hbm4b:s6+s11], $0x80, $0x38;
	[tilespmem:$0x1DE80] =	vst v63  }
0x85: {  	s11 =	simm.s32 @!p1 $0x7D;
	s6 =	simm.s32 @!p1 $0x1A000;
	s12 =	simm.s32 @!p1 $0x3  }
0x86: {  	[spmem:s3] =	stream.indirect.scatter.add.f32 @!p1 [tilespmem:s6], [sflag:$0x4], $0x80, s7, s11, $0xb8;
	[tilespmem:$0x1DE80] =	vst v63  }
.Ltmp1:
0x87: {  	_ =	swait.ge @!p1 [sflag:s12], $0x3E80;
	(pc) =	sbr.rel @p3 .LBB2_4-.Ltmp1, $4  }
0x88: {  	[sflag:s12] =	ssyncset.done @!p1 $0x0  }
0x89: {  	s7 =	sadd.s32 $0x80, s7;
	[sflag:s12] =	ssyncadd.s32 @!p1 $0xFFFFC180;
	s12 =	simm.s32 @!p1 $0x5  }
0x8a: {  	s13 =	sand.u32 $0x1, s10;
	s6 =	simm.s32 @!p1 $0x16180;
	_ =	swait.ge @!p1 [sflag:s12], $0x80  }
0x8b: {  	p2 =	seq.s32 s13, $0x0;
	s13 =	simm.s32 @!p1 $0x16080;
	[sflag:s12] =	ssyncset.done @!p1 $0x0  }
0x8c: {  	s8 =	smin.u32 s10, $0x4D;
	s10 =	simm.s32 @p2 $0x1;
	[sflag:s12] =	ssyncadd.s32 @!p1 $0xFFFFFF80  }
0x8d: {  	[tilespmem:s6], [sflag:$0x1] =	stream.indirect.gather @!p1 [hbm4b:s0+s11], $0x80, s13, s11, $0xb8;
	[tilespmem:$0x1DE80] =	vst v63  }
0x8e: {  	s11 =	sadd.s32 s8, s15;
	_ =	swait.ge @p2 [sflag:s10], $0x3E80  }
0x8f: {  	s8 =	simm.s32 @p2 $0x16080;
	s6 =	sshll.u32 s11, $0x4;
	[sflag:s10] =	ssyncset.done @p2 $0x0  }
0x90: {  	s6 =	sadd.s32 s5, s6;
	[sflag:s10] =	ssyncadd.s32 @p2 $0xFFFFC180;
	s10 =	simm.s32 @p2 $0x0  }
0x91: {  	[tilespmem:s8], [sflag:$0x5] =	stream.linear.gather @p2 [hbm4b:s6+s10], $0x80, $0x38;
	[tilespmem:$0x1DE80] =	vst v63  }
0x92: {  	s11 =	simm.s32 @p2 $0x4;
	s8 =	simm.s32 @p2 $0x7D;
	s10 =	simm.s32 @p2 $0x16180  }
0x93: {  	[spmem:s3] =	stream.indirect.scatter.add.f32 @p2 [tilespmem:s10], [sflag:$0x3], $0x80, s7, s8, $0xb8;
	[tilespmem:$0x1DE80] =	vst v63  }
0x94: {  	p1 =	por p2, p2;
	_ =	swait.ge @p2 [sflag:s11], $0x3E80  }
0x95: {  	[sflag:s11] =	ssyncset.done @p1 $0x0  }
0x96: {  	s10 =	simm.s32 @p1 $0x6;
	[sflag:s11] =	ssyncadd.s32 @p1 $0xFFFFC180  }
0x97: {  	_ =	swait.ge @p1 [sflag:s10], $0x80  }
0x98: {  	s12 =	simm.s32 @p1 $0x1A000;
	[sflag:s10] =	ssyncset.done @p1 $0x0  }
0x99: {  	s11 =	simm.s32 @!p1 $0x2;
	[sflag:s10] =	ssyncadd.s32 @p1 $0xFFFFFF80;
	s10 =	simm.s32 @p1 $0x16100  }
0x9a: {  	[tilespmem:s12], [sflag:$0x2] =	stream.indirect.gather @p1 [hbm4b:s0+s8], $0x80, s10, s8, $0xb8;
	[tilespmem:$0x1DE80] =	vst v63  }
0x9b: {  	_ =	swait.ge @!p1 [sflag:s11], $0x3E80  }
0x9c: {  	[sflag:s11] =	ssyncset.done @!p1 $0x0  }
0x9d: {  	s8 =	simm.s32 @!p1 $0x0;
	s10 =	simm.s32 @!p1 $0x16100;
	[sflag:s11] =	ssyncadd.s32 @!p1 $0xFFFFC180  }
0x9e: {  	[tilespmem:s10], [sflag:$0x6] =	stream.linear.gather @!p1 [hbm4b:s6+s8], $0x80, $0x38;
	[tilespmem:$0x1DE80] =	vst v63  }
0x9f: {  	s6 =	simm.s32 @!p1 $0x7D;
	s8 =	simm.s32 @!p1 $0x1A000;
	s10 =	simm.s32 @!p1 $0x3  }
0xa0: {  	[spmem:s3] =	stream.indirect.scatter.add.f32 @!p1 [tilespmem:s8], [sflag:$0x4], $0x80, s7, s6, $0xb8;
	[tilespmem:$0x1DE80] =	vst v63  }
0xa1: {  	_ =	swait.ge @!p1 [sflag:s10], $0x3E80  }
0xa2: {  	[sflag:s10] =	ssyncset.done @!p1 $0x0  }
0xa3: {  	s7 =	simm.s32 @!p1 $0x5;
	[sflag:s10] =	ssyncadd.s32 @!p1 $0xFFFFC180  }
0xa4: {  	_ =	swait.ge @!p1 [sflag:s7], $0x80  }
0xa5: {  	[sflag:s7] =	ssyncset.done @!p1 $0x0  }
0xa6: {  	s8 =	simm.s32 @!p1 $0x16180;
	s10 =	simm.s32 @!p1 $0x16080;
	[sflag:s7] =	ssyncadd.s32 @!p1 $0xFFFFFF80  }
0xa7: {  	[tilespmem:s8], [sflag:$0x1] =	stream.indirect.gather @!p1 [hbm4b:s0+s6], $0x80, s10, s6, $0xb8;
	[tilespmem:$0x1DE80] =	vst v63  }
0xa8: {  	_ =	swait.ge [sflag:s30], $0x3E80  }
0xa9: {  	[sflag:s30] =	ssyncset.done $0x0  }
0xaa: {  	s12 =	simm.s32 $0x16000;
	[sflag:s30] =	ssyncadd.s32 $0xFFFFC180  }
0xab: {  	[spmem:s3] =	stream.indirect.scatter.add.f32 [tilespmem:s26], [sflag:$0x4], $0x80, s12, s23, $0xb8;
	[tilespmem:$0x1DE80] =	vst v63  }
0xac: {  	_ =	swait.ge [sflag:s1], $0x3E80  }
0xad: {  	[sflag:s1] =	ssyncset.done $0x0  }
0xae: {  	[sflag:s1] =	ssyncadd.s32 $0xFFFFC180  }
0xaf: {  	_ =	swait.ge [sflag:s2], $0x3E80  }
0xb0: {  	[sflag:s2] =	ssyncset.done $0x0  }
0xb1: {  	[sflag:s2] =	ssyncadd.s32 $0xFFFFC180  }
0xb2: {  	_ =	swait.ge [sflag:s28], $0x80  }
0xb3: {  	[sflag:s28] =	ssyncset.done $0x0  }
0xb4: {  	s13 =	stileid.u32;
	[sflag:s28] =	ssyncadd.s32 $0xFFFFFF80  }
0xb5: {  	s6 =	sshll.u32 s13, $0x6;
	[bflag:$0x0] =	sbarrier.arrive $0xFFFF  }
0xb6: {  	s16 =	sshrl.u32 s9, $0x3;
	s6 =	sor.u32 $0x1C07, s6;
	s20 =	rddreg [dreg:$0xb]  }
0xb7: {  	[hbm:s20], [sflag:s6] =	dma.local [spmem:s16], $0x2700  }
0xb8: {  	_ =	swait.ge [sflag:s22], $0x2700  }
0xb9: {  	s31 =	sadd.s32 $0x1, s31;
	[sflag:s22] =	ssyncset.done $0x0  }
0xba: {  	s7 =	sshrl.u32 @!p0 s14, $0x3;
	p1 =	sne.s32 s31, s18;
	[sflag:s22] =	ssyncadd.s32 $0xFFFFD900  }
0xbb: {  	[hbm:s17], [sflag:s6] =	dma.local @!p0 [spmem:s7], $0x100  }
.Ltmp2:
0xbc: {  	_ = 	snop;
	(pc) =	sbr.rel @p1 .LBB2_1-.Ltmp2, $4  }
0xbd: {  	s6 =	simm.s32 @!p0 $0x7  }
0xbe: {  	_ =	swait.ge @!p0 [sflag:s6], $0x100  }
0xbf: {  	[sflag:s6] =	ssyncset.done @!p0 $0x0  }
0xc0: {  	s10 =	simm.s32 $0x13880;
	[sflag:s6] =	ssyncadd.s32 @!p0 $0xFFFFFF00  }
0xc1: {  	_ =	sfence.sel $0x180000  }
0xc2: {  	[bflag:$0x0] =	sbarrier.arrive $0xFFFF  }
0xc3: {  	_ =	strace $0x9000004D  }
0xc4: {  	s0 =	stileid.u32;
	[bflag:$0x2] =	sbarrier.arrive $0xFFFF  }
0xc5: {  	p0 =	sne.s32 s0, $0x0;
	s0 =	rddreg [dreg:$0x3]  }
0xc6: {  	s0 =	sadd.s32 @!p0 $0x100000, s0  }
0xc7: {  	[sflag:s0] =	ssyncadd.tile.s32 @!p0 $0x1;
	_ =	shalt  }
.Lfunc_end2:
_tile_overlayer_lowered:
.L_overlay_start_2:
0xc8: {  	(tag) =	ssettag $0x2  }
0xc9: {  	s0 =	rddreg [dreg:$0x0];
	s2 =	stileid.u32  }
0xca: {  	s1 =	rddreg [dreg:$0x1];
	p0 =	sne.s32 s2, $0x0  }
0xcb: {  	s3 =	rddreg [dreg:$0x2];
	[bflag:$0x3] =	sbarrier.arrive $0xFFFF;
	s2 =	simm.s32 @!p0 $0x1C07  }
0xcc: {  	[timem:s3], [sflag:s2] =	dma.local @!p0 [hbm:s0], s1  }
0xcd: {  	s0 =	simm.s32 @!p0 $0x7  }
0xce: {  	_ =	swait.ge @!p0 [sflag:s0], s1  }
0xcf: {  	s1 =	ssub.s32 @!p0 $0x0, s1;
	[sflag:s0] =	ssyncset.done @!p0 $0x0  }
0xd0: {  	[sflag:s0] =	ssyncadd.s32 @!p0 s1  }
0xd1: {  	[bflag:$0x3] =	sbarrier.arrive $0xFFFF  }
0xd2: {  	_ =	shalt  }

// kernel: kernel.8.cloned.1.call-start
scs
__scs_entry_jumppad:
0x0: {  	(pc) =	sbr.rel $0x88, $3  }
0x1: {  	(tag) =	ssettag $0x0;
	lr =	simm.s32 $0x1  }
0x2: {  	[smem:$0x3F94] =	sst lr;
	_ =	strace $0xD0000000  }
0x3: {  	_ = 	snop  }
0x4: {  	_ = 	snop  }
0x5: {  	_ = 	snop  }
0x6: {  	_ = 	snop  }
0x7: {  	_ = 	snop  }
__scs_overlays_trampoline_lowered:
0x8: {  	[smem:$0x3FA3] =	sst s0  }
0x9: {  	[smem:$0x3FA4] =	sst s1  }
0xa: {  	[smem:$0x3FA5] =	sst s2  }
0xb: {  	[smem:$0x3FA6] =	sst s3  }
0xc: {  	[smem:$0x3FA7] =	sst s4  }
0xd: {  	[smem:$0x3FA8] =	sst s5  }
0xe: {  	[smem:$0x3FA9] =	sst s6  }
0xf: {  	[smem:$0x3FAA] =	sst s7  }
0x10: {  	[smem:$0x3FAB] =	sst s8  }
0x11: {  	[smem:$0x3FAC] =	sst s9;
	s0 =	simm.s32 @!p0 $0x0  }
0x12: {  	s1 =	sld [smem:$0x3F92];
	s0 =	simm.s32 @p0 $0x1  }
0x13: {  	[smem:$0x3FAD] =	sst s0;
	s0 =	simm.s32 @!p1 $0x0  }
0x14: {  	s2 =	sld [smem:$0x3F91];
	s0 =	simm.s32 @p1 $0x1  }
0x15: {  	[smem:$0x3FAE] =	sst s0;
	s0 =	simm.s32 @!p2 $0x0  }
0x16: {  	s3 =	sld [smem:$0x3FDB];
	s0 =	simm.s32 @p2 $0x1  }
0x17: {  	s4 =	simm.s32 $0x1BF5;
	[smem:$0x3FB0] =	sst s0  }
0x18: {  	s0 =	sld [smem:$0x3F93];
	_ =	swait.ge [sflag:s4], $0x0  }
0x19: {  	s7 =	sld [smem:$0x3F94]  }
0x1a: {  	s8 =	sadd.s32 $0xFFFFE003, lr  }
0x1b: {  	s9 =	sadd.s32 $0xFFFFFEF7, lr;
	s5 =	simm.s32 $0xFFFFFFFF;
	p2 =	slt.u32 s8, $0xFFFFF086  }
0x1c: {  	p1 =	slt.u32 s9, $0xF7A;
	s5 =	simm.s32 @!p2 $0x0  }
0x1d: {  	s5 =	simm.s32 @p1 $0x1;
	p0 =	seq.s32 s7, s2  }
0x1e: {  	s7 =	smul.u32 @!p0 $0xF7A, s2;
	p2 =	seq.s32 @!p0 s5, $0x0  }
0x1f: {  	s9 =	smul.u32 $0xF7A, s1;
	s8 =	simm.s32 @!p0 $0x1BF5;
	p2 =	por !p2, p0  }
0x20: {  	[sflag:s8] =	ssyncset.s32 @!p0 $0xFFFFF086;
	s6 =	sadd.s32 @!p0 s3, s7;
	s7 =	simm.s32 @!p0 $0x108  }
0x21: {  	s3 =	sadd.s32 s3, s9;
	s6 =	sadd.s32 @!p0 $0x88, s6;
	s7 =	simm.s32 @p2 $0x1082  }
0x22: {  	[simem:s7], [sflag:s8] =	dma.local @!p0 [hbm:s6], $0xF7A  }
0x23: {  	s9 =	sor.u32 $0xD0000000, s2;
	s6 =	simm.s32 $0x108;
	_ =	swait.ge @!p0 [sflag:s8], $0x0  }
0x24: {  	s3 =	sadd.s32 $0x88, s3;
	s6 =	simm.s32 @!p1 $0x1082;
	[sflag:s4] =	ssyncset.s32 $0xFFFFF086  }
0x25: {  	[simem:s6], [sflag:s4] =	dma.local [hbm:s3], $0xF7A  }
0x26: {  	[smem:$0x3F94] =	sst s1;
	(tag) =	ssettag s2;
	_ =	strace s9  }
0x27: {  	s1 =	sld [smem:$0x3FA4]  }
0x28: {  	s2 =	sld [smem:$0x3FA5]  }
0x29: {  	s4 =	sld [smem:$0x3FA7]  }
0x2a: {  	p0 =	seq.s32 s5, $0x0;
	s5 =	sld [smem:$0x3FA8]  }
0x2b: {  	s6 =	sld [smem:$0x3FA9]  }
0x2c: {  	s7 =	sld [smem:$0x3FAA]  }
0x2d: {  	s3 =	simm.s32 $0x108;
	s8 =	sld [smem:$0x3FAB]  }
0x2e: {  	s3 =	simm.s32 @!p0 $0x1082;
	s9 =	sld [smem:$0x3FAC]  }
0x2f: {  	lr =	sadd.s32 s0, s3;
	s0 =	sld [smem:$0x3FA3]  }
0x30: {  	s3 =	sld [smem:$0x3FA6]  }
0x31: {  	[smem:$0x3FAF] =	sst s10  }
0x32: {  	s10 =	sld [smem:$0x3FAD];
	_ =	sdelay $0x3  }
0x33: {  	p0 =	seq.s32 s10, $0x1;
	s10 =	sld [smem:$0x3FAF];
	_ =	sdelay $0x3  }
0x34: {  	[smem:$0x3FAF] =	sst s10  }
0x35: {  	s10 =	sld [smem:$0x3FAE];
	_ =	sdelay $0x3  }
0x36: {  	p1 =	seq.s32 s10, $0x1;
	s10 =	sld [smem:$0x3FAF];
	_ =	sdelay $0x3  }
0x37: {  	[smem:$0x3FAF] =	sst s10  }
0x38: {  	s10 =	sld [smem:$0x3FB0]  }
0x39: {  	_ = 	snop;
	(pc) =	sbr.ind lr, $3  }
0x3a: {  	_ = 	snop  }
0x3b: {  	_ = 	snop  }
0x3c: {  	p2 =	seq.s32 s10, $0x1;
	s10 =	sld [smem:$0x3FAF]  }
0x3d: {  	_ =	shalt  }
0x3e: {  	_ =	shalt  }
0x3f: {  	_ =	shalt  }
0x40: {  	_ =	shalt  }
0x41: {  	_ =	shalt  }
0x42: {  	_ =	shalt  }
0x43: {  	_ =	shalt  }
0x44: {  	_ =	shalt  }
0x45: {  	_ =	shalt  }
0x46: {  	_ =	shalt  }
0x47: {  	_ =	shalt  }
0x48: {  	_ =	shalt  }
0x49: {  	_ =	shalt  }
0x4a: {  	_ =	shalt  }
0x4b: {  	_ =	shalt  }
0x4c: {  	_ =	shalt  }
0x4d: {  	_ =	shalt  }
0x4e: {  	_ =	shalt  }
0x4f: {  	_ =	shalt  }
0x50: {  	_ =	shalt  }
0x51: {  	_ =	shalt  }
0x52: {  	_ =	shalt  }
0x53: {  	_ =	shalt  }
0x54: {  	_ =	shalt  }
0x55: {  	_ =	shalt  }
0x56: {  	_ =	shalt  }
0x57: {  	_ =	shalt  }
0x58: {  	_ =	shalt  }
0x59: {  	_ =	shalt  }
0x5a: {  	_ =	shalt  }
0x5b: {  	_ =	shalt  }
0x5c: {  	_ =	shalt  }
0x5d: {  	_ =	shalt  }
0x5e: {  	_ =	shalt  }
0x5f: {  	_ =	shalt  }
0x60: {  	_ =	shalt  }
0x61: {  	_ =	shalt  }
0x62: {  	_ =	shalt  }
0x63: {  	_ =	shalt  }
0x64: {  	_ =	shalt  }
0x65: {  	_ =	shalt  }
0x66: {  	_ =	shalt  }
0x67: {  	_ =	shalt  }
0x68: {  	_ =	shalt  }
0x69: {  	_ =	shalt  }
0x6a: {  	_ =	shalt  }
0x6b: {  	_ =	shalt  }
0x6c: {  	_ =	shalt  }
0x6d: {  	_ =	shalt  }
0x6e: {  	_ =	shalt  }
0x6f: {  	_ =	shalt  }
0x70: {  	_ =	shalt  }
0x71: {  	_ =	shalt  }
0x72: {  	_ =	shalt  }
0x73: {  	_ =	shalt  }
0x74: {  	_ =	shalt  }
0x75: {  	_ =	shalt  }
0x76: {  	_ =	shalt  }
0x77: {  	_ =	shalt  }
0x78: {  	_ =	shalt  }
0x79: {  	_ =	shalt  }
0x7a: {  	_ =	shalt  }
0x7b: {  	_ =	shalt  }
0x7c: {  	_ =	shalt  }
0x7d: {  	_ =	shalt  }
0x7e: {  	_ =	shalt  }
0x7f: {  	_ =	shalt  }
0x80: {  	_ =	shalt  }
0x81: {  	_ =	shalt  }
0x82: {  	_ =	shalt  }
0x83: {  	_ =	shalt  }
0x84: {  	_ =	shalt  }
0x85: {  	_ =	shalt  }
0x86: {  	_ =	shalt  }
0x87: {  	_ =	shalt  }
.Lfunc_end0:
.L_simem_size_0:
called_computation_lowered:
.L_overlay_start_0:
0x88: {  	s2 =	sld [smem:$0x3FD9]  }
0x89: {  	s3 =	sld [smem:$0x3FFE];
	_ =	sdelay $0x1  }
0x8a: {  	s1 =	srdreg.scid  }
0x8b: {  	s0 =	sand.u32 $0x1, s1  }
0x8c: {  	s17 =	sshll.u32 s0, $0xA;
	s2 =	sadd.s32 s3, s2  }
0x8d: {  	s2 =	sadd.s32 s2, s17  }
0x8e: {  	[smem:$0x3FBB] =	sst s2  }
0x8f: {  	_ = 	snop  }
0x90: {  	s2 =	sld [smem:$0x3FC9]  }
0x91: {  	s18 =	sld [smem:$0x3FD0];
	(tm) =	ssettm $0x1  }
0x92: {  	s4 =	sld [smem:$0x3FFB];
	_ =	sdelay $0x3  }
0x93: {  	_ =	strace s4  }
0x94: {  	s4 =	sld [smem:$0x3FFC];
	_ =	sdelay $0x3  }
0x95: {  	_ =	strace s4  }
0x96: {  	s4 =	sld [smem:$0x3FFD];
	_ =	sdelay $0x3  }
0x97: {  	_ =	strace s4  }
0x98: {  	_ =	strace $0x8FFFFFFF  }
0x99: {  	s19 =	sld [smem:$0x3FDB];
	_ =	sdelay $0x1  }
0x9a: {  	s5 =	simm.s32 $_scs_section_size  }
0x9b: {  	s6 =	simm.s32 $_size__tile_overlayer_lowered;
	s7 =	simm.s32 $_tile_overlayer_lowered  }
0x9c: {  	s22 =	simm.s32 $0x1BFF;
	s21 =	sshll.u32 s7, $0x1;
	s4 =	sadd.s32 s5, s19  }
0x9d: {  	s8 =	simm.s32 $0x0;
	s20 =	sshll.u32 s6, $0x1;
	s6 =	sadd.s32 s21, s4  }
0x9e: {  	[timem:s8], [sflag:s22] =	dma.local [hbm:s6], s20  }
0x9f: {  	_ =	swait.ge [sflag:s22], s20  }
0xa0: {  	s5 =	ssub.s32 $0x0, s20;
	[sflag:s22] =	ssyncset.done $0x0  }
0xa1: {  	[sflag:s22] =	ssyncadd.s32 s5;
	_ =	sdelay $0x1  }
0xa2: {  	s23 =	simm.s32 $0x1B8B  }
0xa3: {  	_ =	swait.ge [sflag:s23], $0x1  }
0xa4: {  	[sflag:s23] =	ssyncset.done $0x0  }
0xa5: {  	s25 =	simm.s32 $0x1B8E;
	s24 =	sld [smem:$0x3FFE];
	[sflag:s23] =	ssyncadd.s32 $0xFFFFFFFF  }
0xa6: {  	s26 =	simm.s32 $execute0_lowered;
	[smem:$0x3FD2] =	sst s25  }
0xa7: {  	s6 =	sshll.u32 s26, $0x1;
	_ =	strace $0x80000046;
	[dreg:$0x1] =	wrdreg $0xFFFFFFFF  }
0xa8: {  	s28 =	simm.s32 $_size_execute0_lowered;
	s4 =	sadd.s32 s4, s6;
	[dreg:$0x0] =	wrdreg $0x0  }
0xa9: {  	s6 =	sshll.u32 s28, $0x1;
	[dreg:$0x2] =	wrdreg s4  }
0xaa: {  	[dreg:$0x3] =	wrdreg s6  }
0xab: {  	[dreg:$0x4] =	wrdreg $0xC0  }
0xac: {  	_ =	task [dreg:s8], $0x5FFFF  }
0xad: {  	[dreg:$0x1] =	wrdreg $0xFFFFFFFF  }
0xae: {  	[dreg:$0x0] =	wrdreg $0x60  }
0xaf: {  	[dreg:$0x2] =	wrdreg s2  }
0xb0: {  	[dreg:$0x3] =	wrdreg s24  }
0xb1: {  	[dreg:$0x4] =	wrdreg s18  }
0xb2: {  	[dreg:$0x5] =	wrdreg $0x0  }
0xb3: {  	[dreg:$0x6] =	wrdreg $0x1B0300  }
0xb4: {  	[dreg:$0x7] =	wrdreg $0x9  }
0xb5: {  	_ =	task.clear_ibuf [dreg:s8], $0x8FFFF;
	_ =	strace $0x90000046  }
0xb6: {  	s29 =	simm.s32 $0x9;
	_ =	strace $0x80000048  }
0xb7: {  	_ =	swait.ge [sflag:s29], $0x1  }
0xb8: {  	[sflag:s29] =	ssyncadd.s32 $0xFFFFFFFF  }
0xb9: {  	_ =	strace $0x90000048  }
0xba: {  	_ =	sfence  }
0xbb: {  	s30 =	sld [smem:$0x0];
	_ =	sdelay $0x2  }
0xbc: {  	s31 =	sshll.u32 s1, $0xD;
	s1 =	sshrl.u32 s1, $0x2  }
0xbd: {  	s3 =	sand.u32 $0x4000, s31;
	s1 =	sadd.s32 s1, s30  }
0xbe: {  	s0 =	sor.u32 s3, s0;
	s1 =	sshll.u32 s1, $0x11  }
0xbf: {  	s0 =	sor.u32 s1, s0  }
0xc0: {  	s0 =	sadd.s32 $0x8F2B, s0  }
0xc1: {  	[sflag:s0] =	ssyncadd.remote.s32 $0x1  }
0xc2: {  	_ =	sfence.sel $0xFFFF  }
0xc3: {  	[dreg:$0x0] =	wrdreg $0xFFFFFFFF;
	(pc) =	sbr.abs _section_cstart, $3  }
0xc4: {  	[dreg:$0x1] =	wrdreg $0xFFFFFFFF  }
0xc5: {  	_ =	task.clear_ibuf [dreg:s8], $0x2FFFF;
	_ =	strace $0x9FFFFFFF  }
0xc6: {  	(tm) =	ssettm $0x7FFFFFFF  }
0xc7: {  	_ =	shalt  }
tec
execute0_lowered:
.L_overlay_start_1:
0x0: {  	(tag) =	ssettag $0x1  }
0x1: {  	s1 =	rddreg [dreg:$0x0]  }
0x2: {  	s0 =	rddreg [dreg:$0x1]  }
0x3: {  	s4 =	rddreg [dreg:$0x2]  }
0x4: {  	s2 =	rddreg [dreg:$0x3]  }
0x5: {  	s3 =	rddreg [dreg:$0x4];
	s6 =	srdreg.scid  }
0x6: {  	s5 =	simm.s32 $0x0;
	s21 =	stileid.u32;
	s29 =	simm.s32 $0x8  }
0x7: {  	s30 =	simm.s32 $0x0;
	s7 =	sand.u32 $0x1, s6;
	[smem:$0x7FF] =	sst s5  }
0x8: {  	s11 =	sadd.s32 $0x18000, s0;
	s14 =	sadd.s32 $0xE200, s0;
	s20 =	smul.u32 $0x270, s21  }
0x9: {  	s23 =	smul.u32 $0x13800, s21;
	p0 =	sne.s32 s21, $0xF;
	s6 =	sshll.u32 s7, $0x4  }
0xa: {  	_ =	strace $0x80000047;
	s9 =	ssub.s32 $0x2, s7;
	s16 =	smul.u32 $0x138800, s7  }
0xb: {  	s7 =	smul.u32 $0x27100, s7;
	s8 =	sor.u32 s21, s6;
	s6 =	sadd.s32 $0x4400, s0  }
0xc: {  	s12 =	sshrl.u32 s9, $0x1;
	s18 =	sadd.s32 $0xF0, s20;
	s10 =	smul.u32 $0x4E2, s8  }
0xd: {  	s22 =	sadd.s32 $0x1E0, s20;
	s13 =	smul.u32 $0x2710, s8;
	s0 =	ssub.s32 s9, s12  }
0xe: {  	s8 =	smul.u32 $0x7D, s8;
	s12 =	sadd.s32 s23, s16;
	s16 =	sshrl.u32 s16, $0x3  }
0xf: {  	s25 =	sshll.u32 s18, $0x7;
	s9 =	sadd.s32 $0x230, s20;
	s12 =	sshrl.u32 s12, $0x3  }
0x10: {  	s0 =	smax.u32 s0, $0x1;
	s4 =	sadd.s32 s4, s10;
	s19 =	sshrl.u32 s13, $0x3  }
0x11: {  	s10 =	sadd.s32 s6, s10;
	s13 =	smul.u32 $0x2700, s21;
	s12 =	sadd.s32 s11, s12  }
0x12: {  	s11 =	sadd.s32 s11, s16;
	s16 =	sadd.s32 $0x140, s20;
	[dreg:$0x1c] =	wrdreg s0  }
0x13: {  	s28 =	sadd.s32 $0x2, s8;
	s8 =	sadd.s32 $0x138000, s2;
	[dreg:$0x6] =	wrdreg s4  }
0x14: {  	s21 =	simm.s32 $0x6;
	[dreg:$0x7] =	wrdreg s10;
	s4 =	sadd.s32 s6, s19  }
0x15: {  	s10 =	sadd.s32 s23, s2;
	[dreg:$0xa] =	wrdreg s12;
	s26 =	sshll.u32 s16, $0x7  }
0x16: {  	s4 =	sadd.s32 $0xA, s4;
	s19 =	sadd.s32 s13, s7;
	s7 =	sshrl.u32 s7, $0x3  }
0x17: {  	s31 =	sadd.s32 s26, s2;
	[dreg:$0x8] =	wrdreg s4;
	s4 =	sadd.s32 $0x50, s20  }
0x18: {  	s24 =	sshrl.u32 s19, $0x3;
	s7 =	sadd.s32 s14, s7;
	[dreg:$0xe] =	wrdreg s31  }
0x19: {  	s15 =	sshll.u32 s4, $0x7;
	s12 =	sadd.s32 s14, s24;
	s14 =	sadd.s32 $0x190, s20  }
0x1a: {  	s24 =	sshll.u32 s22, $0x7;
	s4 =	sshll.u32 s4, $0x4;
	s22 =	sshll.u32 s22, $0x4  }
0x1b: {  	s15 =	sadd.s32 s15, s2;
	[dreg:$0xb] =	wrdreg s12;
	s12 =	sadd.s32 s25, s2  }
0x1c: {  	s23 =	sshll.u32 s14, $0x7;
	s25 =	sadd.s32 s24, s2;
	[dreg:$0x9] =	wrdreg s15  }
0x1d: {  	s4 =	sadd.s32 s4, s3;
	s24 =	sadd.s32 $0x27000, s11;
	[dreg:$0xd] =	wrdreg s12  }
0x1e: {  	s11 =	simm.s32 $0x15F90;
	s15 =	sadd.s32 $0xA0, s20;
	[dreg:$0x10] =	wrdreg s25  }
0x1f: {  	s20 =	sshll.u32 s9, $0x7;
	[dreg:$0x12] =	wrdreg s4;
	s12 =	sshll.u32 s14, $0x4  }
0x20: {  	[dreg:$0x19] =	wrdreg s24;
	s25 =	smul.u32 $0xA, s28;
	s14 =	simm.s32 $0x50  }
0x21: {  	s24 =	simm.s32 $0x3;
	s17 =	sshll.u32 s15, $0x7;
	s26 =	sadd.s32 s20, s2  }
0x22: {  	s20 =	sadd.s32 s13, s3;
	s19 =	sadd.s32 s12, s3;
	[dreg:$0x11] =	wrdreg s26  }
0x23: {  	s31 =	sshll.u32 s15, $0x4;
	s17 =	sadd.s32 s17, s2;
	[dreg:$0x16] =	wrdreg s19  }
0x24: {  	s13 =	simm.s32 $0x9;
	s15 =	sadd.s32 s31, s3;
	[dreg:$0xc] =	wrdreg s17  }
0x25: {  	s12 =	simm.s32 $0x16030;
	s26 =	sadd.s32 $0x4920, s7;
	[dreg:$0x13] =	wrdreg s15  }
0x26: {  	s7 =	sadd.s32 $0x4E00, s7;
	s31 =	sadd.s32 s6, s25;
	[dreg:$0x1a] =	wrdreg s26  }
0x27: {  	s19 =	simm.s32 $0x5;
	s25 =	simm.s32 $0x7;
	[dreg:$0x1b] =	wrdreg s7  }
0x28: {  	s17 =	sadd.s32 s23, s2;
	s23 =	sshll.u32 s9, $0x4;
	[dreg:$0x1d] =	wrdreg s31  }
0x29: {  	s9 =	sadd.s32 $0x27000, s3;
	[dreg:$0xf] =	wrdreg s17;
	s17 =	sshll.u32 s18, $0x4  }
0x2a: {  	s7 =	simm.s32 $0x13880;
	s18 =	sshll.u32 s16, $0x4;
	s4 =	sadd.s32 s17, s3  }
0x2b: {  	s15 =	simm.s32 $0x15FE0;
	[dreg:$0x14] =	wrdreg s4;
	s4 =	sadd.s32 s18, s3  }
0x2c: {  	s26 =	simm.s32 $0x4;
	[dreg:$0x15] =	wrdreg s4;
	s4 =	sadd.s32 s22, s3  }
0x2d: {  	s17 =	simm.s32 $0x18830;
	[dreg:$0x17] =	wrdreg s4;
	s4 =	sadd.s32 s23, s3  }
0x2e: {  	v0 =	vimm.f32 $0.0e+00;
	v1 =	vimm.f32 $1.000000000e+00;
	s18 =	simm.s32 $0x1D740;
	s22 =	simm.s32 $0x1;
	[dreg:$0x18] =	wrdreg s4  }
.LBB2_1:
0x2f: {  	s0 =	rddreg [dreg:$0x6]  }
0x30: {  	[tilespmem:s7], [sflag:$0x5] =	stream.linear.gather [hbm4b:s0+s5], $0x2710, $0x38;
	[tilespmem:$0x1DC40] =	vst v63  }
0x31: {  	s23 =	rddreg [dreg:$0x7]  }
0x32: {  	[tilespmem:s11], [sflag:$0x9] =	stream.linear.gather [hbm4b:s23+s5], $0x50, $0x38;
	[tilespmem:$0x1DC40] =	vst v63  }
0x33: {  	_ =	swait.ge [sflag:s13], $0x50  }
0x34: {  	[sflag:s13] =	ssyncset.done $0x0  }
0x35: {  	[sflag:s13] =	ssyncadd.s32 $0xFFFFFFB0  }
0x36: {  	[tilespmem:s12], [sflag:$0x1] =	stream.indirect.gather [hbm4b:s1+s14], $0x80, s11, s14, $0xb8;
	[tilespmem:$0x1DC40] =	vst v63  }
0x37: {  	s4 =	simm.s32 $0x3C0;
	s0 =	simm.s32 $0x70;
	s31 =	rddreg [dreg:$0x8]  }
0x38: {  	[tilespmem:s15], [sflag:$0x6] =	stream.linear.gather [hbm4b:s31+s5], $0x50, $0x38;
	[tilespmem:$0x1DC40] =	vst v63  }
.LBB2_2:
0x39: {  	p1 =	sne.s32 s4, $0x9FC0;
	[tilespmem:s0+$0x18830] =	vst v0  }
0x3a: {  	[tilespmem:s0+$0x187C0] =	vst v0  }
0x3b: {  	[tilespmem:s0+$0x187D0] =	vst v0  }
.Ltmp0:
0x3c: {  	[tilespmem:s0+$0x187E0] =	vst v0;
	(pc) =	sbr.rel @p1 .LBB2_2-.Ltmp0, $4  }
0x3d: {  	[tilespmem:s0+$0x187F0] =	vst v0  }
0x3e: {  	[tilespmem:s0+$0x18800] =	vst v0  }
0x3f: {  	[tilespmem:s0+$0x18810] =	vst v0  }
0x40: {  	[tilespmem:s0+$0x18820] =	vst v0;
	s0 =	sshra.s32 s4, $0x2;
	s4 =	sadd.s32 $0x200, s4  }
0x41: {  	[tilespmem:s0+$0x18830] =	vst v0  }
0x42: {  	[tilespmem:s0+$0x187C0] =	vst v0  }
0x43: {  	[tilespmem:s0+$0x187D0] =	vst v0  }
0x44: {  	[tilespmem:s0+$0x187E0] =	vst v0  }
0x45: {  	[tilespmem:s0+$0x187F0] =	vst v0  }
0x46: {  	[tilespmem:s0+$0x18800] =	vst v0  }
0x47: {  	[tilespmem:s0+$0x18810] =	vst v0  }
0x48: {  	[tilespmem:s0+$0x18820] =	vst v0  }
0x49: {  	[spmem:s10] =	stream.linear.scatter [tilespmem:s17], [sflag:$0x9], $0x2800, $0x38;
	[tilespmem:$0x1DC40] =	vst v63  }
0x4a: {  	_ =	swait.ge [sflag:s13], $0x2800  }
0x4b: {  	[sflag:s13] =	ssyncset.done $0x0  }
0x4c: {  	s16 =	rddreg [dreg:$0x9];
	[sflag:s13] =	ssyncadd.s32 $0xFFFFD800  }
0x4d: {  	[spmem:s16] =	stream.linear.scatter [tilespmem:s17], [sflag:$0x9], $0x2800, $0x38;
	[tilespmem:$0x1DC40] =	vst v63  }
0x4e: {  	_ =	swait.ge [sflag:s13], $0x2800  }
0x4f: {  	[sflag:s13] =	ssyncset.done $0x0  }
0x50: {  	s23 =	rddreg [dreg:$0xc];
	[sflag:s13] =	ssyncadd.s32 $0xFFFFD800  }
0x51: {  	[spmem:s23] =	stream.linear.scatter [tilespmem:s17], [sflag:$0x9], $0x2800, $0x38;
	[tilespmem:$0x1DC40] =	vst v63  }
0x52: {  	_ =	swait.ge [sflag:s13], $0x2800  }
0x53: {  	[sflag:s13] =	ssyncset.done $0x0  }
0x54: {  	s31 =	rddreg [dreg:$0xd];
	[sflag:s13] =	ssyncadd.s32 $0xFFFFD800  }
0x55: {  	[spmem:s31] =	stream.linear.scatter [tilespmem:s17], [sflag:$0x9], $0x2800, $0x38;
	[tilespmem:$0x1DC40] =	vst v63  }
0x56: {  	_ =	swait.ge [sflag:s13], $0x2800  }
0x57: {  	[sflag:s13] =	ssyncset.done $0x0  }
0x58: {  	s4 =	rddreg [dreg:$0xe];
	[sflag:s13] =	ssyncadd.s32 $0xFFFFD800  }
0x59: {  	[spmem:s4] =	stream.linear.scatter [tilespmem:s17], [sflag:$0x9], $0x2800, $0x38;
	[tilespmem:$0x1DC40] =	vst v63  }
0x5a: {  	_ =	swait.ge [sflag:s13], $0x2800  }
0x5b: {  	[sflag:s13] =	ssyncset.done $0x0  }
0x5c: {  	s16 =	rddreg [dreg:$0xf];
	[sflag:s13] =	ssyncadd.s32 $0xFFFFD800  }
0x5d: {  	[spmem:s16] =	stream.linear.scatter [tilespmem:s17], [sflag:$0x9], $0x2800, $0x38;
	[tilespmem:$0x1DC40] =	vst v63  }
0x5e: {  	_ =	swait.ge [sflag:s13], $0x2800  }
0x5f: {  	[sflag:s13] =	ssyncset.done $0x0  }
0x60: {  	s23 =	rddreg [dreg:$0x10];
	[sflag:s13] =	ssyncadd.s32 $0xFFFFD800  }
0x61: {  	[spmem:s23] =	stream.linear.scatter [tilespmem:s17], [sflag:$0x9], $0x2800, $0x38;
	[tilespmem:$0x1DC40] =	vst v63  }
0x62: {  	_ =	swait.ge [sflag:s13], $0x2800  }
0x63: {  	[sflag:s13] =	ssyncset.done $0x0  }
0x64: {  	s31 =	rddreg [dreg:$0x11];
	[sflag:s13] =	ssyncadd.s32 $0xFFFFD800  }
0x65: {  	[spmem:s31] =	stream.linear.scatter [tilespmem:s17], [sflag:$0x9], $0x2000, $0x38;
	[tilespmem:$0x1DC40] =	vst v63  }
0x66: {  	_ =	swait.ge [sflag:s13], $0x2000  }
0x67: {  	[sflag:s13] =	ssyncset.done $0x0  }
0x68: {  	s0 =	simm.s32 @!p0 $0x18830;
	[sflag:s13] =	ssyncadd.s32 $0xFFFFE000  }
0x69: {  	[spmem:s8] =	stream.linear.scatter @!p0 [tilespmem:s0], [sflag:$0x9], $0x800, $0x38;
	[tilespmem:$0x1DC40] =	vst v63  }
0x6a: {  	s0 =	simm.s32 @!p0 $0x9  }
0x6b: {  	_ =	swait.ge @!p0 [sflag:s0], $0x800  }
0x6c: {  	[sflag:s0] =	ssyncset.done @!p0 $0x0  }
0x6d: {  	s4 =	simm.s32 $0x0;
	[sflag:s0] =	ssyncadd.s32 @!p0 $0xFFFFF800;
	s0 =	simm.s32 $0x40  }
.LBB2_4:
0x6e: {  	p1 =	sne.s32 s0, $0x13C0;
	[tilespmem:s4+$0x1D740] =	vst v0;
	s4 =	smov.u32 s0;
	s0 =	sadd.s32 $0x40, s0  }
.Ltmp1:
0x6f: {  	(pc) =	sbr.rel @p1 .LBB2_4-.Ltmp1, $2  }
0x70: {  	_ =	sdelay $0x2  }
0x71: {  	s4 =	sshra.s32 s4, $0x2  }
0x72: {  	[tilespmem:s4+$0x1D740] =	vst v0  }
0x73: {  	[spmem:s20] =	stream.linear.scatter [tilespmem:s18], [sflag:$0x9], $0x500, $0x38;
	[tilespmem:$0x1DC40] =	vst v63  }
0x74: {  	_ =	swait.ge [sflag:s13], $0x500  }
0x75: {  	[sflag:s13] =	ssyncset.done $0x0  }
0x76: {  	s0 =	rddreg [dreg:$0x12];
	[sflag:s13] =	ssyncadd.s32 $0xFFFFFB00  }
0x77: {  	[spmem:s0] =	stream.linear.scatter [tilespmem:s18], [sflag:$0x9], $0x500, $0x38;
	[tilespmem:$0x1DC40] =	vst v63  }
0x78: {  	_ =	swait.ge [sflag:s13], $0x500  }
0x79: {  	[sflag:s13] =	ssyncset.done $0x0  }
0x7a: {  	s23 =	rddreg [dreg:$0x13];
	[sflag:s13] =	ssyncadd.s32 $0xFFFFFB00  }
0x7b: {  	[spmem:s23] =	stream.linear.scatter [tilespmem:s18], [sflag:$0x9], $0x500, $0x38;
	[tilespmem:$0x1DC40] =	vst v63  }
0x7c: {  	_ =	swait.ge [sflag:s13], $0x500  }
0x7d: {  	[sflag:s13] =	ssyncset.done $0x0  }
0x7e: {  	s31 =	rddreg [dreg:$0x14];
	[sflag:s13] =	ssyncadd.s32 $0xFFFFFB00  }
0x7f: {  	[spmem:s31] =	stream.linear.scatter [tilespmem:s18], [sflag:$0x9], $0x500, $0x38;
	[tilespmem:$0x1DC40] =	vst v63  }
0x80: {  	_ =	swait.ge [sflag:s13], $0x500  }
0x81: {  	[sflag:s13] =	ssyncset.done $0x0  }
0x82: {  	s4 =	rddreg [dreg:$0x15];
	[sflag:s13] =	ssyncadd.s32 $0xFFFFFB00  }
0x83: {  	[spmem:s4] =	stream.linear.scatter [tilespmem:s18], [sflag:$0x9], $0x500, $0x38;
	[tilespmem:$0x1DC40] =	vst v63  }
0x84: {  	_ =	swait.ge [sflag:s13], $0x500  }
0x85: {  	[sflag:s13] =	ssyncset.done $0x0  }
0x86: {  	s16 =	rddreg [dreg:$0x16];
	[sflag:s13] =	ssyncadd.s32 $0xFFFFFB00  }
0x87: {  	[spmem:s16] =	stream.linear.scatter [tilespmem:s18], [sflag:$0x9], $0x500, $0x38;
	[tilespmem:$0x1DC40] =	vst v63  }
0x88: {  	_ =	swait.ge [sflag:s13], $0x500  }
0x89: {  	[sflag:s13] =	ssyncset.done $0x0  }
0x8a: {  	s23 =	rddreg [dreg:$0x17];
	[sflag:s13] =	ssyncadd.s32 $0xFFFFFB00  }
0x8b: {  	[spmem:s23] =	stream.linear.scatter [tilespmem:s18], [sflag:$0x9], $0x500, $0x38;
	[tilespmem:$0x1DC40] =	vst v63  }
0x8c: {  	_ =	swait.ge [sflag:s13], $0x500  }
0x8d: {  	[sflag:s13] =	ssyncset.done $0x0  }
0x8e: {  	s31 =	rddreg [dreg:$0x18];
	[sflag:s13] =	ssyncadd.s32 $0xFFFFFB00  }
0x8f: {  	[spmem:s31] =	stream.linear.scatter [tilespmem:s18], [sflag:$0x9], $0x400, $0x38;
	[tilespmem:$0x1DC40] =	vst v63  }
0x90: {  	_ =	swait.ge [sflag:s13], $0x400  }
0x91: {  	[sflag:s13] =	ssyncset.done $0x0  }
0x92: {  	s0 =	simm.s32 @!p0 $0x1D740;
	[sflag:s13] =	ssyncadd.s32 $0xFFFFFC00  }
0x93: {  	[spmem:s9] =	stream.linear.scatter @!p0 [tilespmem:s0], [sflag:$0x9], $0x100, $0x38;
	[tilespmem:$0x1DC40] =	vst v63  }
0x94: {  	s0 =	simm.s32 @!p0 $0x9  }
0x95: {  	_ =	swait.ge @!p0 [sflag:s0], $0x100  }
0x96: {  	[sflag:s0] =	ssyncset.done @!p0 $0x0  }
0x97: {  	s4 =	simm.s32 $0x0;
	[sflag:s0] =	ssyncadd.s32 @!p0 $0xFFFFFF00;
	s0 =	simm.s32 $0x40  }
.LBB2_6:
0x98: {  	p1 =	sne.s32 s0, $0x13C0;
	[tilespmem:s4+$0x1D740] =	vst v1;
	s4 =	smov.u32 s0;
	s0 =	sadd.s32 $0x40, s0  }
.Ltmp2:
0x99: {  	(pc) =	sbr.rel @p1 .LBB2_6-.Ltmp2, $2  }
0x9a: {  	_ =	sdelay $0x2  }
0x9b: {  	s4 =	sshra.s32 s4, $0x2  }
0x9c: {  	[tilespmem:s4+$0x1D740] =	vst v1  }
0x9d: {  	_ =	swait.ge [sflag:s19], $0x2710  }
0x9e: {  	[sflag:s19] =	ssyncset.done $0x0  }
0x9f: {  	[sflag:s19] =	ssyncadd.s32 $0xFFFFD8F0  }
0xa0: {  	s0 =	simm.s32 $0x1;
	[bflag:$0x0] =	sbarrier.arrive $0xFFFF  }
0xa1: {  	_ =	swait.ge [sflag:s0], $0x2800  }
0xa2: {  	[sflag:s0] =	ssyncset.done $0x0  }
0xa3: {  	s23 =	rddreg [dreg:$0x1d];
	[sflag:s0] =	ssyncadd.s32 $0xFFFFD800  }
0xa4: {  	[tilespmem:s11], [sflag:$0x5] =	stream.linear.gather [hbm4b:s23+s5], $0x50, $0x38;
	[tilespmem:$0x1DC40] =	vst v63  }
0xa5: {  	_ = 	snop  }
0xa6: {  	[spmem:s2] =	stream.indirect.scatter.add.f32 [tilespmem:s12], [sflag:$0x3], $0x80, s7, s14, $0xb8;
	[tilespmem:$0x1DC40] =	vst v63  }
0xa7: {  	_ = 	snop  }
0xa8: {  	[spmem:s3] =	stream.indirect.scatter.add.f32 [tilespmem:s18], [sflag:$0x7], $0x10, s7, s14, $0xb8;
	[tilespmem:$0x1DC40] =	vst v63  }
0xa9: {  	s12 =	sand.u32 $0x1, s0;
	_ =	swait.ge [sflag:s21], $0x50  }
0xaa: {  	s0 =	smin.u32 s0, $0x7A;
	p2 =	seq.s32 s12, $0x0;
	[sflag:s21] =	ssyncset.done $0x0  }
0xab: {  	s0 =	sadd.s32 s0, s28;
	s4 =	simm.s32 @p2 $0x1;
	[sflag:s21] =	ssyncadd.s32 $0xFFFFFFB0  }
0xac: {  	[tilespmem:s17], [sflag:$0x2] =	stream.indirect.gather [hbm4b:s1+s14], $0x80, s15, s14, $0xb8;
	[tilespmem:$0x1DC40] =	vst v63  }
0xad: {  	s0 =	smul.u32 $0xA, s0;
	_ =	swait.ge @p2 [sflag:s4], $0x2800  }
0xae: {  	p1 =	por p2, p2;
	s7 =	simm.s32 @p2 $0x0;
	[sflag:s4] =	ssyncset.done @p2 $0x0  }
0xaf: {  	s0 =	sadd.s32 s6, s0;
	[sflag:s4] =	ssyncadd.s32 @p1 $0xFFFFD800;
	s4 =	simm.s32 @p1 $0x15F90  }
0xb0: {  	[tilespmem:s4], [sflag:$0x5] =	stream.linear.gather @p1 [hbm4b:s0+s7], $0x50, $0x38;
	[tilespmem:$0x1DC40] =	vst v63  }
0xb1: {  	s11 =	simm.s32 @p1 $0x16030;
	s4 =	simm.s32 $0x138D0;
	s7 =	simm.s32 @p1 $0x50  }
0xb2: {  	[spmem:s2] =	stream.indirect.scatter.add.f32 @p1 [tilespmem:s11], [sflag:$0x3], $0x80, s4, s7, $0xb8;
	[tilespmem:$0x1DC40] =	vst v63  }
0xb3: {  	s16 =	simm.s32 @p1 $0x4;
	s11 =	simm.s32 @p1 $0x1D740  }
0xb4: {  	[spmem:s3] =	stream.indirect.scatter.add.f32 @p1 [tilespmem:s11], [sflag:$0x7], $0x10, s4, s7, $0xb8;
	[tilespmem:$0x1DC40] =	vst v63  }
0xb5: {  	_ =	swait.ge @p1 [sflag:s16], $0x2800  }
0xb6: {  	[sflag:s16] =	ssyncset.done @p1 $0x0  }
0xb7: {  	s11 =	simm.s32 @p1 $0x8;
	[sflag:s16] =	ssyncadd.s32 @p1 $0xFFFFD800  }
0xb8: {  	_ =	swait.ge @p1 [sflag:s11], $0x500  }
0xb9: {  	[sflag:s11] =	ssyncset.done @p1 $0x0  }
0xba: {  	s16 =	simm.s32 @p1 $0x6;
	[sflag:s11] =	ssyncadd.s32 @p1 $0xFFFFFB00  }
0xbb: {  	_ =	swait.ge @p1 [sflag:s16], $0x50  }
0xbc: {  	s23 =	simm.s32 @p1 $0x15FE0;
	[sflag:s16] =	ssyncset.done @p1 $0x0  }
0xbd: {  	s31 =	simm.s32 @p1 $0x18830;
	s11 =	simm.s32 @!p1 $0x2;
	[sflag:s16] =	ssyncadd.s32 @p1 $0xFFFFFFB0  }
0xbe: {  	[tilespmem:s31], [sflag:$0x2] =	stream.indirect.gather @p1 [hbm4b:s1+s7], $0x80, s23, s7, $0xb8;
	[tilespmem:$0x1DC40] =	vst v63  }
0xbf: {  	_ =	swait.ge @!p1 [sflag:s11], $0x2800  }
0xc0: {  	[sflag:s11] =	ssyncset.done @!p1 $0x0  }
0xc1: {  	s16 =	simm.s32 @!p1 $0x15FE0;
	s7 =	simm.s32 @!p1 $0x0;
	[sflag:s11] =	ssyncadd.s32 @!p1 $0xFFFFD800  }
0xc2: {  	[tilespmem:s16], [sflag:$0x6] =	stream.linear.gather @!p1 [hbm4b:s0+s7], $0x50, $0x38;
	[tilespmem:$0x1DC40] =	vst v63  }
0xc3: {  	s7 =	simm.s32 @!p1 $0x50;
	s0 =	simm.s32 @!p1 $0x18830  }
0xc4: {  	[spmem:s2] =	stream.indirect.scatter.add.f32 @!p1 [tilespmem:s0], [sflag:$0x4], $0x80, s4, s7, $0xb8;
	[tilespmem:$0x1DC40] =	vst v63  }
0xc5: {  	s11 =	simm.s32 @!p1 $0x3;
	s0 =	simm.s32 @!p1 $0x1D740  }
0xc6: {  	[spmem:s3] =	stream.indirect.scatter.add.f32 @!p1 [tilespmem:s0], [sflag:$0x8], $0x10, s4, s7, $0xb8;
	[tilespmem:$0x1DC40] =	vst v63  }
0xc7: {  	_ =	swait.ge @!p1 [sflag:s11], $0x2800  }
0xc8: {  	s12 =	simm.s32 @!p1 $0x7;
	[sflag:s11] =	ssyncset.done @!p1 $0x0  }
0xc9: {  	s31 =	simm.s32 $0x13920;
	s23 =	simm.s32 @!p1 $0x16030;
	[sflag:s11] =	ssyncadd.s32 @!p1 $0xFFFFD800  }
0xca: {  	s16 =	simm.s32 @!p1 $0x5;
	s0 =	simm.s32 $0x2;
	_ =	swait.ge @!p1 [sflag:s12], $0x500  }
0xcb: {  	s4 =	simm.s32 $0x3;
	s15 =	sand.u32 $0x1, s0;
	[sflag:s12] =	ssyncset.done @!p1 $0x0  }
0xcc: {  	p3 =	seq.s32 s15, $0x0;
	s11 =	simm.s32 @!p1 $0x15F90;
	[sflag:s12] =	ssyncadd.s32 @!p1 $0xFFFFFB00  }
.LBB2_8:
0xcd: {  	s12 =	smin.u32 s0, $0x7A  }
0xce: {  	s15 =	simm.s32 @p3 $0x1;
	_ =	swait.ge @!p1 [sflag:s16], $0x50;
	s0 =	smov.u32 s4  }
0xcf: {  	s4 =	sadd.s32 $0x1, s4;
	s12 =	sadd.s32 s12, s28;
	[sflag:s16] =	ssyncset.done @!p1 $0x0  }
0xd0: {  	p2 =	sne.s32 s4, $0x7C;
	s12 =	smul.u32 $0xA, s12;
	[sflag:s16] =	ssyncadd.s32 @!p1 $0xFFFFFFB0  }
0xd1: {  	[tilespmem:s23], [sflag:$0x1] =	stream.indirect.gather @!p1 [hbm4b:s1+s7], $0x80, s11, s7, $0xb8;
	[tilespmem:$0x1DC40] =	vst v63  }
0xd2: {  	s11 =	simm.s32 @p3 $0x0;
	s7 =	sadd.s32 s6, s12;
	_ =	swait.ge @p3 [sflag:s15], $0x2800  }
0xd3: {  	p1 =	por p3, p3;
	[sflag:s15] =	ssyncset.done @p3 $0x0  }
0xd4: {  	s12 =	simm.s32 @p1 $0x15F90;
	[sflag:s15] =	ssyncadd.s32 @p1 $0xFFFFD800  }
0xd5: {  	[tilespmem:s12], [sflag:$0x5] =	stream.linear.gather @p1 [hbm4b:s7+s11], $0x50, $0x38;
	[tilespmem:$0x1DC40] =	vst v63  }
0xd6: {  	s11 =	simm.s32 @p1 $0x50;
	s12 =	simm.s32 @p1 $0x16030  }
0xd7: {  	[spmem:s2] =	stream.indirect.scatter.add.f32 @p1 [tilespmem:s12], [sflag:$0x3], $0x80, s31, s11, $0xb8;
	[tilespmem:$0x1DC40] =	vst v63  }
0xd8: {  	s15 =	simm.s32 @p1 $0x4;
	s12 =	simm.s32 @p1 $0x1D740  }
0xd9: {  	[spmem:s3] =	stream.indirect.scatter.add.f32 @p1 [tilespmem:s12], [sflag:$0x7], $0x10, s31, s11, $0xb8;
	[tilespmem:$0x1DC40] =	vst v63  }
0xda: {  	s12 =	simm.s32 @p1 $0x8;
	_ =	swait.ge @p1 [sflag:s15], $0x2800  }
0xdb: {  	[sflag:s15] =	ssyncset.done @p1 $0x0  }
0xdc: {  	[sflag:s15] =	ssyncadd.s32 @p1 $0xFFFFD800  }
0xdd: {  	s15 =	simm.s32 @p1 $0x6;
	_ =	swait.ge @p1 [sflag:s12], $0x500  }
0xde: {  	[sflag:s12] =	ssyncset.done @p1 $0x0  }
0xdf: {  	[sflag:s12] =	ssyncadd.s32 @p1 $0xFFFFFB00;
	s12 =	simm.s32 @!p1 $0x2  }
0xe0: {  	s16 =	simm.s32 @p1 $0x15FE0;
	s23 =	simm.s32 @p1 $0x18830;
	_ =	swait.ge @p1 [sflag:s15], $0x50  }
0xe1: {  	[sflag:s15] =	ssyncset.done @p1 $0x0  }
0xe2: {  	[sflag:s15] =	ssyncadd.s32 @p1 $0xFFFFFFB0  }
0xe3: {  	[tilespmem:s23], [sflag:$0x2] =	stream.indirect.gather @p1 [hbm4b:s1+s11], $0x80, s16, s11, $0xb8;
	[tilespmem:$0x1DC40] =	vst v63  }
0xe4: {  	s15 =	simm.s32 @!p1 $0x15FE0;
	s11 =	simm.s32 @!p1 $0x0;
	_ =	swait.ge @!p1 [sflag:s12], $0x2800  }
0xe5: {  	[sflag:s12] =	ssyncset.done @!p1 $0x0  }
0xe6: {  	[sflag:s12] =	ssyncadd.s32 @!p1 $0xFFFFD800  }
0xe7: {  	[tilespmem:s15], [sflag:$0x6] =	stream.linear.gather @!p1 [hbm4b:s7+s11], $0x50, $0x38;
	[tilespmem:$0x1DC40] =	vst v63  }
0xe8: {  	s7 =	simm.s32 @!p1 $0x50;
	s11 =	simm.s32 @!p1 $0x18830  }
0xe9: {  	[spmem:s2] =	stream.indirect.scatter.add.f32 @!p1 [tilespmem:s11], [sflag:$0x4], $0x80, s31, s7, $0xb8;
	[tilespmem:$0x1DC40] =	vst v63  }
0xea: {  	s12 =	simm.s32 @!p1 $0x3;
	s11 =	simm.s32 @!p1 $0x1D740  }
0xeb: {  	[spmem:s3] =	stream.indirect.scatter.add.f32 @!p1 [tilespmem:s11], [sflag:$0x8], $0x10, s31, s7, $0xb8;
	[tilespmem:$0x1DC40] =	vst v63  }
0xec: {  	s11 =	simm.s32 @!p1 $0x7;
	_ =	swait.ge @!p1 [sflag:s12], $0x2800  }
.Ltmp3:
0xed: {  	[sflag:s12] =	ssyncset.done @!p1 $0x0;
	(pc) =	sbr.rel @p2 .LBB2_8-.Ltmp3, $4  }
0xee: {  	[sflag:s12] =	ssyncadd.s32 @!p1 $0xFFFFD800  }
0xef: {  	s16 =	simm.s32 @!p1 $0x5;
	s31 =	sadd.s32 $0x50, s31;
	_ =	swait.ge @!p1 [sflag:s11], $0x500  }
0xf0: {  	s23 =	simm.s32 @!p1 $0x16030;
	s12 =	sand.u32 $0x1, s0;
	[sflag:s11] =	ssyncset.done @!p1 $0x0  }
0xf1: {  	p3 =	seq.s32 s12, $0x0;
	[sflag:s11] =	ssyncadd.s32 @!p1 $0xFFFFFB00;
	s11 =	simm.s32 @!p1 $0x15F90  }
0xf2: {  	_ =	swait.ge @!p1 [sflag:s16], $0x50  }
0xf3: {  	s0 =	smin.u32 s0, $0x7A;
	[sflag:s16] =	ssyncset.done @!p1 $0x0  }
0xf4: {  	s4 =	simm.s32 @p3 $0x1;
	s0 =	sadd.s32 s0, s28;
	[sflag:s16] =	ssyncadd.s32 @!p1 $0xFFFFFFB0  }
0xf5: {  	[tilespmem:s23], [sflag:$0x1] =	stream.indirect.gather @!p1 [hbm4b:s1+s7], $0x80, s11, s7, $0xb8;
	[tilespmem:$0x1DC40] =	vst v63  }
0xf6: {  	s0 =	smul.u32 $0xA, s0;
	_ =	swait.ge @p3 [sflag:s4], $0x2800  }
0xf7: {  	p1 =	por p3, p3;
	s7 =	simm.s32 @p3 $0x0;
	[sflag:s4] =	ssyncset.done @p3 $0x0  }
0xf8: {  	s0 =	sadd.s32 s6, s0;
	[sflag:s4] =	ssyncadd.s32 @p1 $0xFFFFD800;
	s4 =	simm.s32 @p1 $0x15F90  }
0xf9: {  	[tilespmem:s4], [sflag:$0x5] =	stream.linear.gather @p1 [hbm4b:s0+s7], $0x50, $0x38;
	[tilespmem:$0x1DC40] =	vst v63  }
0xfa: {  	s4 =	simm.s32 @p1 $0x50;
	s7 =	simm.s32 @p1 $0x16030  }
0xfb: {  	[spmem:s2] =	stream.indirect.scatter.add.f32 @p1 [tilespmem:s7], [sflag:$0x3], $0x80, s31, s4, $0xb8;
	[tilespmem:$0x1DC40] =	vst v63  }
0xfc: {  	s11 =	simm.s32 @p1 $0x4;
	s7 =	simm.s32 @p1 $0x1D740  }
0xfd: {  	[spmem:s3] =	stream.indirect.scatter.add.f32 @p1 [tilespmem:s7], [sflag:$0x7], $0x10, s31, s4, $0xb8;
	[tilespmem:$0x1DC40] =	vst v63  }
0xfe: {  	_ =	swait.ge @p1 [sflag:s11], $0x2800  }
0xff: {  	[sflag:s11] =	ssyncset.done @p1 $0x0  }
0x100: {  	s7 =	simm.s32 @p1 $0x8;
	[sflag:s11] =	ssyncadd.s32 @p1 $0xFFFFD800  }
0x101: {  	_ =	swait.ge @p1 [sflag:s7], $0x500  }
0x102: {  	[sflag:s7] =	ssyncset.done @p1 $0x0  }
0x103: {  	s11 =	simm.s32 @p1 $0x6;
	[sflag:s7] =	ssyncadd.s32 @p1 $0xFFFFFB00  }
0x104: {  	_ =	swait.ge @p1 [sflag:s11], $0x50  }
0x105: {  	[sflag:s11] =	ssyncset.done @p1 $0x0  }
0x106: {  	s7 =	simm.s32 @p1 $0x15FE0;
	[sflag:s11] =	ssyncadd.s32 @p1 $0xFFFFFFB0;
	s11 =	simm.s32 @p1 $0x18830  }
0x107: {  	[tilespmem:s11], [sflag:$0x2] =	stream.indirect.gather @p1 [hbm4b:s1+s4], $0x80, s7, s4, $0xb8;
	[tilespmem:$0x1DC40] =	vst v63  }
0x108: {  	s4 =	simm.s32 @!p1 $0x2  }
0x109: {  	_ =	swait.ge @!p1 [sflag:s4], $0x2800  }
0x10a: {  	[sflag:s4] =	ssyncset.done @!p1 $0x0  }
0x10b: {  	s7 =	simm.s32 @!p1 $0x0;
	[sflag:s4] =	ssyncadd.s32 @!p1 $0xFFFFD800;
	s4 =	simm.s32 @!p1 $0x15FE0  }
0x10c: {  	[tilespmem:s4], [sflag:$0x6] =	stream.linear.gather @!p1 [hbm4b:s0+s7], $0x50, $0x38;
	[tilespmem:$0x1DC40] =	vst v63  }
0x10d: {  	s0 =	simm.s32 @!p1 $0x50;
	s4 =	simm.s32 @!p1 $0x18830  }
0x10e: {  	[spmem:s2] =	stream.indirect.scatter.add.f32 @!p1 [tilespmem:s4], [sflag:$0x4], $0x80, s31, s0, $0xb8;
	[tilespmem:$0x1DC40] =	vst v63  }
0x10f: {  	s4 =	simm.s32 @!p1 $0x1D740  }
0x110: {  	[spmem:s3] =	stream.indirect.scatter.add.f32 @!p1 [tilespmem:s4], [sflag:$0x8], $0x10, s31, s0, $0xb8;
	[tilespmem:$0x1DC40] =	vst v63  }
0x111: {  	s4 =	simm.s32 @!p1 $0x3  }
0x112: {  	_ =	swait.ge @!p1 [sflag:s4], $0x2800  }
0x113: {  	[sflag:s4] =	ssyncset.done @!p1 $0x0  }
0x114: {  	s7 =	simm.s32 @!p1 $0x7;
	[sflag:s4] =	ssyncadd.s32 @!p1 $0xFFFFD800  }
0x115: {  	_ =	swait.ge @!p1 [sflag:s7], $0x500  }
0x116: {  	[sflag:s7] =	ssyncset.done @!p1 $0x0  }
0x117: {  	s4 =	simm.s32 @!p1 $0x5;
	[sflag:s7] =	ssyncadd.s32 @!p1 $0xFFFFFB00  }
0x118: {  	_ =	swait.ge @!p1 [sflag:s4], $0x50  }
0x119: {  	[sflag:s4] =	ssyncset.done @!p1 $0x0  }
0x11a: {  	s7 =	simm.s32 @!p1 $0x16030;
	[sflag:s4] =	ssyncadd.s32 @!p1 $0xFFFFFFB0;
	s4 =	simm.s32 @!p1 $0x15F90  }
0x11b: {  	[tilespmem:s7], [sflag:$0x1] =	stream.indirect.gather @!p1 [hbm4b:s1+s0], $0x80, s4, s0, $0xb8;
	[tilespmem:$0x1DC40] =	vst v63  }
0x11c: {  	_ =	swait.ge [sflag:s22], $0x2800  }
0x11d: {  	[sflag:s22] =	ssyncset.done $0x0  }
0x11e: {  	s12 =	simm.s32 $0x16030;
	s11 =	simm.s32 $0x15F40;
	[sflag:s22] =	ssyncadd.s32 $0xFFFFD800  }
0x11f: {  	[spmem:s2] =	stream.indirect.scatter.add.f32 [tilespmem:s12], [sflag:$0x3], $0x80, s11, s14, $0xb8;
	[tilespmem:$0x1DC40] =	vst v63  }
0x120: {  	_ = 	snop  }
0x121: {  	[spmem:s3] =	stream.indirect.scatter.add.f32 [tilespmem:s18], [sflag:$0x7], $0x10, s11, s14, $0xb8;
	[tilespmem:$0x1DC40] =	vst v63  }
0x122: {  	_ =	swait.ge [sflag:s24], $0x2800  }
0x123: {  	[sflag:s24] =	ssyncset.done $0x0  }
0x124: {  	[sflag:s24] =	ssyncadd.s32 $0xFFFFD800  }
0x125: {  	_ =	swait.ge [sflag:s25], $0x500  }
0x126: {  	[sflag:s25] =	ssyncset.done $0x0  }
0x127: {  	[sflag:s25] =	ssyncadd.s32 $0xFFFFFB00  }
0x128: {  	_ =	swait.ge [sflag:s26], $0x2800  }
0x129: {  	[sflag:s26] =	ssyncset.done $0x0  }
0x12a: {  	[sflag:s26] =	ssyncadd.s32 $0xFFFFD800  }
0x12b: {  	_ =	swait.ge [sflag:s29], $0x500  }
0x12c: {  	[sflag:s29] =	ssyncset.done $0x0  }
0x12d: {  	[sflag:s29] =	ssyncadd.s32 $0xFFFFFB00  }
0x12e: {  	_ =	swait.ge [sflag:s21], $0x50  }
0x12f: {  	[sflag:s21] =	ssyncset.done $0x0  }
0x130: {  	s15 =	stileid.u32;
	[sflag:s21] =	ssyncadd.s32 $0xFFFFFFB0  }
0x131: {  	s0 =	sshll.u32 s15, $0x6;
	[bflag:$0x0] =	sbarrier.arrive $0xFFFF  }
0x132: {  	s16 =	sshrl.u32 s10, $0x3;
	s0 =	sor.u32 $0x1C09, s0;
	s23 =	rddreg [dreg:$0xa]  }
0x133: {  	[hbm:s23], [sflag:s0] =	dma.local [spmem:s16], $0x2700  }
0x134: {  	_ =	swait.ge [sflag:s13], $0x2700  }
0x135: {  	[sflag:s13] =	ssyncset.done $0x0  }
0x136: {  	s4 =	sshrl.u32 @p0 s20, $0x3;
	s7 =	rddreg [dreg:$0xb];
	[sflag:s13] =	ssyncadd.s32 $0xFFFFD900  }
0x137: {  	[hbm:s7], [sflag:s0] =	dma.local @p0 [spmem:s4], $0x4E0  }
0x138: {  	s4 =	simm.s32 @p0 $0x9  }
0x139: {  	_ =	swait.ge @p0 [sflag:s4], $0x4E0  }
0x13a: {  	[sflag:s4] =	ssyncset.done @p0 $0x0  }
0x13b: {  	s7 =	rddreg [dreg:$0x19];
	[sflag:s4] =	ssyncadd.s32 @p0 $0xFFFFFB20;
	s4 =	sshrl.u32 @!p0 s8, $0x3  }
0x13c: {  	[hbm:s7], [sflag:s0] =	dma.local @!p0 [spmem:s4], $0x100  }
0x13d: {  	s4 =	simm.s32 @!p0 $0x9  }
0x13e: {  	_ =	swait.ge @!p0 [sflag:s4], $0x100  }
0x13f: {  	[sflag:s4] =	ssyncset.done @!p0 $0x0  }
0x140: {  	s7 =	sshrl.u32 @!p0 s20, $0x3;
	s11 =	rddreg [dreg:$0x1a];
	[sflag:s4] =	ssyncadd.s32 @!p0 $0xFFFFFF00  }
0x141: {  	[hbm:s11], [sflag:s0] =	dma.local @!p0 [spmem:s7], $0x4E0  }
0x142: {  	_ =	swait.ge @!p0 [sflag:s4], $0x4E0  }
0x143: {  	[sflag:s4] =	ssyncset.done @!p0 $0x0  }
0x144: {  	s7 =	sshrl.u32 @!p0 s9, $0x3;
	s11 =	rddreg [dreg:$0x1b];
	[sflag:s4] =	ssyncadd.s32 @!p0 $0xFFFFFB20  }
0x145: {  	[hbm:s11], [sflag:s0] =	dma.local @!p0 [spmem:s7], $0x20  }
0x146: {  	_ =	swait.ge @!p0 [sflag:s4], $0x20  }
0x147: {  	s30 =	sadd.s32 $0x1, s30;
	s31 =	rddreg [dreg:$0x1c]  }
0x148: {  	p1 =	sne.s32 s30, s31  }
.Ltmp4:
0x149: {  	_ = 	snop;
	(pc) =	sbr.rel @p1 .LBB2_1-.Ltmp4, $3  }
0x14a: {  	_ =	sdelay $0x1  }
0x14b: {  	s15 =	simm.s32 $0x15FE0;
	[sflag:s4] =	ssyncset.done @!p0 $0x0  }
0x14c: {  	s7 =	simm.s32 $0x13880;
	s11 =	simm.s32 $0x15F90;
	[sflag:s4] =	ssyncadd.s32 @!p0 $0xFFFFFFE0  }
0x14d: {  	_ =	sfence.sel $0x180000  }
0x14e: {  	[bflag:$0x0] =	sbarrier.arrive $0xFFFF  }
0x14f: {  	_ =	strace $0x90000047  }
0x150: {  	s0 =	stileid.u32;
	[bflag:$0x2] =	sbarrier.arrive $0xFFFF  }
0x151: {  	p0 =	sne.s32 s0, $0x0;
	s0 =	rddreg [dreg:$0x5]  }
0x152: {  	s0 =	sadd.s32 @!p0 $0x100000, s0  }
0x153: {  	[sflag:s0] =	ssyncadd.tile.s32 @!p0 $0x1;
	_ =	shalt  }
.Lfunc_end2:
_tile_overlayer_lowered:
.L_overlay_start_2:
0x154: {  	(tag) =	ssettag $0x2  }
0x155: {  	s0 =	rddreg [dreg:$0x0];
	s2 =	stileid.u32  }
0x156: {  	s1 =	rddreg [dreg:$0x1];
	p0 =	sne.s32 s2, $0x0  }
0x157: {  	s3 =	rddreg [dreg:$0x2];
	[bflag:$0x3] =	sbarrier.arrive $0xFFFF;
	s2 =	simm.s32 @!p0 $0x1C09  }
0x158: {  	[timem:s3], [sflag:s2] =	dma.local @!p0 [hbm:s0], s1  }
0x159: {  	s0 =	simm.s32 @!p0 $0x9  }
0x15a: {  	_ =	swait.ge @!p0 [sflag:s0], s1  }
0x15b: {  	s1 =	ssub.s32 @!p0 $0x0, s1;
	[sflag:s0] =	ssyncset.done @!p0 $0x0  }
0x15c: {  	[sflag:s0] =	ssyncadd.s32 @!p0 s1  }
0x15d: {  	[bflag:$0x3] =	sbarrier.arrive $0xFFFF  }
0x15e: {  	_ =	shalt  }

</sc_bundles>
